<compile_context>
chip_gen: v7x
topology: tpu7x:2x2x1
jax: 0.10.2.dev20260603
libtpu: 0.0.44.dev20260713+nightly
codegen_flags: <defaults>
</compile_context>

<pallas_src>
import functools
import jax
import jax.numpy as jnp
from jax import lax
from jax.experimental import pallas as pl
from jax.experimental.pallas import tpu as pltpu
from jax.experimental.pallas import tpu_sc as plsc

N = 10000
E = 320000
D = 128
H = 128
L = 16

NC = 2
NS = 16
NW = NC * NS
PT = E // NW
CH = 80
DW = 128
NCH = PT // CH
STRIPE = 632
LAST = N - STRIPE * (NS - 1)


def _sc_zero_stripe(sid, ref, zf_hbm, off):
  @pl.when(sid < NS - 1)
  def _():
    pltpu.sync_copy(zf_hbm, ref.at[pl.ds(off, STRIPE)])

  @pl.when(sid == NS - 1)
  def _():
    pltpu.sync_copy(zf_hbm.at[pl.ds(0, LAST)], ref.at[pl.ds(off, LAST)])


def _sc_write_stripe(sid, cid, ref, out, off):
  @pl.when(sid < NS - 1)
  def _():
    pltpu.sync_copy(ref.at[pl.ds(off, STRIPE)], out.at[cid, pl.ds(off, STRIPE)])

  @pl.when(sid == NS - 1)
  def _():
    pltpu.sync_copy(ref.at[pl.ds(off, LAST)], out.at[cid, pl.ds(off, LAST)])


@functools.lru_cache(None)
def _make_sc_aggregate(with_deg: bool):
  mesh = plsc.VectorSubcoreMesh(core_axis_name="c", subcore_axis_name="s")

  def body(x_hbm, ei_hbm, zf_hbm, ones_hbm, *rest):
    if with_deg:
      feat_out, deg_out = rest[0], rest[1]
      rest = rest[2:]
    else:
      feat_out = rest[0]
      rest = rest[1:]
    (acc, e0, e1, e2, e3, r0, r1, r2, r3,
     is0, is1, is2, is3, gs0, gs1, gs2, gs3, ss0, ss1, ss2, ss3) = rest
    ebuf = (e0, e1, e2, e3)
    rbuf = (r0, r1, r2, r3)
    isem = (is0, is1, is2, is3)
    gsem = (gs0, gs1, gs2, gs3)
    ssem = (ss0, ss1, ss2, ss3)
    cid = lax.axis_index("c")
    sid = lax.axis_index("s")
    w = cid * NS + sid
    off = pl.multiple_of(sid * STRIPE, 8)

    _sc_zero_stripe(sid, acc, zf_hbm, off)
    if with_deg:
      pltpu.async_copy(ones_hbm, r0, gs0).wait()
      plsc.subcore_barrier()

      def dfetch(j, s):
        pltpu.async_copy(ei_hbm.at[w, j], ebuf[s], isem[s])

      def dfetch_wait(s):
        pltpu.make_async_copy(ei_hbm.at[w, 0], ebuf[s], isem[s]).wait()

      def dscat(s):
        pltpu.async_copy(r0, acc.at[ebuf[s].at[1]], ssem[s], add=True)

      def dscat_wait(s):
        pltpu.make_async_copy(r0, acc.at[ebuf[s].at[1]], ssem[s]).wait()

      dfetch(0, 0)
      dfetch(1, 1)
      dfetch(2, 2)
      dfetch(3, 3)
      dfetch_wait(0)
      dscat(0)
      dfetch_wait(1)
      dscat(1)

      def dquad(i, carry):
        j0 = 4 * i + 2
        for t in range(4):
          j = j0 + t
          s = (2 + t) % 4
          nxt = (s + 2) % 4
          dscat_wait(nxt)
          dfetch(j + 2, nxt)
          dfetch_wait(s)
          dscat(s)
        return carry

      lax.fori_loop(0, (NCH - 5) // 4, dquad, 0)
      dscat_wait(0)
      dfetch(NCH - 1, 0)
      dfetch_wait(2)
      dscat(2)
      dscat_wait(1)
      dfetch_wait(3)
      dscat(3)
      dfetch_wait(0)
      dscat(0)
      dscat_wait(2)
      dscat_wait(3)
      dscat_wait(0)

      plsc.subcore_barrier()
      _sc_write_stripe(sid, cid, acc, deg_out, off)
      _sc_zero_stripe(sid, acc, zf_hbm, off)
    plsc.subcore_barrier()

    def fetch(j, s):
      pltpu.async_copy(ei_hbm.at[w, j], ebuf[s], isem[s])

    def fetch_wait(s):
      pltpu.make_async_copy(ei_hbm.at[w, 0], ebuf[s], isem[s]).wait()

    def gather(s):
      pltpu.async_copy(x_hbm.at[ebuf[s].at[0]], rbuf[s], gsem[s])

    def gather_wait(s):
      pltpu.make_async_copy(x_hbm.at[ebuf[s].at[0]], rbuf[s], gsem[s]).wait()

    def scat(s):
      pltpu.async_copy(rbuf[s], acc.at[ebuf[s].at[1]], ssem[s], add=True)

    def scat_wait(s):
      pltpu.make_async_copy(rbuf[s], acc.at[ebuf[s].at[1]], ssem[s]).wait()

    fetch(0, 0)
    fetch(1, 1)
    fetch_wait(0)
    gather(0)
    fetch_wait(1)
    gather(1)
    fetch(2, 2)
    fetch_wait(2)
    gather(2)
    gather_wait(0)
    scat(0)
    fetch(3, 3)
    fetch_wait(3)
    gather(3)
    gather_wait(1)
    scat(1)

    def quad(i, carry):
      j0 = 4 * i + 2
      for t in range(4):
        j = j0 + t
        s = (2 + t) % 4
        nxt = (s + 2) % 4
        scat_wait(nxt)
        fetch(j + 2, nxt)
        fetch_wait(nxt)
        gather(nxt)
        gather_wait(s)
        scat(s)
      return carry

    lax.fori_loop(0, (NCH - 5) // 4, quad, 0)

    scat_wait(0)
    fetch(NCH - 1, 0)
    fetch_wait(0)
    gather(0)
    gather_wait(2)
    scat(2)
    scat_wait(1)
    gather_wait(3)
    scat(3)
    gather_wait(0)
    scat(0)
    scat_wait(2)
    scat_wait(3)
    scat_wait(0)

    plsc.subcore_barrier()
    _sc_write_stripe(sid, cid, acc, feat_out, off)

  out_type = [jax.ShapeDtypeStruct((NC, N, D), jnp.float32)]
  if with_deg:
    out_type.append(jax.ShapeDtypeStruct((NC, N, DW), jnp.float32))
  return pl.kernel(
      body,
      out_type=tuple(out_type),
      mesh=mesh,
      scratch_types=(
          pltpu.VMEM_SHARED((N, D), jnp.float32),
          pltpu.VMEM((2, CH), jnp.int32),
          pltpu.VMEM((2, CH), jnp.int32),
          pltpu.VMEM((2, CH), jnp.int32),
          pltpu.VMEM((2, CH), jnp.int32),
          pltpu.VMEM((CH, D), jnp.float32),
          pltpu.VMEM((CH, D), jnp.float32),
          pltpu.VMEM((CH, D), jnp.float32),
          pltpu.VMEM((CH, D), jnp.float32),
      ) + (pltpu.SemaphoreType.DMA,) * 12)


BN = 1000
GRID = N // BN


def _bn_scale(stats_s, g_ref):
  m = stats_s[0:1, :] / N
  v = stats_s[1:2, :] / N - m * m
  return m, g_ref[...] / jnp.sqrt(v + 1.0)


def _tc_layer1_body(x_ref, p_ref, deg_ref, wdst_ref, wsrc_ref, wut_ref,
                    wub_ref, bdst_ref, bsrc_ref, bupd_ref, g_ref, b_ref,
                    x1_ref, recip_ref, pre_s, stats_s, recip_s):
  ph = pl.program_id(0)
  i = pl.program_id(1)

  @pl.when(ph == 0)
  def _():
    d = deg_ref[0, :, 0:1] + deg_ref[1, :, 0:1]
    r = 1.0 / jnp.maximum(d, 1.0)
    recip_s[pl.ds(i * BN, BN), :] = r
    mean = (p_ref[0] + p_ref[1]) * r
    h_dst = jnp.dot(x_ref[...], wdst_ref[...],
                    preferred_element_type=jnp.float32)
    h_src = jnp.dot(mean, wsrc_ref[...], preferred_element_type=jnp.float32)
    bias = (jnp.dot(bdst_ref[...], wut_ref[...],
                    preferred_element_type=jnp.float32)
            + jnp.dot(bsrc_ref[...], wub_ref[...],
                      preferred_element_type=jnp.float32)
            + bupd_ref[...])
    pre = (jnp.dot(h_dst, wut_ref[...], preferred_element_type=jnp.float32)
           + jnp.dot(h_src, wub_ref[...], preferred_element_type=jnp.float32)
           + bias)
    pre_s[pl.ds(i * BN, BN), :] = pre

    @pl.when(i == 0)
    def _():
      stats_s[...] = jnp.zeros_like(stats_s)

    stats_s[0:1, :] += jnp.sum(pre, axis=0, keepdims=True)
    stats_s[1:2, :] += jnp.sum(pre * pre, axis=0, keepdims=True)

  @pl.when(ph == 1)
  def _():
    m, scale = _bn_scale(stats_s, g_ref)
    y = (pre_s[pl.ds(i * BN, BN), :] - m) * scale + b_ref[...]
    x1_ref[...] = jnp.where(y >= 0, y, 0.01 * y)
    recip_ref[...] = recip_s[pl.ds(i * BN, BN), :]


def _tc_layer1(x, parts, degs, w_dst, w_src, w_upd, b_dst, b_src, b_upd,
               gamma, beta):
  return pl.pallas_call(
      _tc_layer1_body,
      grid=(2, GRID),
      in_specs=[
          pl.BlockSpec((BN, D), lambda p, i: (i * (1 - p), 0)),
          pl.BlockSpec((NC, BN, H), lambda p, i: (0, i * (1 - p), 0)),
          pl.BlockSpec((NC, BN, DW), lambda p, i: (0, i * (1 - p), 0)),
          pl.BlockSpec((D, H), lambda p, i: (0, 0)),
          pl.BlockSpec((H, H), lambda p, i: (0, 0)),
          pl.BlockSpec((H, H), lambda p, i: (0, 0)),
          pl.BlockSpec((H, H), lambda p, i: (0, 0)),
          pl.BlockSpec((1, H), lambda p, i: (0, 0)),
          pl.BlockSpec((1, H), lambda p, i: (0, 0)),
          pl.BlockSpec((1, H), lambda p, i: (0, 0)),
          pl.BlockSpec((1, H), lambda p, i: (0, 0)),
          pl.BlockSpec((1, H), lambda p, i: (0, 0)),
      ],
      out_specs=[
          pl.BlockSpec((BN, H), lambda p, i: (i * p, 0)),
          pl.BlockSpec((BN, 1), lambda p, i: (i * p, 0)),
      ],
      out_shape=[
          jax.ShapeDtypeStruct((N, H), jnp.float32),
          jax.ShapeDtypeStruct((N, 1), jnp.float32),
      ],
      scratch_shapes=[
          pltpu.VMEM((N, H), jnp.float32),
          pltpu.VMEM((8, H), jnp.float32),
          pltpu.VMEM((N, 1), jnp.float32),
      ],
  )(x, parts, degs, w_dst, w_src, w_upd[:H], w_upd[H:],
    b_dst.reshape(1, H), b_src.reshape(1, H), b_upd.reshape(1, H),
    gamma.reshape(1, H), beta.reshape(1, H))


def _tc_layer2_body(x_ref, p_ref, recip_ref, wdst_ref, wsrc_ref, wut_ref,
                    wub_ref, bdst_ref, bsrc_ref, bupd_ref, g_ref, b_ref,
                    wp_ref, bp_ref, out_ref, pre_s, stats_s):
  ph = pl.program_id(0)
  i = pl.program_id(1)

  @pl.when(ph == 0)
  def _():
    mean = (p_ref[0] + p_ref[1]) * recip_ref[...]
    h_dst = jnp.dot(x_ref[...], wdst_ref[...],
                    preferred_element_type=jnp.float32)
    h_src = jnp.dot(mean, wsrc_ref[...], preferred_element_type=jnp.float32)
    bias = (jnp.dot(bdst_ref[...], wut_ref[...],
                    preferred_element_type=jnp.float32)
            + jnp.dot(bsrc_ref[...], wub_ref[...],
                      preferred_element_type=jnp.float32)
            + bupd_ref[...])
    pre = (jnp.dot(h_dst, wut_ref[...], preferred_element_type=jnp.float32)
           + jnp.dot(h_src, wub_ref[...], preferred_element_type=jnp.float32)
           + bias)
    pre_s[pl.ds(i * BN, BN), :] = pre

    @pl.when(i == 0)
    def _():
      stats_s[...] = jnp.zeros_like(stats_s)

    stats_s[0:1, :] += jnp.sum(pre, axis=0, keepdims=True)
    stats_s[1:2, :] += jnp.sum(pre * pre, axis=0, keepdims=True)

  @pl.when(ph == 1)
  def _():
    m, scale = _bn_scale(stats_s, g_ref)
    y = (pre_s[pl.ds(i * BN, BN), :] - m) * scale + b_ref[...]
    y = jnp.where(y >= 0, y, 0.01 * y)
    out_ref[...] = (jnp.dot(y, wp_ref[...], preferred_element_type=jnp.float32)
                    + bp_ref[...])


def _tc_layer2(x, parts, recip, w_dst, w_src, w_upd, b_dst, b_src, b_upd,
               gamma, beta, w_post, b_post):
  return pl.pallas_call(
      _tc_layer2_body,
      grid=(2, GRID),
      in_specs=[
          pl.BlockSpec((BN, H), lambda p, i: (i * (1 - p), 0)),
          pl.BlockSpec((NC, BN, H), lambda p, i: (0, i * (1 - p), 0)),
          pl.BlockSpec((BN, 1), lambda p, i: (i * (1 - p), 0)),
          pl.BlockSpec((H, H), lambda p, i: (0, 0)),
          pl.BlockSpec((H, H), lambda p, i: (0, 0)),
          pl.BlockSpec((H, H), lambda p, i: (0, 0)),
          pl.BlockSpec((H, H), lambda p, i: (0, 0)),
          pl.BlockSpec((1, H), lambda p, i: (0, 0)),
          pl.BlockSpec((1, H), lambda p, i: (0, 0)),
          pl.BlockSpec((1, H), lambda p, i: (0, 0)),
          pl.BlockSpec((1, H), lambda p, i: (0, 0)),
          pl.BlockSpec((1, H), lambda p, i: (0, 0)),
          pl.BlockSpec((H, L), lambda p, i: (0, 0)),
          pl.BlockSpec((1, L), lambda p, i: (0, 0)),
      ],
      out_specs=pl.BlockSpec((BN, L), lambda p, i: (i * p, 0)),
      out_shape=jax.ShapeDtypeStruct((N, L), jnp.float32),
      scratch_shapes=[
          pltpu.VMEM((N, H), jnp.float32),
          pltpu.VMEM((8, H), jnp.float32),
      ],
  )(x, parts, recip, w_dst, w_src, w_upd[:H], w_upd[H:],
    b_dst.reshape(1, H), b_src.reshape(1, H), b_upd.reshape(1, H),
    gamma.reshape(1, H), beta.reshape(1, H), w_post, b_post.reshape(1, L))


@jax.jit
def kernel(node_feature, edge_index, W_src1, b_src1, W_dst1, b_dst1, W_upd1,
           b_upd1, W_src2, b_src2, W_dst2, b_dst2, W_upd2, b_upd2,
           gamma1, beta1, gamma2, beta2, W_post, b_post):
  ei = (edge_index.astype(jnp.int32)
        .reshape(2, NW, NCH, CH).transpose(1, 2, 0, 3))
  zf = jnp.zeros((STRIPE, D), jnp.float32)
  ones = jnp.ones((CH, D), jnp.float32)

  parts1, degs = jax.tree.leaves(
      _make_sc_aggregate(True)(node_feature, ei, zf, ones))
  x1, recip = _tc_layer1(node_feature, parts1, degs, W_dst1, W_src1, W_upd1,
                         b_dst1, b_src1, b_upd1, gamma1, beta1)
  (parts2,) = jax.tree.leaves(_make_sc_aggregate(False)(x1, ei, zf, ones))
  return _tc_layer2(x1, parts2, recip, W_dst2, W_src2, W_upd2,
                    b_dst2, b_src2, b_upd2, gamma2, beta2, W_post, b_post)

# --- scband reference (transcript-rebuilt; emitter-appended) ---
"""Pipeline reference for scband-hetero-gnn-24086176595968 (READ-ONLY COPY).

The authoritative reference and input builder live on the scoring server;
editing this copy changes nothing except your own understanding.
"""

import jax, jax.numpy as jnp
import numpy as np

N = 10000
E = 320000
D = 128
H = 128
L = 16


def setup_inputs(seed: int = 0) -> dict:
    key = jax.random.key(seed)
    ks = jax.random.split(key, 24)
    inp = {}
    inp['node_feature'] = jax.random.normal(ks[0], (N, D), dtype=jnp.float32)
    inp['edge_index'] = jax.random.randint(ks[1], (2, E), 0, N)
    s_d = 1.0 / np.sqrt(D)
    s_h = 1.0 / np.sqrt(H)
    s_2h = 1.0 / np.sqrt(2 * H)
    # layer 1 HeteroGNNConv (in=D for src and dst, out=H)
    inp['W_src1'] = jax.random.uniform(ks[2], (D, H), jnp.float32, -s_d, s_d)
    inp['b_src1'] = jnp.zeros((H,), jnp.float32)
    inp['W_dst1'] = jax.random.uniform(ks[3], (D, H), jnp.float32, -s_d, s_d)
    inp['b_dst1'] = jnp.zeros((H,), jnp.float32)
    inp['W_upd1'] = jax.random.uniform(ks[4], (2 * H, H), jnp.float32, -s_2h, s_2h)
    inp['b_upd1'] = jnp.zeros((H,), jnp.float32)
    # layer 2 HeteroGNNConv (in=H, out=H)
    inp['W_src2'] = jax.random.uniform(ks[5], (H, H), jnp.float32, -s_h, s_h)
    inp['b_src2'] = jnp.zeros((H,), jnp.float32)
    inp['W_dst2'] = jax.random.uniform(ks[6], (H, H), jnp.float32, -s_h, s_h)
    inp['b_dst2'] = jnp.zeros((H,), jnp.float32)
    inp['W_upd2'] = jax.random.uniform(ks[7], (2 * H, H), jnp.float32, -s_2h, s_2h)
    inp['b_upd2'] = jnp.zeros((H,), jnp.float32)
    # batch norms (training mode, eps=1.0)
    inp['gamma1'] = jnp.ones((H,), jnp.float32)
    inp['beta1'] = jnp.zeros((H,), jnp.float32)
    inp['gamma2'] = jnp.ones((H,), jnp.float32)
    inp['beta2'] = jnp.zeros((H,), jnp.float32)
    # post message-passing linear head
    inp['W_post'] = jax.random.uniform(ks[8], (H, L), jnp.float32, -s_h, s_h)
    inp['b_post'] = jnp.zeros((L,), jnp.float32)
    return inp


def _conv(x, src, dst, W_src, b_src, W_dst, b_dst, W_upd, b_upd):
    # HeteroGNNConv: mean-aggregate src features over incoming edges, then
    # lin_dst(x_dst) || lin_src(aggr) -> lin_update
    msg = jnp.take(x, src, axis=0)
    summed = jax.ops.segment_sum(msg, dst, num_segments=N)
    deg = jax.ops.segment_sum(jnp.ones((src.shape[0],), jnp.float32), dst, num_segments=N)
    mean_aggr = summed / jnp.maximum(deg, 1.0)[:, None]
    h_dst = x @ W_dst + b_dst
    h_src = mean_aggr @ W_src + b_src
    h = jnp.concatenate([h_dst, h_src], axis=-1)
    return h @ W_upd + b_upd


def _bn(x, gamma, beta):
    # BatchNorm1d in training mode with eps=1.0 (biased variance)
    m = jnp.mean(x, axis=0)
    v = jnp.var(x, axis=0)
    return gamma * (x - m) / jnp.sqrt(v + 1.0) + beta


def _leaky_relu(x):
    return jnp.where(x >= 0, x, 0.01 * x)


def reference(node_feature, edge_index, W_src1, b_src1, W_dst1, b_dst1, W_upd1, b_upd1,
              W_src2, b_src2, W_dst2, b_dst2, W_upd2, b_upd2,
              gamma1, beta1, gamma2, beta2, W_post, b_post):
    src = edge_index[0]
    dst = edge_index[1]
    x = _conv(node_feature, src, dst, W_src1, b_src1, W_dst1, b_dst1, W_upd1, b_upd1)
    x = _bn(x, gamma1, beta1)
    x = _leaky_relu(x)
    x = _conv(x, src, dst, W_src2, b_src2, W_dst2, b_dst2, W_upd2, b_upd2)
    x = _bn(x, gamma2, beta2)
    x = _leaky_relu(x)
    x = x @ W_post + b_post
    return x

if __name__ == "__main__":
    import jax
    _d = setup_inputs()
    print(jax.jit(kernel)(*tuple(_d.values())))

</pallas_src>

<mosaic_0001>
#map = affine_map<(d0, d1) -> (0, 0)>
#map1 = affine_map<(d0, d1) -> (0, 0, 0, 0)>
#map2 = affine_map<(d0, d1) -> (0, 0, 0)>
module attributes {stable_mosaic.version = 14 : i64} {
  func.func @body(%arg0: i32, %arg1: i32, %arg2: memref<10000x128xf32, #tpu.memory_space<hbm>>, %arg3: memref<32x125x2x80xi32, #tpu.memory_space<hbm>>, %arg4: memref<632x128xf32, #tpu.memory_space<hbm>>, %arg5: memref<80x128xf32, #tpu.memory_space<hbm>>, %arg6: memref<2x10000x128xf32, #tpu.memory_space<hbm>>, %arg7: memref<2x10000x128xf32, #tpu.memory_space<hbm>>, %arg8: memref<10000x128xf32, #tpu.memory_space<vmem_shared>>, %arg9: memref<2x80xi32, #tpu.memory_space<vmem>>, %arg10: memref<2x80xi32, #tpu.memory_space<vmem>>, %arg11: memref<2x80xi32, #tpu.memory_space<vmem>>, %arg12: memref<2x80xi32, #tpu.memory_space<vmem>>, %arg13: memref<80x128xf32, #tpu.memory_space<vmem>>, %arg14: memref<80x128xf32, #tpu.memory_space<vmem>>, %arg15: memref<80x128xf32, #tpu.memory_space<vmem>>, %arg16: memref<80x128xf32, #tpu.memory_space<vmem>>, %arg17: memref<!tpu.dma_semaphore, #tpu.memory_space<semaphore_mem>>, %arg18: memref<!tpu.dma_semaphore, #tpu.memory_space<semaphore_mem>>, %arg19: memref<!tpu.dma_semaphore, #tpu.memory_space<semaphore_mem>>, %arg20: memref<!tpu.dma_semaphore, #tpu.memory_space<semaphore_mem>>, %arg21: memref<!tpu.dma_semaphore, #tpu.memory_space<semaphore_mem>>, %arg22: memref<!tpu.dma_semaphore, #tpu.memory_space<semaphore_mem>>, %arg23: memref<!tpu.dma_semaphore, #tpu.memory_space<semaphore_mem>>, %arg24: memref<!tpu.dma_semaphore, #tpu.memory_space<semaphore_mem>>, %arg25: memref<!tpu.dma_semaphore, #tpu.memory_space<semaphore_mem>>, %arg26: memref<!tpu.dma_semaphore, #tpu.memory_space<semaphore_mem>>, %arg27: memref<!tpu.dma_semaphore, #tpu.memory_space<semaphore_mem>>, %arg28: memref<!tpu.dma_semaphore, #tpu.memory_space<semaphore_mem>>) attributes {dimension_semantics = [#tpu.dimension_semantics<core_parallel>, #tpu.dimension_semantics<subcore_parallel>], iteration_bounds = array<i64: 2, 16>, scalar_prefetch = 0 : i64, scratch_operands = 21 : i64, tpu.core_type = #tpu.core_type<sc_vector_subcore>, window_params = [{transform_indices = #map}, {transform_indices = #map1}, {transform_indices = #map}, {transform_indices = #map}, {transform_indices = #map2}, {transform_indices = #map2}]} {
    %mul3A = arith.constant 16 : i32
    %mul3A_0 = arith.muli %arg0, %mul3A : i32
    %add3A = arith.addi %mul3A_0, %arg1 : i32
    %mul3A_1 = arith.constant 632 : i32
    %mul3A_2 = arith.muli %arg1, %mul3A_1 : i32
    %multiple_of3A = tpu.assume_multiple %mul3A_2, 8 : i32
    %lt3A = arith.constant 15 : i32
    %lt3A_3 = arith.cmpi slt, %arg1, %lt3A : i32
    %convert_element_type3A = arith.extui %lt3A_3 : i1 to i32
    %cond3A = arith.constant 0 : i32
    %cond3A_4 = arith.cmpi ne, %convert_element_type3A, %cond3A : i32
    scf.if %cond3A_4 {
      "tpu.region"() ({
        %run_scoped3A = tpu.sem_alloc : memref<!tpu.dma_semaphore, #tpu.memory_space<semaphore_mem>>
        %dma_start3A_441 = arith.constant 0 : i32
        %dma_start3A_442 = tpu.memref_slice %arg8[%multiple_of3A, %dma_start3A_441] : memref<10000x128xf32, #tpu.memory_space<vmem_shared>> -> memref<632x128xf32, #tpu.memory_space<vmem_shared>>
        tpu.enqueue_dma source(%arg4 : memref<632x128xf32, #tpu.memory_space<hbm>>) target(%dma_start3A_442 : memref<632x128xf32, #tpu.memory_space<vmem_shared>>) target_semaphore(%run_scoped3A : memref<!tpu.dma_semaphore, #tpu.memory_space<semaphore_mem>>)
        %dma_wait3A_443 = arith.constant 0 : i32
        %dma_wait3A_444 = tpu.memref_slice %arg8[%multiple_of3A, %dma_wait3A_443] : memref<10000x128xf32, #tpu.memory_space<vmem_shared>> -> memref<632x128xf32, #tpu.memory_space<vmem_shared>>
        tpu.wait_dma2 semaphore(%run_scoped3A : memref<!tpu.dma_semaphore, #tpu.memory_space<semaphore_mem>>) src(%arg4 : memref<632x128xf32, #tpu.memory_space<hbm>>) dst(%dma_wait3A_444 : memref<632x128xf32, #tpu.memory_space<vmem_shared>>)
        tpu.yield
      }) : () -> ()
    } else {
    }
    %eq3A = arith.constant 15 : i32
    %eq3A_5 = arith.cmpi eq, %arg1, %eq3A : i32
    %convert_element_type3A_6 = arith.extui %eq3A_5 : i1 to i32
    %cond3A_7 = arith.constant 0 : i32
    %cond3A_8 = arith.cmpi ne, %convert_element_type3A_6, %cond3A_7 : i32
    scf.if %cond3A_8 {
      "tpu.region"() ({
        %run_scoped3A = tpu.sem_alloc : memref<!tpu.dma_semaphore, #tpu.memory_space<semaphore_mem>>
        %dma_start3A_441 = arith.constant 0 : i32
        %dma_start3A_442 = tpu.memref_slice %arg8[%multiple_of3A, %dma_start3A_441] : memref<10000x128xf32, #tpu.memory_space<vmem_shared>> -> memref<520x128xf32, #tpu.memory_space<vmem_shared>>
        %dma_start3A_443 = arith.constant 0 : i32
        %dma_start3A_444 = arith.constant 0 : i32
        %dma_start3A_445 = tpu.memref_slice %arg4[%dma_start3A_443, %dma_start3A_444] : memref<632x128xf32, #tpu.memory_space<hbm>> -> memref<520x128xf32, #tpu.memory_space<hbm>>
        tpu.enqueue_dma source(%dma_start3A_445 : memref<520x128xf32, #tpu.memory_space<hbm>>) target(%dma_start3A_442 : memref<520x128xf32, #tpu.memory_space<vmem_shared>>) target_semaphore(%run_scoped3A : memref<!tpu.dma_semaphore, #tpu.memory_space<semaphore_mem>>)
        %dma_wait3A_446 = arith.constant 0 : i32
        %dma_wait3A_447 = tpu.memref_slice %arg8[%multiple_of3A, %dma_wait3A_446] : memref<10000x128xf32, #tpu.memory_space<vmem_shared>> -> memref<520x128xf32, #tpu.memory_space<vmem_shared>>
        %dma_wait3A_448 = arith.constant 0 : i32
        %dma_wait3A_449 = arith.constant 0 : i32
        %dma_wait3A_450 = tpu.memref_slice %arg4[%dma_wait3A_448, %dma_wait3A_449] : memref<632x128xf32, #tpu.memory_space<hbm>> -> memref<520x128xf32, #tpu.memory_space<hbm>>
        tpu.wait_dma2 semaphore(%run_scoped3A : memref<!tpu.dma_semaphore, #tpu.memory_space<semaphore_mem>>) src(%dma_wait3A_450 : memref<520x128xf32, #tpu.memory_space<hbm>>) dst(%dma_wait3A_447 : memref<520x128xf32, #tpu.memory_space<vmem_shared>>)
        tpu.yield
      }) : () -> ()
    } else {
    }
    tpu.enqueue_dma source(%arg5 : memref<80x128xf32, #tpu.memory_space<hbm>>) target(%arg13 : memref<80x128xf32, #tpu.memory_space<vmem>>) target_semaphore(%arg21 : memref<!tpu.dma_semaphore, #tpu.memory_space<semaphore_mem>>)
    tpu.wait_dma2 semaphore(%arg21 : memref<!tpu.dma_semaphore, #tpu.memory_space<semaphore_mem>>) src(%arg5 : memref<80x128xf32, #tpu.memory_space<hbm>>) dst(%arg13 : memref<80x128xf32, #tpu.memory_space<vmem>>)
    %barrier3A = arith.constant 0 : index
    tpu.barrier barrier_id(%barrier3A)
    %dma_start3A = arith.constant 0 : i32
    %dma_start3A_9 = arith.constant 0 : i32
    %dma_start3A_10 = arith.constant 0 : i32
    %dma_start3A_11 = tpu.memref_slice %arg3[%add3A, %dma_start3A, %dma_start3A_9, %dma_start3A_10] : memref<32x125x2x80xi32, #tpu.memory_space<hbm>> -> memref<1x1x2x80xi32, #tpu.memory_space<hbm>>
    %dma_start3A_12 = tpu.memref_squeeze %dma_start3A_11 : memref<1x1x2x80xi32, #tpu.memory_space<hbm>> -> memref<2x80xi32, #tpu.memory_space<hbm>>
    %dma_start3A_13 = arith.constant 0 : i32
    %dma_start3A_14 = arith.constant 0 : i32
    %dma_start3A_15 = tpu.memref_slice %arg3[%add3A, %dma_start3A, %dma_start3A_13, %dma_start3A_14] : memref<32x125x2x80xi32, #tpu.memory_space<hbm>> -> memref<1x1x2x80xi32, #tpu.memory_space<hbm>>
    %dma_start3A_16 = tpu.memref_squeeze %dma_start3A_15 : memref<1x1x2x80xi32, #tpu.memory_space<hbm>> -> memref<2x80xi32, #tpu.memory_space<hbm>>
    tpu.enqueue_dma source(%dma_start3A_16 : memref<2x80xi32, #tpu.memory_space<hbm>>) target(%arg9 : memref<2x80xi32, #tpu.memory_space<vmem>>) target_semaphore(%arg17 : memref<!tpu.dma_semaphore, #tpu.memory_space<semaphore_mem>>)
    %dma_start3A_17 = arith.constant 1 : i32
    %dma_start3A_18 = arith.constant 0 : i32
    %dma_start3A_19 = arith.constant 0 : i32
    %dma_start3A_20 = tpu.memref_slice %arg3[%add3A, %dma_start3A_17, %dma_start3A_18, %dma_start3A_19] : memref<32x125x2x80xi32, #tpu.memory_space<hbm>> -> memref<1x1x2x80xi32, #tpu.memory_space<hbm>>
    %dma_start3A_21 = tpu.memref_squeeze %dma_start3A_20 : memref<1x1x2x80xi32, #tpu.memory_space<hbm>> -> memref<2x80xi32, #tpu.memory_space<hbm>>
    %dma_start3A_22 = arith.constant 0 : i32
    %dma_start3A_23 = arith.constant 0 : i32
    %dma_start3A_24 = tpu.memref_slice %arg3[%add3A, %dma_start3A_17, %dma_start3A_22, %dma_start3A_23] : memref<32x125x2x80xi32, #tpu.memory_space<hbm>> -> memref<1x1x2x80xi32, #tpu.memory_space<hbm>>
    %dma_start3A_25 = tpu.memref_squeeze %dma_start3A_24 : memref<1x1x2x80xi32, #tpu.memory_space<hbm>> -> memref<2x80xi32, #tpu.memory_space<hbm>>
    tpu.enqueue_dma source(%dma_start3A_25 : memref<2x80xi32, #tpu.memory_space<hbm>>) target(%arg10 : memref<2x80xi32, #tpu.memory_space<vmem>>) target_semaphore(%arg18 : memref<!tpu.dma_semaphore, #tpu.memory_space<semaphore_mem>>)
    %dma_start3A_26 = arith.constant 2 : i32
    %dma_start3A_27 = arith.constant 0 : i32
    %dma_start3A_28 = arith.constant 0 : i32
    %dma_start3A_29 = tpu.memref_slice %arg3[%add3A, %dma_start3A_26, %dma_start3A_27, %dma_start3A_28] : memref<32x125x2x80xi32, #tpu.memory_space<hbm>> -> memref<1x1x2x80xi32, #tpu.memory_space<hbm>>
    %dma_start3A_30 = tpu.memref_squeeze %dma_start3A_29 : memref<1x1x2x80xi32, #tpu.memory_space<hbm>> -> memref<2x80xi32, #tpu.memory_space<hbm>>
    %dma_start3A_31 = arith.constant 0 : i32
    %dma_start3A_32 = arith.constant 0 : i32
    %dma_start3A_33 = tpu.memref_slice %arg3[%add3A, %dma_start3A_26, %dma_start3A_31, %dma_start3A_32] : memref<32x125x2x80xi32, #tpu.memory_space<hbm>> -> memref<1x1x2x80xi32, #tpu.memory_space<hbm>>
    %dma_start3A_34 = tpu.memref_squeeze %dma_start3A_33 : memref<1x1x2x80xi32, #tpu.memory_space<hbm>> -> memref<2x80xi32, #tpu.memory_space<hbm>>
    tpu.enqueue_dma source(%dma_start3A_34 : memref<2x80xi32, #tpu.memory_space<hbm>>) target(%arg11 : memref<2x80xi32, #tpu.memory_space<vmem>>) target_semaphore(%arg19 : memref<!tpu.dma_semaphore, #tpu.memory_space<semaphore_mem>>)
    %dma_start3A_35 = arith.constant 3 : i32
    %dma_start3A_36 = arith.constant 0 : i32
    %dma_start3A_37 = arith.constant 0 : i32
    %dma_start3A_38 = tpu.memref_slice %arg3[%add3A, %dma_start3A_35, %dma_start3A_36, %dma_start3A_37] : memref<32x125x2x80xi32, #tpu.memory_space<hbm>> -> memref<1x1x2x80xi32, #tpu.memory_space<hbm>>
    %dma_start3A_39 = tpu.memref_squeeze %dma_start3A_38 : memref<1x1x2x80xi32, #tpu.memory_space<hbm>> -> memref<2x80xi32, #tpu.memory_space<hbm>>
    %dma_start3A_40 = arith.constant 0 : i32
    %dma_start3A_41 = arith.constant 0 : i32
    %dma_start3A_42 = tpu.memref_slice %arg3[%add3A, %dma_start3A_35, %dma_start3A_40, %dma_start3A_41] : memref<32x125x2x80xi32, #tpu.memory_space<hbm>> -> memref<1x1x2x80xi32, #tpu.memory_space<hbm>>
    %dma_start3A_43 = tpu.memref_squeeze %dma_start3A_42 : memref<1x1x2x80xi32, #tpu.memory_space<hbm>> -> memref<2x80xi32, #tpu.memory_space<hbm>>
    tpu.enqueue_dma source(%dma_start3A_43 : memref<2x80xi32, #tpu.memory_space<hbm>>) target(%arg12 : memref<2x80xi32, #tpu.memory_space<vmem>>) target_semaphore(%arg20 : memref<!tpu.dma_semaphore, #tpu.memory_space<semaphore_mem>>)
    %dma_wait3A = arith.constant 0 : i32
    %dma_wait3A_44 = arith.constant 0 : i32
    %dma_wait3A_45 = arith.constant 0 : i32
    %dma_wait3A_46 = tpu.memref_slice %arg3[%add3A, %dma_wait3A, %dma_wait3A_44, %dma_wait3A_45] : memref<32x125x2x80xi32, #tpu.memory_space<hbm>> -> memref<1x1x2x80xi32, #tpu.memory_space<hbm>>
    %dma_wait3A_47 = tpu.memref_squeeze %dma_wait3A_46 : memref<1x1x2x80xi32, #tpu.memory_space<hbm>> -> memref<2x80xi32, #tpu.memory_space<hbm>>
    %dma_wait3A_48 = arith.constant 0 : i32
    %dma_wait3A_49 = arith.constant 0 : i32
    %dma_wait3A_50 = tpu.memref_slice %arg3[%add3A, %dma_wait3A, %dma_wait3A_48, %dma_wait3A_49] : memref<32x125x2x80xi32, #tpu.memory_space<hbm>> -> memref<1x1x2x80xi32, #tpu.memory_space<hbm>>
    %dma_wait3A_51 = tpu.memref_squeeze %dma_wait3A_50 : memref<1x1x2x80xi32, #tpu.memory_space<hbm>> -> memref<2x80xi32, #tpu.memory_space<hbm>>
    tpu.wait_dma2 semaphore(%arg17 : memref<!tpu.dma_semaphore, #tpu.memory_space<semaphore_mem>>) src(%dma_wait3A_51 : memref<2x80xi32, #tpu.memory_space<hbm>>) dst(%arg9 : memref<2x80xi32, #tpu.memory_space<vmem>>)
    %dma_start3A_52 = arith.constant 1 : i32
    %dma_start3A_53 = arith.constant 0 : i32
    %dma_start3A_54 = tpu.memref_slice %arg9[%dma_start3A_52, %dma_start3A_53] : memref<2x80xi32, #tpu.memory_space<vmem>> -> memref<1x80xi32, #tpu.memory_space<vmem>>
    %dma_start3A_55 = tpu.memref_squeeze %dma_start3A_54 : memref<1x80xi32, #tpu.memory_space<vmem>> -> memref<80xi32, #tpu.memory_space<vmem>>
    %dma_start3A_56 = arith.constant 0 : i32
    %dma_start3A_57 = arith.constant 0 : i32
    %dma_start3A_58 = tpu.memref_slice %arg8[%dma_start3A_56, %dma_start3A_57] : memref<10000x128xf32, #tpu.memory_space<vmem_shared>> -> memref<10000x128xf32, #tpu.memory_space<vmem_shared>>
    tpu.enqueue_indirect_dma source(%arg13 : memref<80x128xf32, #tpu.memory_space<vmem>>) target(%dma_start3A_58 : memref<10000x128xf32, #tpu.memory_space<vmem_shared>>) offsets(%dma_start3A_55 : memref<80xi32, #tpu.memory_space<vmem>>) semaphore(%arg25 : memref<!tpu.dma_semaphore, #tpu.memory_space<semaphore_mem>>) {add = true}
    %dma_wait3A_59 = arith.constant 0 : i32
    %dma_wait3A_60 = arith.constant 0 : i32
    %dma_wait3A_61 = arith.constant 0 : i32
    %dma_wait3A_62 = tpu.memref_slice %arg3[%add3A, %dma_wait3A_59, %dma_wait3A_60, %dma_wait3A_61] : memref<32x125x2x80xi32, #tpu.memory_space<hbm>> -> memref<1x1x2x80xi32, #tpu.memory_space<hbm>>
    %dma_wait3A_63 = tpu.memref_squeeze %dma_wait3A_62 : memref<1x1x2x80xi32, #tpu.memory_space<hbm>> -> memref<2x80xi32, #tpu.memory_space<hbm>>
    %dma_wait3A_64 = arith.constant 0 : i32
    %dma_wait3A_65 = arith.constant 0 : i32
    %dma_wait3A_66 = tpu.memref_slice %arg3[%add3A, %dma_wait3A_59, %dma_wait3A_64, %dma_wait3A_65] : memref<32x125x2x80xi32, #tpu.memory_space<hbm>> -> memref<1x1x2x80xi32, #tpu.memory_space<hbm>>
    %dma_wait3A_67 = tpu.memref_squeeze %dma_wait3A_66 : memref<1x1x2x80xi32, #tpu.memory_space<hbm>> -> memref<2x80xi32, #tpu.memory_space<hbm>>
    tpu.wait_dma2 semaphore(%arg18 : memref<!tpu.dma_semaphore, #tpu.memory_space<semaphore_mem>>) src(%dma_wait3A_67 : memref<2x80xi32, #tpu.memory_space<hbm>>) dst(%arg10 : memref<2x80xi32, #tpu.memory_space<vmem>>)
    %dma_start3A_68 = arith.constant 1 : i32
    %dma_start3A_69 = arith.constant 0 : i32
    %dma_start3A_70 = tpu.memref_slice %arg10[%dma_start3A_68, %dma_start3A_69] : memref<2x80xi32, #tpu.memory_space<vmem>> -> memref<1x80xi32, #tpu.memory_space<vmem>>
    %dma_start3A_71 = tpu.memref_squeeze %dma_start3A_70 : memref<1x80xi32, #tpu.memory_space<vmem>> -> memref<80xi32, #tpu.memory_space<vmem>>
    %dma_start3A_72 = arith.constant 0 : i32
    %dma_start3A_73 = arith.constant 0 : i32
    %dma_start3A_74 = tpu.memref_slice %arg8[%dma_start3A_72, %dma_start3A_73] : memref<10000x128xf32, #tpu.memory_space<vmem_shared>> -> memref<10000x128xf32, #tpu.memory_space<vmem_shared>>
    tpu.enqueue_indirect_dma source(%arg13 : memref<80x128xf32, #tpu.memory_space<vmem>>) target(%dma_start3A_74 : memref<10000x128xf32, #tpu.memory_space<vmem_shared>>) offsets(%dma_start3A_71 : memref<80xi32, #tpu.memory_space<vmem>>) semaphore(%arg26 : memref<!tpu.dma_semaphore, #tpu.memory_space<semaphore_mem>>) {add = true}
    %scan3A = arith.constant 0 : i32
    %scan3A_75 = arith.constant 0 : i32
    %scan3A_76 = arith.constant 30 : i32
    %scan3A_77 = arith.addi %scan3A_75, %scan3A_76 : i32
    %scan3A_78 = arith.constant 1 : i32
    scf.for %scan3A_441 = %scan3A_75 to %scan3A_77 step %scan3A_78  : i32 {
      %mul3A_442 = arith.constant 4 : i32
      %mul3A_443 = arith.muli %mul3A_442, %scan3A_441 : i32
      %add3A_444 = arith.constant 2 : i32
      %add3A_445 = arith.addi %mul3A_443, %add3A_444 : i32
      %add3A_446 = arith.constant 0 : i32
      %add3A_447 = arith.addi %add3A_445, %add3A_446 : i32
      %dma_wait3A_448 = arith.constant 1 : i32
      %dma_wait3A_449 = arith.constant 0 : i32
      %dma_wait3A_450 = tpu.memref_slice %arg9[%dma_wait3A_448, %dma_wait3A_449] : memref<2x80xi32, #tpu.memory_space<vmem>> -> memref<1x80xi32, #tpu.memory_space<vmem>>
      %dma_wait3A_451 = tpu.memref_squeeze %dma_wait3A_450 : memref<1x80xi32, #tpu.memory_space<vmem>> -> memref<80xi32, #tpu.memory_space<vmem>>
      %dma_wait3A_452 = arith.constant 0 : i32
      %dma_wait3A_453 = arith.constant 0 : i32
      %dma_wait3A_454 = tpu.memref_slice %arg8[%dma_wait3A_452, %dma_wait3A_453] : memref<10000x128xf32, #tpu.memory_space<vmem_shared>> -> memref<10000x128xf32, #tpu.memory_space<vmem_shared>>
      tpu.wait_indirect_dma semaphore(%arg25 : memref<!tpu.dma_semaphore, #tpu.memory_space<semaphore_mem>>) src(%arg13 : memref<80x128xf32, #tpu.memory_space<vmem>>) dst(%dma_wait3A_454 : memref<10000x128xf32, #tpu.memory_space<vmem_shared>>)
      %add3A_455 = arith.constant 2 : i32
      %add3A_456 = arith.addi %add3A_447, %add3A_455 : i32
      %dma_start3A_457 = arith.constant 0 : i32
      %dma_start3A_458 = arith.constant 0 : i32
      %dma_start3A_459 = tpu.memref_slice %arg3[%add3A, %add3A_456, %dma_start3A_457, %dma_start3A_458] : memref<32x125x2x80xi32, #tpu.memory_space<hbm>> -> memref<1x1x2x80xi32, #tpu.memory_space<hbm>>
      %dma_start3A_460 = tpu.memref_squeeze %dma_start3A_459 : memref<1x1x2x80xi32, #tpu.memory_space<hbm>> -> memref<2x80xi32, #tpu.memory_space<hbm>>
      %dma_start3A_461 = arith.constant 0 : i32
      %dma_start3A_462 = arith.constant 0 : i32
      %dma_start3A_463 = tpu.memref_slice %arg3[%add3A, %add3A_456, %dma_start3A_461, %dma_start3A_462] : memref<32x125x2x80xi32, #tpu.memory_space<hbm>> -> memref<1x1x2x80xi32, #tpu.memory_space<hbm>>
      %dma_start3A_464 = tpu.memref_squeeze %dma_start3A_463 : memref<1x1x2x80xi32, #tpu.memory_space<hbm>> -> memref<2x80xi32, #tpu.memory_space<hbm>>
      tpu.enqueue_dma source(%dma_start3A_464 : memref<2x80xi32, #tpu.memory_space<hbm>>) target(%arg9 : memref<2x80xi32, #tpu.memory_space<vmem>>) target_semaphore(%arg17 : memref<!tpu.dma_semaphore, #tpu.memory_space<semaphore_mem>>)
      %dma_wait3A_465 = arith.constant 0 : i32
      %dma_wait3A_466 = arith.constant 0 : i32
      %dma_wait3A_467 = arith.constant 0 : i32
      %dma_wait3A_468 = tpu.memref_slice %arg3[%add3A, %dma_wait3A_465, %dma_wait3A_466, %dma_wait3A_467] : memref<32x125x2x80xi32, #tpu.memory_space<hbm>> -> memref<1x1x2x80xi32, #tpu.memory_space<hbm>>
      %dma_wait3A_469 = tpu.memref_squeeze %dma_wait3A_468 : memref<1x1x2x80xi32, #tpu.memory_space<hbm>> -> memref<2x80xi32, #tpu.memory_space<hbm>>
      %dma_wait3A_470 = arith.constant 0 : i32
      %dma_wait3A_471 = arith.constant 0 : i32
      %dma_wait3A_472 = tpu.memref_slice %arg3[%add3A, %dma_wait3A_465, %dma_wait3A_470, %dma_wait3A_471] : memref<32x125x2x80xi32, #tpu.memory_space<hbm>> -> memref<1x1x2x80xi32, #tpu.memory_space<hbm>>
      %dma_wait3A_473 = tpu.memref_squeeze %dma_wait3A_472 : memref<1x1x2x80xi32, #tpu.memory_space<hbm>> -> memref<2x80xi32, #tpu.memory_space<hbm>>
      tpu.wait_dma2 semaphore(%arg19 : memref<!tpu.dma_semaphore, #tpu.memory_space<semaphore_mem>>) src(%dma_wait3A_473 : memref<2x80xi32, #tpu.memory_space<hbm>>) dst(%arg11 : memref<2x80xi32, #tpu.memory_space<vmem>>)
      %dma_start3A_474 = arith.constant 1 : i32
      %dma_start3A_475 = arith.constant 0 : i32
      %dma_start3A_476 = tpu.memref_slice %arg11[%dma_start3A_474, %dma_start3A_475] : memref<2x80xi32, #tpu.memory_space<vmem>> -> memref<1x80xi32, #tpu.memory_space<vmem>>
      %dma_start3A_477 = tpu.memref_squeeze %dma_start3A_476 : memref<1x80xi32, #tpu.memory_space<vmem>> -> memref<80xi32, #tpu.memory_space<vmem>>
      %dma_start3A_478 = arith.constant 0 : i32
      %dma_start3A_479 = arith.constant 0 : i32
      %dma_start3A_480 = tpu.memref_slice %arg8[%dma_start3A_478, %dma_start3A_479] : memref<10000x128xf32, #tpu.memory_space<vmem_shared>> -> memref<10000x128xf32, #tpu.memory_space<vmem_shared>>
      tpu.enqueue_indirect_dma source(%arg13 : memref<80x128xf32, #tpu.memory_space<vmem>>) target(%dma_start3A_480 : memref<10000x128xf32, #tpu.memory_space<vmem_shared>>) offsets(%dma_start3A_477 : memref<80xi32, #tpu.memory_space<vmem>>) semaphore(%arg27 : memref<!tpu.dma_semaphore, #tpu.memory_space<semaphore_mem>>) {add = true}
      %add3A_481 = arith.constant 1 : i32
      %add3A_482 = arith.addi %add3A_445, %add3A_481 : i32
      %dma_wait3A_483 = arith.constant 1 : i32
      %dma_wait3A_484 = arith.constant 0 : i32
      %dma_wait3A_485 = tpu.memref_slice %arg10[%dma_wait3A_483, %dma_wait3A_484] : memref<2x80xi32, #tpu.memory_space<vmem>> -> memref<1x80xi32, #tpu.memory_space<vmem>>
      %dma_wait3A_486 = tpu.memref_squeeze %dma_wait3A_485 : memref<1x80xi32, #tpu.memory_space<vmem>> -> memref<80xi32, #tpu.memory_space<vmem>>
      %dma_wait3A_487 = arith.constant 0 : i32
      %dma_wait3A_488 = arith.constant 0 : i32
      %dma_wait3A_489 = tpu.memref_slice %arg8[%dma_wait3A_487, %dma_wait3A_488] : memref<10000x128xf32, #tpu.memory_space<vmem_shared>> -> memref<10000x128xf32, #tpu.memory_space<vmem_shared>>
      tpu.wait_indirect_dma semaphore(%arg26 : memref<!tpu.dma_semaphore, #tpu.memory_space<semaphore_mem>>) src(%arg13 : memref<80x128xf32, #tpu.memory_space<vmem>>) dst(%dma_wait3A_489 : memref<10000x128xf32, #tpu.memory_space<vmem_shared>>)
      %add3A_490 = arith.constant 2 : i32
      %add3A_491 = arith.addi %add3A_482, %add3A_490 : i32
      %dma_start3A_492 = arith.constant 0 : i32
      %dma_start3A_493 = arith.constant 0 : i32
      %dma_start3A_494 = tpu.memref_slice %arg3[%add3A, %add3A_491, %dma_start3A_492, %dma_start3A_493] : memref<32x125x2x80xi32, #tpu.memory_space<hbm>> -> memref<1x1x2x80xi32, #tpu.memory_space<hbm>>
      %dma_start3A_495 = tpu.memref_squeeze %dma_start3A_494 : memref<1x1x2x80xi32, #tpu.memory_space<hbm>> -> memref<2x80xi32, #tpu.memory_space<hbm>>
      %dma_start3A_496 = arith.constant 0 : i32
      %dma_start3A_497 = arith.constant 0 : i32
      %dma_start3A_498 = tpu.memref_slice %arg3[%add3A, %add3A_491, %dma_start3A_496, %dma_start3A_497] : memref<32x125x2x80xi32, #tpu.memory_space<hbm>> -> memref<1x1x2x80xi32, #tpu.memory_space<hbm>>
      %dma_start3A_499 = tpu.memref_squeeze %dma_start3A_498 : memref<1x1x2x80xi32, #tpu.memory_space<hbm>> -> memref<2x80xi32, #tpu.memory_space<hbm>>
      tpu.enqueue_dma source(%dma_start3A_499 : memref<2x80xi32, #tpu.memory_space<hbm>>) target(%arg10 : memref<2x80xi32, #tpu.memory_space<vmem>>) target_semaphore(%arg18 : memref<!tpu.dma_semaphore, #tpu.memory_space<semaphore_mem>>)
      %dma_wait3A_500 = arith.constant 0 : i32
      %dma_wait3A_501 = arith.constant 0 : i32
      %dma_wait3A_502 = arith.constant 0 : i32
      %dma_wait3A_503 = tpu.memref_slice %arg3[%add3A, %dma_wait3A_500, %dma_wait3A_501, %dma_wait3A_502] : memref<32x125x2x80xi32, #tpu.memory_space<hbm>> -> memref<1x1x2x80xi32, #tpu.memory_space<hbm>>
      %dma_wait3A_504 = tpu.memref_squeeze %dma_wait3A_503 : memref<1x1x2x80xi32, #tpu.memory_space<hbm>> -> memref<2x80xi32, #tpu.memory_space<hbm>>
      %dma_wait3A_505 = arith.constant 0 : i32
      %dma_wait3A_506 = arith.constant 0 : i32
      %dma_wait3A_507 = tpu.memref_slice %arg3[%add3A, %dma_wait3A_500, %dma_wait3A_505, %dma_wait3A_506] : memref<32x125x2x80xi32, #tpu.memory_space<hbm>> -> memref<1x1x2x80xi32, #tpu.memory_space<hbm>>
      %dma_wait3A_508 = tpu.memref_squeeze %dma_wait3A_507 : memref<1x1x2x80xi32, #tpu.memory_space<hbm>> -> memref<2x80xi32, #tpu.memory_space<hbm>>
      tpu.wait_dma2 semaphore(%arg20 : memref<!tpu.dma_semaphore, #tpu.memory_space<semaphore_mem>>) src(%dma_wait3A_508 : memref<2x80xi32, #tpu.memory_space<hbm>>) dst(%arg12 : memref<2x80xi32, #tpu.memory_space<vmem>>)
      %dma_start3A_509 = arith.constant 1 : i32
      %dma_start3A_510 = arith.constant 0 : i32
      %dma_start3A_511 = tpu.memref_slice %arg12[%dma_start3A_509, %dma_start3A_510] : memref<2x80xi32, #tpu.memory_space<vmem>> -> memref<1x80xi32, #tpu.memory_space<vmem>>
      %dma_start3A_512 = tpu.memref_squeeze %dma_start3A_511 : memref<1x80xi32, #tpu.memory_space<vmem>> -> memref<80xi32, #tpu.memory_space<vmem>>
      %dma_start3A_513 = arith.constant 0 : i32
      %dma_start3A_514 = arith.constant 0 : i32
      %dma_start3A_515 = tpu.memref_slice %arg8[%dma_start3A_513, %dma_start3A_514] : memref<10000x128xf32, #tpu.memory_space<vmem_shared>> -> memref<10000x128xf32, #tpu.memory_space<vmem_shared>>
      tpu.enqueue_indirect_dma source(%arg13 : memref<80x128xf32, #tpu.memory_space<vmem>>) target(%dma_start3A_515 : memref<10000x128xf32, #tpu.memory_space<vmem_shared>>) offsets(%dma_start3A_512 : memref<80xi32, #tpu.memory_space<vmem>>) semaphore(%arg28 : memref<!tpu.dma_semaphore, #tpu.memory_space<semaphore_mem>>) {add = true}
      %add3A_516 = arith.constant 2 : i32
      %add3A_517 = arith.addi %add3A_445, %add3A_516 : i32
      %dma_wait3A_518 = arith.constant 1 : i32
      %dma_wait3A_519 = arith.constant 0 : i32
      %dma_wait3A_520 = tpu.memref_slice %arg11[%dma_wait3A_518, %dma_wait3A_519] : memref<2x80xi32, #tpu.memory_space<vmem>> -> memref<1x80xi32, #tpu.memory_space<vmem>>
      %dma_wait3A_521 = tpu.memref_squeeze %dma_wait3A_520 : memref<1x80xi32, #tpu.memory_space<vmem>> -> memref<80xi32, #tpu.memory_space<vmem>>
      %dma_wait3A_522 = arith.constant 0 : i32
      %dma_wait3A_523 = arith.constant 0 : i32
      %dma_wait3A_524 = tpu.memref_slice %arg8[%dma_wait3A_522, %dma_wait3A_523] : memref<10000x128xf32, #tpu.memory_space<vmem_shared>> -> memref<10000x128xf32, #tpu.memory_space<vmem_shared>>
      tpu.wait_indirect_dma semaphore(%arg27 : memref<!tpu.dma_semaphore, #tpu.memory_space<semaphore_mem>>) src(%arg13 : memref<80x128xf32, #tpu.memory_space<vmem>>) dst(%dma_wait3A_524 : memref<10000x128xf32, #tpu.memory_space<vmem_shared>>)
      %add3A_525 = arith.constant 2 : i32
      %add3A_526 = arith.addi %add3A_517, %add3A_525 : i32
      %dma_start3A_527 = arith.constant 0 : i32
      %dma_start3A_528 = arith.constant 0 : i32
      %dma_start3A_529 = tpu.memref_slice %arg3[%add3A, %add3A_526, %dma_start3A_527, %dma_start3A_528] : memref<32x125x2x80xi32, #tpu.memory_space<hbm>> -> memref<1x1x2x80xi32, #tpu.memory_space<hbm>>
      %dma_start3A_530 = tpu.memref_squeeze %dma_start3A_529 : memref<1x1x2x80xi32, #tpu.memory_space<hbm>> -> memref<2x80xi32, #tpu.memory_space<hbm>>
      %dma_start3A_531 = arith.constant 0 : i32
      %dma_start3A_532 = arith.constant 0 : i32
      %dma_start3A_533 = tpu.memref_slice %arg3[%add3A, %add3A_526, %dma_start3A_531, %dma_start3A_532] : memref<32x125x2x80xi32, #tpu.memory_space<hbm>> -> memref<1x1x2x80xi32, #tpu.memory_space<hbm>>
      %dma_start3A_534 = tpu.memref_squeeze %dma_start3A_533 : memref<1x1x2x80xi32, #tpu.memory_space<hbm>> -> memref<2x80xi32, #tpu.memory_space<hbm>>
      tpu.enqueue_dma source(%dma_start3A_534 : memref<2x80xi32, #tpu.memory_space<hbm>>) target(%arg11 : memref<2x80xi32, #tpu.memory_space<vmem>>) target_semaphore(%arg19 : memref<!tpu.dma_semaphore, #tpu.memory_space<semaphore_mem>>)
      %dma_wait3A_535 = arith.constant 0 : i32
      %dma_wait3A_536 = arith.constant 0 : i32
      %dma_wait3A_537 = arith.constant 0 : i32
      %dma_wait3A_538 = tpu.memref_slice %arg3[%add3A, %dma_wait3A_535, %dma_wait3A_536, %dma_wait3A_537] : memref<32x125x2x80xi32, #tpu.memory_space<hbm>> -> memref<1x1x2x80xi32, #tpu.memory_space<hbm>>
      %dma_wait3A_539 = tpu.memref_squeeze %dma_wait3A_538 : memref<1x1x2x80xi32, #tpu.memory_space<hbm>> -> memref<2x80xi32, #tpu.memory_space<hbm>>
      %dma_wait3A_540 = arith.constant 0 : i32
      %dma_wait3A_541 = arith.constant 0 : i32
      %dma_wait3A_542 = tpu.memref_slice %arg3[%add3A, %dma_wait3A_535, %dma_wait3A_540, %dma_wait3A_541] : memref<32x125x2x80xi32, #tpu.memory_space<hbm>> -> memref<1x1x2x80xi32, #tpu.memory_space<hbm>>
      %dma_wait3A_543 = tpu.memref_squeeze %dma_wait3A_542 : memref<1x1x2x80xi32, #tpu.memory_space<hbm>> -> memref<2x80xi32, #tpu.memory_space<hbm>>
      tpu.wait_dma2 semaphore(%arg17 : memref<!tpu.dma_semaphore, #tpu.memory_space<semaphore_mem>>) src(%dma_wait3A_543 : memref<2x80xi32, #tpu.memory_space<hbm>>) dst(%arg9 : memref<2x80xi32, #tpu.memory_space<vmem>>)
      %dma_start3A_544 = arith.constant 1 : i32
      %dma_start3A_545 = arith.constant 0 : i32
      %dma_start3A_546 = tpu.memref_slice %arg9[%dma_start3A_544, %dma_start3A_545] : memref<2x80xi32, #tpu.memory_space<vmem>> -> memref<1x80xi32, #tpu.memory_space<vmem>>
      %dma_start3A_547 = tpu.memref_squeeze %dma_start3A_546 : memref<1x80xi32, #tpu.memory_space<vmem>> -> memref<80xi32, #tpu.memory_space<vmem>>
      %dma_start3A_548 = arith.constant 0 : i32
      %dma_start3A_549 = arith.constant 0 : i32
      %dma_start3A_550 = tpu.memref_slice %arg8[%dma_start3A_548, %dma_start3A_549] : memref<10000x128xf32, #tpu.memory_space<vmem_shared>> -> memref<10000x128xf32, #tpu.memory_space<vmem_shared>>
      tpu.enqueue_indirect_dma source(%arg13 : memref<80x128xf32, #tpu.memory_space<vmem>>) target(%dma_start3A_550 : memref<10000x128xf32, #tpu.memory_space<vmem_shared>>) offsets(%dma_start3A_547 : memref<80xi32, #tpu.memory_space<vmem>>) semaphore(%arg25 : memref<!tpu.dma_semaphore, #tpu.memory_space<semaphore_mem>>) {add = true}
      %add3A_551 = arith.constant 3 : i32
      %add3A_552 = arith.addi %add3A_445, %add3A_551 : i32
      %dma_wait3A_553 = arith.constant 1 : i32
      %dma_wait3A_554 = arith.constant 0 : i32
      %dma_wait3A_555 = tpu.memref_slice %arg12[%dma_wait3A_553, %dma_wait3A_554] : memref<2x80xi32, #tpu.memory_space<vmem>> -> memref<1x80xi32, #tpu.memory_space<vmem>>
      %dma_wait3A_556 = tpu.memref_squeeze %dma_wait3A_555 : memref<1x80xi32, #tpu.memory_space<vmem>> -> memref<80xi32, #tpu.memory_space<vmem>>
      %dma_wait3A_557 = arith.constant 0 : i32
      %dma_wait3A_558 = arith.constant 0 : i32
      %dma_wait3A_559 = tpu.memref_slice %arg8[%dma_wait3A_557, %dma_wait3A_558] : memref<10000x128xf32, #tpu.memory_space<vmem_shared>> -> memref<10000x128xf32, #tpu.memory_space<vmem_shared>>
      tpu.wait_indirect_dma semaphore(%arg28 : memref<!tpu.dma_semaphore, #tpu.memory_space<semaphore_mem>>) src(%arg13 : memref<80x128xf32, #tpu.memory_space<vmem>>) dst(%dma_wait3A_559 : memref<10000x128xf32, #tpu.memory_space<vmem_shared>>)
      %add3A_560 = arith.constant 2 : i32
      %add3A_561 = arith.addi %add3A_552, %add3A_560 : i32
      %dma_start3A_562 = arith.constant 0 : i32
      %dma_start3A_563 = arith.constant 0 : i32
      %dma_start3A_564 = tpu.memref_slice %arg3[%add3A, %add3A_561, %dma_start3A_562, %dma_start3A_563] : memref<32x125x2x80xi32, #tpu.memory_space<hbm>> -> memref<1x1x2x80xi32, #tpu.memory_space<hbm>>
      %dma_start3A_565 = tpu.memref_squeeze %dma_start3A_564 : memref<1x1x2x80xi32, #tpu.memory_space<hbm>> -> memref<2x80xi32, #tpu.memory_space<hbm>>
      %dma_start3A_566 = arith.constant 0 : i32
      %dma_start3A_567 = arith.constant 0 : i32
      %dma_start3A_568 = tpu.memref_slice %arg3[%add3A, %add3A_561, %dma_start3A_566, %dma_start3A_567] : memref<32x125x2x80xi32, #tpu.memory_space<hbm>> -> memref<1x1x2x80xi32, #tpu.memory_space<hbm>>
      %dma_start3A_569 = tpu.memref_squeeze %dma_start3A_568 : memref<1x1x2x80xi32, #tpu.memory_space<hbm>> -> memref<2x80xi32, #tpu.memory_space<hbm>>
      tpu.enqueue_dma source(%dma_start3A_569 : memref<2x80xi32, #tpu.memory_space<hbm>>) target(%arg12 : memref<2x80xi32, #tpu.memory_space<vmem>>) target_semaphore(%arg20 : memref<!tpu.dma_semaphore, #tpu.memory_space<semaphore_mem>>)
      %dma_wait3A_570 = arith.constant 0 : i32
      %dma_wait3A_571 = arith.constant 0 : i32
      %dma_wait3A_572 = arith.constant 0 : i32
      %dma_wait3A_573 = tpu.memref_slice %arg3[%add3A, %dma_wait3A_570, %dma_wait3A_571, %dma_wait3A_572] : memref<32x125x2x80xi32, #tpu.memory_space<hbm>> -> memref<1x1x2x80xi32, #tpu.memory_space<hbm>>
      %dma_wait3A_574 = tpu.memref_squeeze %dma_wait3A_573 : memref<1x1x2x80xi32, #tpu.memory_space<hbm>> -> memref<2x80xi32, #tpu.memory_space<hbm>>
      %dma_wait3A_575 = arith.constant 0 : i32
      %dma_wait3A_576 = arith.constant 0 : i32
      %dma_wait3A_577 = tpu.memref_slice %arg3[%add3A, %dma_wait3A_570, %dma_wait3A_575, %dma_wait3A_576] : memref<32x125x2x80xi32, #tpu.memory_space<hbm>> -> memref<1x1x2x80xi32, #tpu.memory_space<hbm>>
      %dma_wait3A_578 = tpu.memref_squeeze %dma_wait3A_577 : memref<1x1x2x80xi32, #tpu.memory_space<hbm>> -> memref<2x80xi32, #tpu.memory_space<hbm>>
      tpu.wait_dma2 semaphore(%arg18 : memref<!tpu.dma_semaphore, #tpu.memory_space<semaphore_mem>>) src(%dma_wait3A_578 : memref<2x80xi32, #tpu.memory_space<hbm>>) dst(%arg10 : memref<2x80xi32, #tpu.memory_space<vmem>>)
      %dma_start3A_579 = arith.constant 1 : i32
      %dma_start3A_580 = arith.constant 0 : i32
      %dma_start3A_581 = tpu.memref_slice %arg10[%dma_start3A_579, %dma_start3A_580] : memref<2x80xi32, #tpu.memory_space<vmem>> -> memref<1x80xi32, #tpu.memory_space<vmem>>
      %dma_start3A_582 = tpu.memref_squeeze %dma_start3A_581 : memref<1x80xi32, #tpu.memory_space<vmem>> -> memref<80xi32, #tpu.memory_space<vmem>>
      %dma_start3A_583 = arith.constant 0 : i32
      %dma_start3A_584 = arith.constant 0 : i32
      %dma_start3A_585 = tpu.memref_slice %arg8[%dma_start3A_583, %dma_start3A_584] : memref<10000x128xf32, #tpu.memory_space<vmem_shared>> -> memref<10000x128xf32, #tpu.memory_space<vmem_shared>>
      tpu.enqueue_indirect_dma source(%arg13 : memref<80x128xf32, #tpu.memory_space<vmem>>) target(%dma_start3A_585 : memref<10000x128xf32, #tpu.memory_space<vmem_shared>>) offsets(%dma_start3A_582 : memref<80xi32, #tpu.memory_space<vmem>>) semaphore(%arg26 : memref<!tpu.dma_semaphore, #tpu.memory_space<semaphore_mem>>) {add = true}
    }
    %scan3A_79 = arith.constant 30 : i32
    %dma_wait3A_80 = arith.constant 1 : i32
    %dma_wait3A_81 = arith.constant 0 : i32
    %dma_wait3A_82 = tpu.memref_slice %arg9[%dma_wait3A_80, %dma_wait3A_81] : memref<2x80xi32, #tpu.memory_space<vmem>> -> memref<1x80xi32, #tpu.memory_space<vmem>>
    %dma_wait3A_83 = tpu.memref_squeeze %dma_wait3A_82 : memref<1x80xi32, #tpu.memory_space<vmem>> -> memref<80xi32, #tpu.memory_space<vmem>>
    %dma_wait3A_84 = arith.constant 0 : i32
    %dma_wait3A_85 = arith.constant 0 : i32
    %dma_wait3A_86 = tpu.memref_slice %arg8[%dma_wait3A_84, %dma_wait3A_85] : memref<10000x128xf32, #tpu.memory_space<vmem_shared>> -> memref<10000x128xf32, #tpu.memory_space<vmem_shared>>
    tpu.wait_indirect_dma semaphore(%arg25 : memref<!tpu.dma_semaphore, #tpu.memory_space<semaphore_mem>>) src(%arg13 : memref<80x128xf32, #tpu.memory_space<vmem>>) dst(%dma_wait3A_86 : memref<10000x128xf32, #tpu.memory_space<vmem_shared>>)
    %dma_start3A_87 = arith.constant 124 : i32
    %dma_start3A_88 = arith.constant 0 : i32
    %dma_start3A_89 = arith.constant 0 : i32
    %dma_start3A_90 = tpu.memref_slice %arg3[%add3A, %dma_start3A_87, %dma_start3A_88, %dma_start3A_89] : memref<32x125x2x80xi32, #tpu.memory_space<hbm>> -> memref<1x1x2x80xi32, #tpu.memory_space<hbm>>
    %dma_start3A_91 = tpu.memref_squeeze %dma_start3A_90 : memref<1x1x2x80xi32, #tpu.memory_space<hbm>> -> memref<2x80xi32, #tpu.memory_space<hbm>>
    %dma_start3A_92 = arith.constant 0 : i32
    %dma_start3A_93 = arith.constant 0 : i32
    %dma_start3A_94 = tpu.memref_slice %arg3[%add3A, %dma_start3A_87, %dma_start3A_92, %dma_start3A_93] : memref<32x125x2x80xi32, #tpu.memory_space<hbm>> -> memref<1x1x2x80xi32, #tpu.memory_space<hbm>>
    %dma_start3A_95 = tpu.memref_squeeze %dma_start3A_94 : memref<1x1x2x80xi32, #tpu.memory_space<hbm>> -> memref<2x80xi32, #tpu.memory_space<hbm>>
    tpu.enqueue_dma source(%dma_start3A_95 : memref<2x80xi32, #tpu.memory_space<hbm>>) target(%arg9 : memref<2x80xi32, #tpu.memory_space<vmem>>) target_semaphore(%arg17 : memref<!tpu.dma_semaphore, #tpu.memory_space<semaphore_mem>>)
    %dma_wait3A_96 = arith.constant 0 : i32
    %dma_wait3A_97 = arith.constant 0 : i32
    %dma_wait3A_98 = arith.constant 0 : i32
    %dma_wait3A_99 = tpu.memref_slice %arg3[%add3A, %dma_wait3A_96, %dma_wait3A_97, %dma_wait3A_98] : memref<32x125x2x80xi32, #tpu.memory_space<hbm>> -> memref<1x1x2x80xi32, #tpu.memory_space<hbm>>
    %dma_wait3A_100 = tpu.memref_squeeze %dma_wait3A_99 : memref<1x1x2x80xi32, #tpu.memory_space<hbm>> -> memref<2x80xi32, #tpu.memory_space<hbm>>
    %dma_wait3A_101 = arith.constant 0 : i32
    %dma_wait3A_102 = arith.constant 0 : i32
    %dma_wait3A_103 = tpu.memref_slice %arg3[%add3A, %dma_wait3A_96, %dma_wait3A_101, %dma_wait3A_102] : memref<32x125x2x80xi32, #tpu.memory_space<hbm>> -> memref<1x1x2x80xi32, #tpu.memory_space<hbm>>
    %dma_wait3A_104 = tpu.memref_squeeze %dma_wait3A_103 : memref<1x1x2x80xi32, #tpu.memory_space<hbm>> -> memref<2x80xi32, #tpu.memory_space<hbm>>
    tpu.wait_dma2 semaphore(%arg19 : memref<!tpu.dma_semaphore, #tpu.memory_space<semaphore_mem>>) src(%dma_wait3A_104 : memref<2x80xi32, #tpu.memory_space<hbm>>) dst(%arg11 : memref<2x80xi32, #tpu.memory_space<vmem>>)
    %dma_start3A_105 = arith.constant 1 : i32
    %dma_start3A_106 = arith.constant 0 : i32
    %dma_start3A_107 = tpu.memref_slice %arg11[%dma_start3A_105, %dma_start3A_106] : memref<2x80xi32, #tpu.memory_space<vmem>> -> memref<1x80xi32, #tpu.memory_space<vmem>>
    %dma_start3A_108 = tpu.memref_squeeze %dma_start3A_107 : memref<1x80xi32, #tpu.memory_space<vmem>> -> memref<80xi32, #tpu.memory_space<vmem>>
    %dma_start3A_109 = arith.constant 0 : i32
    %dma_start3A_110 = arith.constant 0 : i32
    %dma_start3A_111 = tpu.memref_slice %arg8[%dma_start3A_109, %dma_start3A_110] : memref<10000x128xf32, #tpu.memory_space<vmem_shared>> -> memref<10000x128xf32, #tpu.memory_space<vmem_shared>>
    tpu.enqueue_indirect_dma source(%arg13 : memref<80x128xf32, #tpu.memory_space<vmem>>) target(%dma_start3A_111 : memref<10000x128xf32, #tpu.memory_space<vmem_shared>>) offsets(%dma_start3A_108 : memref<80xi32, #tpu.memory_space<vmem>>) semaphore(%arg27 : memref<!tpu.dma_semaphore, #tpu.memory_space<semaphore_mem>>) {add = true}
    %dma_wait3A_112 = arith.constant 1 : i32
    %dma_wait3A_113 = arith.constant 0 : i32
    %dma_wait3A_114 = tpu.memref_slice %arg10[%dma_wait3A_112, %dma_wait3A_113] : memref<2x80xi32, #tpu.memory_space<vmem>> -> memref<1x80xi32, #tpu.memory_space<vmem>>
    %dma_wait3A_115 = tpu.memref_squeeze %dma_wait3A_114 : memref<1x80xi32, #tpu.memory_space<vmem>> -> memref<80xi32, #tpu.memory_space<vmem>>
    %dma_wait3A_116 = arith.constant 0 : i32
    %dma_wait3A_117 = arith.constant 0 : i32
    %dma_wait3A_118 = tpu.memref_slice %arg8[%dma_wait3A_116, %dma_wait3A_117] : memref<10000x128xf32, #tpu.memory_space<vmem_shared>> -> memref<10000x128xf32, #tpu.memory_space<vmem_shared>>
    tpu.wait_indirect_dma semaphore(%arg26 : memref<!tpu.dma_semaphore, #tpu.memory_space<semaphore_mem>>) src(%arg13 : memref<80x128xf32, #tpu.memory_space<vmem>>) dst(%dma_wait3A_118 : memref<10000x128xf32, #tpu.memory_space<vmem_shared>>)
    %dma_wait3A_119 = arith.constant 0 : i32
    %dma_wait3A_120 = arith.constant 0 : i32
    %dma_wait3A_121 = arith.constant 0 : i32
    %dma_wait3A_122 = tpu.memref_slice %arg3[%add3A, %dma_wait3A_119, %dma_wait3A_120, %dma_wait3A_121] : memref<32x125x2x80xi32, #tpu.memory_space<hbm>> -> memref<1x1x2x80xi32, #tpu.memory_space<hbm>>
    %dma_wait3A_123 = tpu.memref_squeeze %dma_wait3A_122 : memref<1x1x2x80xi32, #tpu.memory_space<hbm>> -> memref<2x80xi32, #tpu.memory_space<hbm>>
    %dma_wait3A_124 = arith.constant 0 : i32
    %dma_wait3A_125 = arith.constant 0 : i32
    %dma_wait3A_126 = tpu.memref_slice %arg3[%add3A, %dma_wait3A_119, %dma_wait3A_124, %dma_wait3A_125] : memref<32x125x2x80xi32, #tpu.memory_space<hbm>> -> memref<1x1x2x80xi32, #tpu.memory_space<hbm>>
    %dma_wait3A_127 = tpu.memref_squeeze %dma_wait3A_126 : memref<1x1x2x80xi32, #tpu.memory_space<hbm>> -> memref<2x80xi32, #tpu.memory_space<hbm>>
    tpu.wait_dma2 semaphore(%arg20 : memref<!tpu.dma_semaphore, #tpu.memory_space<semaphore_mem>>) src(%dma_wait3A_127 : memref<2x80xi32, #tpu.memory_space<hbm>>) dst(%arg12 : memref<2x80xi32, #tpu.memory_space<vmem>>)
    %dma_start3A_128 = arith.constant 1 : i32
    %dma_start3A_129 = arith.constant 0 : i32
    %dma_start3A_130 = tpu.memref_slice %arg12[%dma_start3A_128, %dma_start3A_129] : memref<2x80xi32, #tpu.memory_space<vmem>> -> memref<1x80xi32, #tpu.memory_space<vmem>>
    %dma_start3A_131 = tpu.memref_squeeze %dma_start3A_130 : memref<1x80xi32, #tpu.memory_space<vmem>> -> memref<80xi32, #tpu.memory_space<vmem>>
    %dma_start3A_132 = arith.constant 0 : i32
    %dma_start3A_133 = arith.constant 0 : i32
    %dma_start3A_134 = tpu.memref_slice %arg8[%dma_start3A_132, %dma_start3A_133] : memref<10000x128xf32, #tpu.memory_space<vmem_shared>> -> memref<10000x128xf32, #tpu.memory_space<vmem_shared>>
    tpu.enqueue_indirect_dma source(%arg13 : memref<80x128xf32, #tpu.memory_space<vmem>>) target(%dma_start3A_134 : memref<10000x128xf32, #tpu.memory_space<vmem_shared>>) offsets(%dma_start3A_131 : memref<80xi32, #tpu.memory_space<vmem>>) semaphore(%arg28 : memref<!tpu.dma_semaphore, #tpu.memory_space<semaphore_mem>>) {add = true}
    %dma_wait3A_135 = arith.constant 0 : i32
    %dma_wait3A_136 = arith.constant 0 : i32
    %dma_wait3A_137 = arith.constant 0 : i32
    %dma_wait3A_138 = tpu.memref_slice %arg3[%add3A, %dma_wait3A_135, %dma_wait3A_136, %dma_wait3A_137] : memref<32x125x2x80xi32, #tpu.memory_space<hbm>> -> memref<1x1x2x80xi32, #tpu.memory_space<hbm>>
    %dma_wait3A_139 = tpu.memref_squeeze %dma_wait3A_138 : memref<1x1x2x80xi32, #tpu.memory_space<hbm>> -> memref<2x80xi32, #tpu.memory_space<hbm>>
    %dma_wait3A_140 = arith.constant 0 : i32
    %dma_wait3A_141 = arith.constant 0 : i32
    %dma_wait3A_142 = tpu.memref_slice %arg3[%add3A, %dma_wait3A_135, %dma_wait3A_140, %dma_wait3A_141] : memref<32x125x2x80xi32, #tpu.memory_space<hbm>> -> memref<1x1x2x80xi32, #tpu.memory_space<hbm>>
    %dma_wait3A_143 = tpu.memref_squeeze %dma_wait3A_142 : memref<1x1x2x80xi32, #tpu.memory_space<hbm>> -> memref<2x80xi32, #tpu.memory_space<hbm>>
    tpu.wait_dma2 semaphore(%arg17 : memref<!tpu.dma_semaphore, #tpu.memory_space<semaphore_mem>>) src(%dma_wait3A_143 : memref<2x80xi32, #tpu.memory_space<hbm>>) dst(%arg9 : memref<2x80xi32, #tpu.memory_space<vmem>>)
    %dma_start3A_144 = arith.constant 1 : i32
    %dma_start3A_145 = arith.constant 0 : i32
    %dma_start3A_146 = tpu.memref_slice %arg9[%dma_start3A_144, %dma_start3A_145] : memref<2x80xi32, #tpu.memory_space<vmem>> -> memref<1x80xi32, #tpu.memory_space<vmem>>
    %dma_start3A_147 = tpu.memref_squeeze %dma_start3A_146 : memref<1x80xi32, #tpu.memory_space<vmem>> -> memref<80xi32, #tpu.memory_space<vmem>>
    %dma_start3A_148 = arith.constant 0 : i32
    %dma_start3A_149 = arith.constant 0 : i32
    %dma_start3A_150 = tpu.memref_slice %arg8[%dma_start3A_148, %dma_start3A_149] : memref<10000x128xf32, #tpu.memory_space<vmem_shared>> -> memref<10000x128xf32, #tpu.memory_space<vmem_shared>>
    tpu.enqueue_indirect_dma source(%arg13 : memref<80x128xf32, #tpu.memory_space<vmem>>) target(%dma_start3A_150 : memref<10000x128xf32, #tpu.memory_space<vmem_shared>>) offsets(%dma_start3A_147 : memref<80xi32, #tpu.memory_space<vmem>>) semaphore(%arg25 : memref<!tpu.dma_semaphore, #tpu.memory_space<semaphore_mem>>) {add = true}
    %dma_wait3A_151 = arith.constant 1 : i32
    %dma_wait3A_152 = arith.constant 0 : i32
    %dma_wait3A_153 = tpu.memref_slice %arg11[%dma_wait3A_151, %dma_wait3A_152] : memref<2x80xi32, #tpu.memory_space<vmem>> -> memref<1x80xi32, #tpu.memory_space<vmem>>
    %dma_wait3A_154 = tpu.memref_squeeze %dma_wait3A_153 : memref<1x80xi32, #tpu.memory_space<vmem>> -> memref<80xi32, #tpu.memory_space<vmem>>
    %dma_wait3A_155 = arith.constant 0 : i32
    %dma_wait3A_156 = arith.constant 0 : i32
    %dma_wait3A_157 = tpu.memref_slice %arg8[%dma_wait3A_155, %dma_wait3A_156] : memref<10000x128xf32, #tpu.memory_space<vmem_shared>> -> memref<10000x128xf32, #tpu.memory_space<vmem_shared>>
    tpu.wait_indirect_dma semaphore(%arg27 : memref<!tpu.dma_semaphore, #tpu.memory_space<semaphore_mem>>) src(%arg13 : memref<80x128xf32, #tpu.memory_space<vmem>>) dst(%dma_wait3A_157 : memref<10000x128xf32, #tpu.memory_space<vmem_shared>>)
    %dma_wait3A_158 = arith.constant 1 : i32
    %dma_wait3A_159 = arith.constant 0 : i32
    %dma_wait3A_160 = tpu.memref_slice %arg12[%dma_wait3A_158, %dma_wait3A_159] : memref<2x80xi32, #tpu.memory_space<vmem>> -> memref<1x80xi32, #tpu.memory_space<vmem>>
    %dma_wait3A_161 = tpu.memref_squeeze %dma_wait3A_160 : memref<1x80xi32, #tpu.memory_space<vmem>> -> memref<80xi32, #tpu.memory_space<vmem>>
    %dma_wait3A_162 = arith.constant 0 : i32
    %dma_wait3A_163 = arith.constant 0 : i32
    %dma_wait3A_164 = tpu.memref_slice %arg8[%dma_wait3A_162, %dma_wait3A_163] : memref<10000x128xf32, #tpu.memory_space<vmem_shared>> -> memref<10000x128xf32, #tpu.memory_space<vmem_shared>>
    tpu.wait_indirect_dma semaphore(%arg28 : memref<!tpu.dma_semaphore, #tpu.memory_space<semaphore_mem>>) src(%arg13 : memref<80x128xf32, #tpu.memory_space<vmem>>) dst(%dma_wait3A_164 : memref<10000x128xf32, #tpu.memory_space<vmem_shared>>)
    %dma_wait3A_165 = arith.constant 1 : i32
    %dma_wait3A_166 = arith.constant 0 : i32
    %dma_wait3A_167 = tpu.memref_slice %arg9[%dma_wait3A_165, %dma_wait3A_166] : memref<2x80xi32, #tpu.memory_space<vmem>> -> memref<1x80xi32, #tpu.memory_space<vmem>>
    %dma_wait3A_168 = tpu.memref_squeeze %dma_wait3A_167 : memref<1x80xi32, #tpu.memory_space<vmem>> -> memref<80xi32, #tpu.memory_space<vmem>>
    %dma_wait3A_169 = arith.constant 0 : i32
    %dma_wait3A_170 = arith.constant 0 : i32
    %dma_wait3A_171 = tpu.memref_slice %arg8[%dma_wait3A_169, %dma_wait3A_170] : memref<10000x128xf32, #tpu.memory_space<vmem_shared>> -> memref<10000x128xf32, #tpu.memory_space<vmem_shared>>
    tpu.wait_indirect_dma semaphore(%arg25 : memref<!tpu.dma_semaphore, #tpu.memory_space<semaphore_mem>>) src(%arg13 : memref<80x128xf32, #tpu.memory_space<vmem>>) dst(%dma_wait3A_171 : memref<10000x128xf32, #tpu.memory_space<vmem_shared>>)
    %barrier3A_172 = arith.constant 0 : index
    tpu.barrier barrier_id(%barrier3A_172)
    %lt3A_173 = arith.constant 15 : i32
    %lt3A_174 = arith.cmpi slt, %arg1, %lt3A_173 : i32
    %convert_element_type3A_175 = arith.extui %lt3A_174 : i1 to i32
    %cond3A_176 = arith.constant 0 : i32
    %cond3A_177 = arith.cmpi ne, %convert_element_type3A_175, %cond3A_176 : i32
    scf.if %cond3A_177 {
      "tpu.region"() ({
        %run_scoped3A = tpu.sem_alloc : memref<!tpu.dma_semaphore, #tpu.memory_space<semaphore_mem>>
        %dma_start3A_441 = arith.constant 0 : i32
        %dma_start3A_442 = tpu.memref_slice %arg7[%arg0, %multiple_of3A, %dma_start3A_441] : memref<2x10000x128xf32, #tpu.memory_space<hbm>> -> memref<1x632x128xf32, #tpu.memory_space<hbm>>
        %dma_start3A_443 = tpu.memref_squeeze %dma_start3A_442 : memref<1x632x128xf32, #tpu.memory_space<hbm>> -> memref<632x128xf32, #tpu.memory_space<hbm>>
        %dma_start3A_444 = arith.constant 0 : i32
        %dma_start3A_445 = tpu.memref_slice %arg8[%multiple_of3A, %dma_start3A_444] : memref<10000x128xf32, #tpu.memory_space<vmem_shared>> -> memref<632x128xf32, #tpu.memory_space<vmem_shared>>
        tpu.enqueue_dma source(%dma_start3A_445 : memref<632x128xf32, #tpu.memory_space<vmem_shared>>) target(%dma_start3A_443 : memref<632x128xf32, #tpu.memory_space<hbm>>) target_semaphore(%run_scoped3A : memref<!tpu.dma_semaphore, #tpu.memory_space<semaphore_mem>>)
        %dma_wait3A_446 = arith.constant 0 : i32
        %dma_wait3A_447 = tpu.memref_slice %arg7[%arg0, %multiple_of3A, %dma_wait3A_446] : memref<2x10000x128xf32, #tpu.memory_space<hbm>> -> memref<1x632x128xf32, #tpu.memory_space<hbm>>
        %dma_wait3A_448 = tpu.memref_squeeze %dma_wait3A_447 : memref<1x632x128xf32, #tpu.memory_space<hbm>> -> memref<632x128xf32, #tpu.memory_space<hbm>>
        %dma_wait3A_449 = arith.constant 0 : i32
        %dma_wait3A_450 = tpu.memref_slice %arg8[%multiple_of3A, %dma_wait3A_449] : memref<10000x128xf32, #tpu.memory_space<vmem_shared>> -> memref<632x128xf32, #tpu.memory_space<vmem_shared>>
        tpu.wait_dma2 semaphore(%run_scoped3A : memref<!tpu.dma_semaphore, #tpu.memory_space<semaphore_mem>>) src(%dma_wait3A_450 : memref<632x128xf32, #tpu.memory_space<vmem_shared>>) dst(%dma_wait3A_448 : memref<632x128xf32, #tpu.memory_space<hbm>>)
        tpu.yield
      }) : () -> ()
    } else {
    }
    %eq3A_178 = arith.constant 15 : i32
    %eq3A_179 = arith.cmpi eq, %arg1, %eq3A_178 : i32
    %convert_element_type3A_180 = arith.extui %eq3A_179 : i1 to i32
    %cond3A_181 = arith.constant 0 : i32
    %cond3A_182 = arith.cmpi ne, %convert_element_type3A_180, %cond3A_181 : i32
    scf.if %cond3A_182 {
      "tpu.region"() ({
        %run_scoped3A = tpu.sem_alloc : memref<!tpu.dma_semaphore, #tpu.memory_space<semaphore_mem>>
        %dma_start3A_441 = arith.constant 0 : i32
        %dma_start3A_442 = tpu.memref_slice %arg7[%arg0, %multiple_of3A, %dma_start3A_441] : memref<2x10000x128xf32, #tpu.memory_space<hbm>> -> memref<1x520x128xf32, #tpu.memory_space<hbm>>
        %dma_start3A_443 = tpu.memref_squeeze %dma_start3A_442 : memref<1x520x128xf32, #tpu.memory_space<hbm>> -> memref<520x128xf32, #tpu.memory_space<hbm>>
        %dma_start3A_444 = arith.constant 0 : i32
        %dma_start3A_445 = tpu.memref_slice %arg8[%multiple_of3A, %dma_start3A_444] : memref<10000x128xf32, #tpu.memory_space<vmem_shared>> -> memref<520x128xf32, #tpu.memory_space<vmem_shared>>
        tpu.enqueue_dma source(%dma_start3A_445 : memref<520x128xf32, #tpu.memory_space<vmem_shared>>) target(%dma_start3A_443 : memref<520x128xf32, #tpu.memory_space<hbm>>) target_semaphore(%run_scoped3A : memref<!tpu.dma_semaphore, #tpu.memory_space<semaphore_mem>>)
        %dma_wait3A_446 = arith.constant 0 : i32
        %dma_wait3A_447 = tpu.memref_slice %arg7[%arg0, %multiple_of3A, %dma_wait3A_446] : memref<2x10000x128xf32, #tpu.memory_space<hbm>> -> memref<1x520x128xf32, #tpu.memory_space<hbm>>
        %dma_wait3A_448 = tpu.memref_squeeze %dma_wait3A_447 : memref<1x520x128xf32, #tpu.memory_space<hbm>> -> memref<520x128xf32, #tpu.memory_space<hbm>>
        %dma_wait3A_449 = arith.constant 0 : i32
        %dma_wait3A_450 = tpu.memref_slice %arg8[%multiple_of3A, %dma_wait3A_449] : memref<10000x128xf32, #tpu.memory_space<vmem_shared>> -> memref<520x128xf32, #tpu.memory_space<vmem_shared>>
        tpu.wait_dma2 semaphore(%run_scoped3A : memref<!tpu.dma_semaphore, #tpu.memory_space<semaphore_mem>>) src(%dma_wait3A_450 : memref<520x128xf32, #tpu.memory_space<vmem_shared>>) dst(%dma_wait3A_448 : memref<520x128xf32, #tpu.memory_space<hbm>>)
        tpu.yield
      }) : () -> ()
    } else {
    }
    %lt3A_183 = arith.constant 15 : i32
    %lt3A_184 = arith.cmpi slt, %arg1, %lt3A_183 : i32
    %convert_element_type3A_185 = arith.extui %lt3A_184 : i1 to i32
    %cond3A_186 = arith.constant 0 : i32
    %cond3A_187 = arith.cmpi ne, %convert_element_type3A_185, %cond3A_186 : i32
    scf.if %cond3A_187 {
      "tpu.region"() ({
        %run_scoped3A = tpu.sem_alloc : memref<!tpu.dma_semaphore, #tpu.memory_space<semaphore_mem>>
        %dma_start3A_441 = arith.constant 0 : i32
        %dma_start3A_442 = tpu.memref_slice %arg8[%multiple_of3A, %dma_start3A_441] : memref<10000x128xf32, #tpu.memory_space<vmem_shared>> -> memref<632x128xf32, #tpu.memory_space<vmem_shared>>
        tpu.enqueue_dma source(%arg4 : memref<632x128xf32, #tpu.memory_space<hbm>>) target(%dma_start3A_442 : memref<632x128xf32, #tpu.memory_space<vmem_shared>>) target_semaphore(%run_scoped3A : memref<!tpu.dma_semaphore, #tpu.memory_space<semaphore_mem>>)
        %dma_wait3A_443 = arith.constant 0 : i32
        %dma_wait3A_444 = tpu.memref_slice %arg8[%multiple_of3A, %dma_wait3A_443] : memref<10000x128xf32, #tpu.memory_space<vmem_shared>> -> memref<632x128xf32, #tpu.memory_space<vmem_shared>>
        tpu.wait_dma2 semaphore(%run_scoped3A : memref<!tpu.dma_semaphore, #tpu.memory_space<semaphore_mem>>) src(%arg4 : memref<632x128xf32, #tpu.memory_space<hbm>>) dst(%dma_wait3A_444 : memref<632x128xf32, #tpu.memory_space<vmem_shared>>)
        tpu.yield
      }) : () -> ()
    } else {
    }
    %eq3A_188 = arith.constant 15 : i32
    %eq3A_189 = arith.cmpi eq, %arg1, %eq3A_188 : i32
    %convert_element_type3A_190 = arith.extui %eq3A_189 : i1 to i32
    %cond3A_191 = arith.constant 0 : i32
    %cond3A_192 = arith.cmpi ne, %convert_element_type3A_190, %cond3A_191 : i32
    scf.if %cond3A_192 {
      "tpu.region"() ({
        %run_scoped3A = tpu.sem_alloc : memref<!tpu.dma_semaphore, #tpu.memory_space<semaphore_mem>>
        %dma_start3A_441 = arith.constant 0 : i32
        %dma_start3A_442 = tpu.memref_slice %arg8[%multiple_of3A, %dma_start3A_441] : memref<10000x128xf32, #tpu.memory_space<vmem_shared>> -> memref<520x128xf32, #tpu.memory_space<vmem_shared>>
        %dma_start3A_443 = arith.constant 0 : i32
        %dma_start3A_444 = arith.constant 0 : i32
        %dma_start3A_445 = tpu.memref_slice %arg4[%dma_start3A_443, %dma_start3A_444] : memref<632x128xf32, #tpu.memory_space<hbm>> -> memref<520x128xf32, #tpu.memory_space<hbm>>
        tpu.enqueue_dma source(%dma_start3A_445 : memref<520x128xf32, #tpu.memory_space<hbm>>) target(%dma_start3A_442 : memref<520x128xf32, #tpu.memory_space<vmem_shared>>) target_semaphore(%run_scoped3A : memref<!tpu.dma_semaphore, #tpu.memory_space<semaphore_mem>>)
        %dma_wait3A_446 = arith.constant 0 : i32
        %dma_wait3A_447 = tpu.memref_slice %arg8[%multiple_of3A, %dma_wait3A_446] : memref<10000x128xf32, #tpu.memory_space<vmem_shared>> -> memref<520x128xf32, #tpu.memory_space<vmem_shared>>
        %dma_wait3A_448 = arith.constant 0 : i32
        %dma_wait3A_449 = arith.constant 0 : i32
        %dma_wait3A_450 = tpu.memref_slice %arg4[%dma_wait3A_448, %dma_wait3A_449] : memref<632x128xf32, #tpu.memory_space<hbm>> -> memref<520x128xf32, #tpu.memory_space<hbm>>
        tpu.wait_dma2 semaphore(%run_scoped3A : memref<!tpu.dma_semaphore, #tpu.memory_space<semaphore_mem>>) src(%dma_wait3A_450 : memref<520x128xf32, #tpu.memory_space<hbm>>) dst(%dma_wait3A_447 : memref<520x128xf32, #tpu.memory_space<vmem_shared>>)
        tpu.yield
      }) : () -> ()
    } else {
    }
    %barrier3A_193 = arith.constant 0 : index
    tpu.barrier barrier_id(%barrier3A_193)
    %dma_start3A_194 = arith.constant 0 : i32
    %dma_start3A_195 = arith.constant 0 : i32
    %dma_start3A_196 = arith.constant 0 : i32
    %dma_start3A_197 = tpu.memref_slice %arg3[%add3A, %dma_start3A_194, %dma_start3A_195, %dma_start3A_196] : memref<32x125x2x80xi32, #tpu.memory_space<hbm>> -> memref<1x1x2x80xi32, #tpu.memory_space<hbm>>
    %dma_start3A_198 = tpu.memref_squeeze %dma_start3A_197 : memref<1x1x2x80xi32, #tpu.memory_space<hbm>> -> memref<2x80xi32, #tpu.memory_space<hbm>>
    %dma_start3A_199 = arith.constant 0 : i32
    %dma_start3A_200 = arith.constant 0 : i32
    %dma_start3A_201 = tpu.memref_slice %arg3[%add3A, %dma_start3A_194, %dma_start3A_199, %dma_start3A_200] : memref<32x125x2x80xi32, #tpu.memory_space<hbm>> -> memref<1x1x2x80xi32, #tpu.memory_space<hbm>>
    %dma_start3A_202 = tpu.memref_squeeze %dma_start3A_201 : memref<1x1x2x80xi32, #tpu.memory_space<hbm>> -> memref<2x80xi32, #tpu.memory_space<hbm>>
    tpu.enqueue_dma source(%dma_start3A_202 : memref<2x80xi32, #tpu.memory_space<hbm>>) target(%arg9 : memref<2x80xi32, #tpu.memory_space<vmem>>) target_semaphore(%arg17 : memref<!tpu.dma_semaphore, #tpu.memory_space<semaphore_mem>>)
    %dma_start3A_203 = arith.constant 1 : i32
    %dma_start3A_204 = arith.constant 0 : i32
    %dma_start3A_205 = arith.constant 0 : i32
    %dma_start3A_206 = tpu.memref_slice %arg3[%add3A, %dma_start3A_203, %dma_start3A_204, %dma_start3A_205] : memref<32x125x2x80xi32, #tpu.memory_space<hbm>> -> memref<1x1x2x80xi32, #tpu.memory_space<hbm>>
    %dma_start3A_207 = tpu.memref_squeeze %dma_start3A_206 : memref<1x1x2x80xi32, #tpu.memory_space<hbm>> -> memref<2x80xi32, #tpu.memory_space<hbm>>
    %dma_start3A_208 = arith.constant 0 : i32
    %dma_start3A_209 = arith.constant 0 : i32
    %dma_start3A_210 = tpu.memref_slice %arg3[%add3A, %dma_start3A_203, %dma_start3A_208, %dma_start3A_209] : memref<32x125x2x80xi32, #tpu.memory_space<hbm>> -> memref<1x1x2x80xi32, #tpu.memory_space<hbm>>
    %dma_start3A_211 = tpu.memref_squeeze %dma_start3A_210 : memref<1x1x2x80xi32, #tpu.memory_space<hbm>> -> memref<2x80xi32, #tpu.memory_space<hbm>>
    tpu.enqueue_dma source(%dma_start3A_211 : memref<2x80xi32, #tpu.memory_space<hbm>>) target(%arg10 : memref<2x80xi32, #tpu.memory_space<vmem>>) target_semaphore(%arg18 : memref<!tpu.dma_semaphore, #tpu.memory_space<semaphore_mem>>)
    %dma_wait3A_212 = arith.constant 0 : i32
    %dma_wait3A_213 = arith.constant 0 : i32
    %dma_wait3A_214 = arith.constant 0 : i32
    %dma_wait3A_215 = tpu.memref_slice %arg3[%add3A, %dma_wait3A_212, %dma_wait3A_213, %dma_wait3A_214] : memref<32x125x2x80xi32, #tpu.memory_space<hbm>> -> memref<1x1x2x80xi32, #tpu.memory_space<hbm>>
    %dma_wait3A_216 = tpu.memref_squeeze %dma_wait3A_215 : memref<1x1x2x80xi32, #tpu.memory_space<hbm>> -> memref<2x80xi32, #tpu.memory_space<hbm>>
    %dma_wait3A_217 = arith.constant 0 : i32
    %dma_wait3A_218 = arith.constant 0 : i32
    %dma_wait3A_219 = tpu.memref_slice %arg3[%add3A, %dma_wait3A_212, %dma_wait3A_217, %dma_wait3A_218] : memref<32x125x2x80xi32, #tpu.memory_space<hbm>> -> memref<1x1x2x80xi32, #tpu.memory_space<hbm>>
    %dma_wait3A_220 = tpu.memref_squeeze %dma_wait3A_219 : memref<1x1x2x80xi32, #tpu.memory_space<hbm>> -> memref<2x80xi32, #tpu.memory_space<hbm>>
    tpu.wait_dma2 semaphore(%arg17 : memref<!tpu.dma_semaphore, #tpu.memory_space<semaphore_mem>>) src(%dma_wait3A_220 : memref<2x80xi32, #tpu.memory_space<hbm>>) dst(%arg9 : memref<2x80xi32, #tpu.memory_space<vmem>>)
    %dma_start3A_221 = arith.constant 0 : i32
    %dma_start3A_222 = arith.constant 0 : i32
    %dma_start3A_223 = tpu.memref_slice %arg9[%dma_start3A_221, %dma_start3A_222] : memref<2x80xi32, #tpu.memory_space<vmem>> -> memref<1x80xi32, #tpu.memory_space<vmem>>
    %dma_start3A_224 = tpu.memref_squeeze %dma_start3A_223 : memref<1x80xi32, #tpu.memory_space<vmem>> -> memref<80xi32, #tpu.memory_space<vmem>>
    %dma_start3A_225 = arith.constant 0 : i32
    %dma_start3A_226 = arith.constant 0 : i32
    %dma_start3A_227 = tpu.memref_slice %arg2[%dma_start3A_225, %dma_start3A_226] : memref<10000x128xf32, #tpu.memory_space<hbm>> -> memref<10000x128xf32, #tpu.memory_space<hbm>>
    tpu.enqueue_indirect_dma source(%dma_start3A_227 : memref<10000x128xf32, #tpu.memory_space<hbm>>) target(%arg13 : memref<80x128xf32, #tpu.memory_space<vmem>>) offsets(%dma_start3A_224 : memref<80xi32, #tpu.memory_space<vmem>>) semaphore(%arg21 : memref<!tpu.dma_semaphore, #tpu.memory_space<semaphore_mem>>)
    %dma_wait3A_228 = arith.constant 0 : i32
    %dma_wait3A_229 = arith.constant 0 : i32
    %dma_wait3A_230 = arith.constant 0 : i32
    %dma_wait3A_231 = tpu.memref_slice %arg3[%add3A, %dma_wait3A_228, %dma_wait3A_229, %dma_wait3A_230] : memref<32x125x2x80xi32, #tpu.memory_space<hbm>> -> memref<1x1x2x80xi32, #tpu.memory_space<hbm>>
    %dma_wait3A_232 = tpu.memref_squeeze %dma_wait3A_231 : memref<1x1x2x80xi32, #tpu.memory_space<hbm>> -> memref<2x80xi32, #tpu.memory_space<hbm>>
    %dma_wait3A_233 = arith.constant 0 : i32
    %dma_wait3A_234 = arith.constant 0 : i32
    %dma_wait3A_235 = tpu.memref_slice %arg3[%add3A, %dma_wait3A_228, %dma_wait3A_233, %dma_wait3A_234] : memref<32x125x2x80xi32, #tpu.memory_space<hbm>> -> memref<1x1x2x80xi32, #tpu.memory_space<hbm>>
    %dma_wait3A_236 = tpu.memref_squeeze %dma_wait3A_235 : memref<1x1x2x80xi32, #tpu.memory_space<hbm>> -> memref<2x80xi32, #tpu.memory_space<hbm>>
    tpu.wait_dma2 semaphore(%arg18 : memref<!tpu.dma_semaphore, #tpu.memory_space<semaphore_mem>>) src(%dma_wait3A_236 : memref<2x80xi32, #tpu.memory_space<hbm>>) dst(%arg10 : memref<2x80xi32, #tpu.memory_space<vmem>>)
    %dma_start3A_237 = arith.constant 0 : i32
    %dma_start3A_238 = arith.constant 0 : i32
    %dma_start3A_239 = tpu.memref_slice %arg10[%dma_start3A_237, %dma_start3A_238] : memref<2x80xi32, #tpu.memory_space<vmem>> -> memref<1x80xi32, #tpu.memory_space<vmem>>
    %dma_start3A_240 = tpu.memref_squeeze %dma_start3A_239 : memref<1x80xi32, #tpu.memory_space<vmem>> -> memref<80xi32, #tpu.memory_space<vmem>>
    %dma_start3A_241 = arith.constant 0 : i32
    %dma_start3A_242 = arith.constant 0 : i32
    %dma_start3A_243 = tpu.memref_slice %arg2[%dma_start3A_241, %dma_start3A_242] : memref<10000x128xf32, #tpu.memory_space<hbm>> -> memref<10000x128xf32, #tpu.memory_space<hbm>>
    tpu.enqueue_indirect_dma source(%dma_start3A_243 : memref<10000x128xf32, #tpu.memory_space<hbm>>) target(%arg14 : memref<80x128xf32, #tpu.memory_space<vmem>>) offsets(%dma_start3A_240 : memref<80xi32, #tpu.memory_space<vmem>>) semaphore(%arg22 : memref<!tpu.dma_semaphore, #tpu.memory_space<semaphore_mem>>)
    %dma_start3A_244 = arith.constant 2 : i32
    %dma_start3A_245 = arith.constant 0 : i32
    %dma_start3A_246 = arith.constant 0 : i32
    %dma_start3A_247 = tpu.memref_slice %arg3[%add3A, %dma_start3A_244, %dma_start3A_245, %dma_start3A_246] : memref<32x125x2x80xi32, #tpu.memory_space<hbm>> -> memref<1x1x2x80xi32, #tpu.memory_space<hbm>>
    %dma_start3A_248 = tpu.memref_squeeze %dma_start3A_247 : memref<1x1x2x80xi32, #tpu.memory_space<hbm>> -> memref<2x80xi32, #tpu.memory_space<hbm>>
    %dma_start3A_249 = arith.constant 0 : i32
    %dma_start3A_250 = arith.constant 0 : i32
    %dma_start3A_251 = tpu.memref_slice %arg3[%add3A, %dma_start3A_244, %dma_start3A_249, %dma_start3A_250] : memref<32x125x2x80xi32, #tpu.memory_space<hbm>> -> memref<1x1x2x80xi32, #tpu.memory_space<hbm>>
    %dma_start3A_252 = tpu.memref_squeeze %dma_start3A_251 : memref<1x1x2x80xi32, #tpu.memory_space<hbm>> -> memref<2x80xi32, #tpu.memory_space<hbm>>
    tpu.enqueue_dma source(%dma_start3A_252 : memref<2x80xi32, #tpu.memory_space<hbm>>) target(%arg11 : memref<2x80xi32, #tpu.memory_space<vmem>>) target_semaphore(%arg19 : memref<!tpu.dma_semaphore, #tpu.memory_space<semaphore_mem>>)
    %dma_wait3A_253 = arith.constant 0 : i32
    %dma_wait3A_254 = arith.constant 0 : i32
    %dma_wait3A_255 = arith.constant 0 : i32
    %dma_wait3A_256 = tpu.memref_slice %arg3[%add3A, %dma_wait3A_253, %dma_wait3A_254, %dma_wait3A_255] : memref<32x125x2x80xi32, #tpu.memory_space<hbm>> -> memref<1x1x2x80xi32, #tpu.memory_space<hbm>>
    %dma_wait3A_257 = tpu.memref_squeeze %dma_wait3A_256 : memref<1x1x2x80xi32, #tpu.memory_space<hbm>> -> memref<2x80xi32, #tpu.memory_space<hbm>>
    %dma_wait3A_258 = arith.constant 0 : i32
    %dma_wait3A_259 = arith.constant 0 : i32
    %dma_wait3A_260 = tpu.memref_slice %arg3[%add3A, %dma_wait3A_253, %dma_wait3A_258, %dma_wait3A_259] : memref<32x125x2x80xi32, #tpu.memory_space<hbm>> -> memref<1x1x2x80xi32, #tpu.memory_space<hbm>>
    %dma_wait3A_261 = tpu.memref_squeeze %dma_wait3A_260 : memref<1x1x2x80xi32, #tpu.memory_space<hbm>> -> memref<2x80xi32, #tpu.memory_space<hbm>>
    tpu.wait_dma2 semaphore(%arg19 : memref<!tpu.dma_semaphore, #tpu.memory_space<semaphore_mem>>) src(%dma_wait3A_261 : memref<2x80xi32, #tpu.memory_space<hbm>>) dst(%arg11 : memref<2x80xi32, #tpu.memory_space<vmem>>)
    %dma_start3A_262 = arith.constant 0 : i32
    %dma_start3A_263 = arith.constant 0 : i32
    %dma_start3A_264 = tpu.memref_slice %arg11[%dma_start3A_262, %dma_start3A_263] : memref<2x80xi32, #tpu.memory_space<vmem>> -> memref<1x80xi32, #tpu.memory_space<vmem>>
    %dma_start3A_265 = tpu.memref_squeeze %dma_start3A_264 : memref<1x80xi32, #tpu.memory_space<vmem>> -> memref<80xi32, #tpu.memory_space<vmem>>
    %dma_start3A_266 = arith.constant 0 : i32
    %dma_start3A_267 = arith.constant 0 : i32
    %dma_start3A_268 = tpu.memref_slice %arg2[%dma_start3A_266, %dma_start3A_267] : memref<10000x128xf32, #tpu.memory_space<hbm>> -> memref<10000x128xf32, #tpu.memory_space<hbm>>
    tpu.enqueue_indirect_dma source(%dma_start3A_268 : memref<10000x128xf32, #tpu.memory_space<hbm>>) target(%arg15 : memref<80x128xf32, #tpu.memory_space<vmem>>) offsets(%dma_start3A_265 : memref<80xi32, #tpu.memory_space<vmem>>) semaphore(%arg23 : memref<!tpu.dma_semaphore, #tpu.memory_space<semaphore_mem>>)
    %dma_wait3A_269 = arith.constant 0 : i32
    %dma_wait3A_270 = arith.constant 0 : i32
    %dma_wait3A_271 = tpu.memref_slice %arg9[%dma_wait3A_269, %dma_wait3A_270] : memref<2x80xi32, #tpu.memory_space<vmem>> -> memref<1x80xi32, #tpu.memory_space<vmem>>
    %dma_wait3A_272 = tpu.memref_squeeze %dma_wait3A_271 : memref<1x80xi32, #tpu.memory_space<vmem>> -> memref<80xi32, #tpu.memory_space<vmem>>
    %dma_wait3A_273 = arith.constant 0 : i32
    %dma_wait3A_274 = arith.constant 0 : i32
    %dma_wait3A_275 = tpu.memref_slice %arg2[%dma_wait3A_273, %dma_wait3A_274] : memref<10000x128xf32, #tpu.memory_space<hbm>> -> memref<10000x128xf32, #tpu.memory_space<hbm>>
    tpu.wait_indirect_dma semaphore(%arg21 : memref<!tpu.dma_semaphore, #tpu.memory_space<semaphore_mem>>) src(%dma_wait3A_275 : memref<10000x128xf32, #tpu.memory_space<hbm>>) dst(%arg13 : memref<80x128xf32, #tpu.memory_space<vmem>>)
    %dma_start3A_276 = arith.constant 1 : i32
    %dma_start3A_277 = arith.constant 0 : i32
    %dma_start3A_278 = tpu.memref_slice %arg9[%dma_start3A_276, %dma_start3A_277] : memref<2x80xi32, #tpu.memory_space<vmem>> -> memref<1x80xi32, #tpu.memory_space<vmem>>
    %dma_start3A_279 = tpu.memref_squeeze %dma_start3A_278 : memref<1x80xi32, #tpu.memory_space<vmem>> -> memref<80xi32, #tpu.memory_space<vmem>>
    %dma_start3A_280 = arith.constant 0 : i32
    %dma_start3A_281 = arith.constant 0 : i32
    %dma_start3A_282 = tpu.memref_slice %arg8[%dma_start3A_280, %dma_start3A_281] : memref<10000x128xf32, #tpu.memory_space<vmem_shared>> -> memref<10000x128xf32, #tpu.memory_space<vmem_shared>>
    tpu.enqueue_indirect_dma source(%arg13 : memref<80x128xf32, #tpu.memory_space<vmem>>) target(%dma_start3A_282 : memref<10000x128xf32, #tpu.memory_space<vmem_shared>>) offsets(%dma_start3A_279 : memref<80xi32, #tpu.memory_space<vmem>>) semaphore(%arg25 : memref<!tpu.dma_semaphore, #tpu.memory_space<semaphore_mem>>) {add = true}
    %dma_start3A_283 = arith.constant 3 : i32
    %dma_start3A_284 = arith.constant 0 : i32
    %dma_start3A_285 = arith.constant 0 : i32
    %dma_start3A_286 = tpu.memref_slice %arg3[%add3A, %dma_start3A_283, %dma_start3A_284, %dma_start3A_285] : memref<32x125x2x80xi32, #tpu.memory_space<hbm>> -> memref<1x1x2x80xi32, #tpu.memory_space<hbm>>
    %dma_start3A_287 = tpu.memref_squeeze %dma_start3A_286 : memref<1x1x2x80xi32, #tpu.memory_space<hbm>> -> memref<2x80xi32, #tpu.memory_space<hbm>>
    %dma_start3A_288 = arith.constant 0 : i32
    %dma_start3A_289 = arith.constant 0 : i32
    %dma_start3A_290 = tpu.memref_slice %arg3[%add3A, %dma_start3A_283, %dma_start3A_288, %dma_start3A_289] : memref<32x125x2x80xi32, #tpu.memory_space<hbm>> -> memref<1x1x2x80xi32, #tpu.memory_space<hbm>>
    %dma_start3A_291 = tpu.memref_squeeze %dma_start3A_290 : memref<1x1x2x80xi32, #tpu.memory_space<hbm>> -> memref<2x80xi32, #tpu.memory_space<hbm>>
    tpu.enqueue_dma source(%dma_start3A_291 : memref<2x80xi32, #tpu.memory_space<hbm>>) target(%arg12 : memref<2x80xi32, #tpu.memory_space<vmem>>) target_semaphore(%arg20 : memref<!tpu.dma_semaphore, #tpu.memory_space<semaphore_mem>>)
    %dma_wait3A_292 = arith.constant 0 : i32
    %dma_wait3A_293 = arith.constant 0 : i32
    %dma_wait3A_294 = arith.constant 0 : i32
    %dma_wait3A_295 = tpu.memref_slice %arg3[%add3A, %dma_wait3A_292, %dma_wait3A_293, %dma_wait3A_294] : memref<32x125x2x80xi32, #tpu.memory_space<hbm>> -> memref<1x1x2x80xi32, #tpu.memory_space<hbm>>
    %dma_wait3A_296 = tpu.memref_squeeze %dma_wait3A_295 : memref<1x1x2x80xi32, #tpu.memory_space<hbm>> -> memref<2x80xi32, #tpu.memory_space<hbm>>
    %dma_wait3A_297 = arith.constant 0 : i32
    %dma_wait3A_298 = arith.constant 0 : i32
    %dma_wait3A_299 = tpu.memref_slice %arg3[%add3A, %dma_wait3A_292, %dma_wait3A_297, %dma_wait3A_298] : memref<32x125x2x80xi32, #tpu.memory_space<hbm>> -> memref<1x1x2x80xi32, #tpu.memory_space<hbm>>
    %dma_wait3A_300 = tpu.memref_squeeze %dma_wait3A_299 : memref<1x1x2x80xi32, #tpu.memory_space<hbm>> -> memref<2x80xi32, #tpu.memory_space<hbm>>
    tpu.wait_dma2 semaphore(%arg20 : memref<!tpu.dma_semaphore, #tpu.memory_space<semaphore_mem>>) src(%dma_wait3A_300 : memref<2x80xi32, #tpu.memory_space<hbm>>) dst(%arg12 : memref<2x80xi32, #tpu.memory_space<vmem>>)
    %dma_start3A_301 = arith.constant 0 : i32
    %dma_start3A_302 = arith.constant 0 : i32
    %dma_start3A_303 = tpu.memref_slice %arg12[%dma_start3A_301, %dma_start3A_302] : memref<2x80xi32, #tpu.memory_space<vmem>> -> memref<1x80xi32, #tpu.memory_space<vmem>>
    %dma_start3A_304 = tpu.memref_squeeze %dma_start3A_303 : memref<1x80xi32, #tpu.memory_space<vmem>> -> memref<80xi32, #tpu.memory_space<vmem>>
    %dma_start3A_305 = arith.constant 0 : i32
    %dma_start3A_306 = arith.constant 0 : i32
    %dma_start3A_307 = tpu.memref_slice %arg2[%dma_start3A_305, %dma_start3A_306] : memref<10000x128xf32, #tpu.memory_space<hbm>> -> memref<10000x128xf32, #tpu.memory_space<hbm>>
    tpu.enqueue_indirect_dma source(%dma_start3A_307 : memref<10000x128xf32, #tpu.memory_space<hbm>>) target(%arg16 : memref<80x128xf32, #tpu.memory_space<vmem>>) offsets(%dma_start3A_304 : memref<80xi32, #tpu.memory_space<vmem>>) semaphore(%arg24 : memref<!tpu.dma_semaphore, #tpu.memory_space<semaphore_mem>>)
    %dma_wait3A_308 = arith.constant 0 : i32
    %dma_wait3A_309 = arith.constant 0 : i32
    %dma_wait3A_310 = tpu.memref_slice %arg10[%dma_wait3A_308, %dma_wait3A_309] : memref<2x80xi32, #tpu.memory_space<vmem>> -> memref<1x80xi32, #tpu.memory_space<vmem>>
    %dma_wait3A_311 = tpu.memref_squeeze %dma_wait3A_310 : memref<1x80xi32, #tpu.memory_space<vmem>> -> memref<80xi32, #tpu.memory_space<vmem>>
    %dma_wait3A_312 = arith.constant 0 : i32
    %dma_wait3A_313 = arith.constant 0 : i32
    %dma_wait3A_314 = tpu.memref_slice %arg2[%dma_wait3A_312, %dma_wait3A_313] : memref<10000x128xf32, #tpu.memory_space<hbm>> -> memref<10000x128xf32, #tpu.memory_space<hbm>>
    tpu.wait_indirect_dma semaphore(%arg22 : memref<!tpu.dma_semaphore, #tpu.memory_space<semaphore_mem>>) src(%dma_wait3A_314 : memref<10000x128xf32, #tpu.memory_space<hbm>>) dst(%arg14 : memref<80x128xf32, #tpu.memory_space<vmem>>)
    %dma_start3A_315 = arith.constant 1 : i32
    %dma_start3A_316 = arith.constant 0 : i32
    %dma_start3A_317 = tpu.memref_slice %arg10[%dma_start3A_315, %dma_start3A_316] : memref<2x80xi32, #tpu.memory_space<vmem>> -> memref<1x80xi32, #tpu.memory_space<vmem>>
    %dma_start3A_318 = tpu.memref_squeeze %dma_start3A_317 : memref<1x80xi32, #tpu.memory_space<vmem>> -> memref<80xi32, #tpu.memory_space<vmem>>
    %dma_start3A_319 = arith.constant 0 : i32
    %dma_start3A_320 = arith.constant 0 : i32
    %dma_start3A_321 = tpu.memref_slice %arg8[%dma_start3A_319, %dma_start3A_320] : memref<10000x128xf32, #tpu.memory_space<vmem_shared>> -> memref<10000x128xf32, #tpu.memory_space<vmem_shared>>
    tpu.enqueue_indirect_dma source(%arg14 : memref<80x128xf32, #tpu.memory_space<vmem>>) target(%dma_start3A_321 : memref<10000x128xf32, #tpu.memory_space<vmem_shared>>) offsets(%dma_start3A_318 : memref<80xi32, #tpu.memory_space<vmem>>) semaphore(%arg26 : memref<!tpu.dma_semaphore, #tpu.memory_space<semaphore_mem>>) {add = true}
    %scan3A_322 = arith.constant 0 : i32
    %scan3A_323 = arith.constant 0 : i32
    %scan3A_324 = arith.constant 30 : i32
    %scan3A_325 = arith.addi %scan3A_323, %scan3A_324 : i32
    %scan3A_326 = arith.constant 1 : i32
    scf.for %scan3A_441 = %scan3A_323 to %scan3A_325 step %scan3A_326  : i32 {
      %mul3A_442 = arith.constant 4 : i32
      %mul3A_443 = arith.muli %mul3A_442, %scan3A_441 : i32
      %add3A_444 = arith.constant 2 : i32
      %add3A_445 = arith.addi %mul3A_443, %add3A_444 : i32
      %add3A_446 = arith.constant 0 : i32
      %add3A_447 = arith.addi %add3A_445, %add3A_446 : i32
      %dma_wait3A_448 = arith.constant 1 : i32
      %dma_wait3A_449 = arith.constant 0 : i32
      %dma_wait3A_450 = tpu.memref_slice %arg9[%dma_wait3A_448, %dma_wait3A_449] : memref<2x80xi32, #tpu.memory_space<vmem>> -> memref<1x80xi32, #tpu.memory_space<vmem>>
      %dma_wait3A_451 = tpu.memref_squeeze %dma_wait3A_450 : memref<1x80xi32, #tpu.memory_space<vmem>> -> memref<80xi32, #tpu.memory_space<vmem>>
      %dma_wait3A_452 = arith.constant 0 : i32
      %dma_wait3A_453 = arith.constant 0 : i32
      %dma_wait3A_454 = tpu.memref_slice %arg8[%dma_wait3A_452, %dma_wait3A_453] : memref<10000x128xf32, #tpu.memory_space<vmem_shared>> -> memref<10000x128xf32, #tpu.memory_space<vmem_shared>>
      tpu.wait_indirect_dma semaphore(%arg25 : memref<!tpu.dma_semaphore, #tpu.memory_space<semaphore_mem>>) src(%arg13 : memref<80x128xf32, #tpu.memory_space<vmem>>) dst(%dma_wait3A_454 : memref<10000x128xf32, #tpu.memory_space<vmem_shared>>)
      %add3A_455 = arith.constant 2 : i32
      %add3A_456 = arith.addi %add3A_447, %add3A_455 : i32
      %dma_start3A_457 = arith.constant 0 : i32
      %dma_start3A_458 = arith.constant 0 : i32
      %dma_start3A_459 = tpu.memref_slice %arg3[%add3A, %add3A_456, %dma_start3A_457, %dma_start3A_458] : memref<32x125x2x80xi32, #tpu.memory_space<hbm>> -> memref<1x1x2x80xi32, #tpu.memory_space<hbm>>
      %dma_start3A_460 = tpu.memref_squeeze %dma_start3A_459 : memref<1x1x2x80xi32, #tpu.memory_space<hbm>> -> memref<2x80xi32, #tpu.memory_space<hbm>>
      %dma_start3A_461 = arith.constant 0 : i32
      %dma_start3A_462 = arith.constant 0 : i32
      %dma_start3A_463 = tpu.memref_slice %arg3[%add3A, %add3A_456, %dma_start3A_461, %dma_start3A_462] : memref<32x125x2x80xi32, #tpu.memory_space<hbm>> -> memref<1x1x2x80xi32, #tpu.memory_space<hbm>>
      %dma_start3A_464 = tpu.memref_squeeze %dma_start3A_463 : memref<1x1x2x80xi32, #tpu.memory_space<hbm>> -> memref<2x80xi32, #tpu.memory_space<hbm>>
      tpu.enqueue_dma source(%dma_start3A_464 : memref<2x80xi32, #tpu.memory_space<hbm>>) target(%arg9 : memref<2x80xi32, #tpu.memory_space<vmem>>) target_semaphore(%arg17 : memref<!tpu.dma_semaphore, #tpu.memory_space<semaphore_mem>>)
      %dma_wait3A_465 = arith.constant 0 : i32
      %dma_wait3A_466 = arith.constant 0 : i32
      %dma_wait3A_467 = arith.constant 0 : i32
      %dma_wait3A_468 = tpu.memref_slice %arg3[%add3A, %dma_wait3A_465, %dma_wait3A_466, %dma_wait3A_467] : memref<32x125x2x80xi32, #tpu.memory_space<hbm>> -> memref<1x1x2x80xi32, #tpu.memory_space<hbm>>
      %dma_wait3A_469 = tpu.memref_squeeze %dma_wait3A_468 : memref<1x1x2x80xi32, #tpu.memory_space<hbm>> -> memref<2x80xi32, #tpu.memory_space<hbm>>
      %dma_wait3A_470 = arith.constant 0 : i32
      %dma_wait3A_471 = arith.constant 0 : i32
      %dma_wait3A_472 = tpu.memref_slice %arg3[%add3A, %dma_wait3A_465, %dma_wait3A_470, %dma_wait3A_471] : memref<32x125x2x80xi32, #tpu.memory_space<hbm>> -> memref<1x1x2x80xi32, #tpu.memory_space<hbm>>
      %dma_wait3A_473 = tpu.memref_squeeze %dma_wait3A_472 : memref<1x1x2x80xi32, #tpu.memory_space<hbm>> -> memref<2x80xi32, #tpu.memory_space<hbm>>
      tpu.wait_dma2 semaphore(%arg17 : memref<!tpu.dma_semaphore, #tpu.memory_space<semaphore_mem>>) src(%dma_wait3A_473 : memref<2x80xi32, #tpu.memory_space<hbm>>) dst(%arg9 : memref<2x80xi32, #tpu.memory_space<vmem>>)
      %dma_start3A_474 = arith.constant 0 : i32
      %dma_start3A_475 = arith.constant 0 : i32
      %dma_start3A_476 = tpu.memref_slice %arg9[%dma_start3A_474, %dma_start3A_475] : memref<2x80xi32, #tpu.memory_space<vmem>> -> memref<1x80xi32, #tpu.memory_space<vmem>>
      %dma_start3A_477 = tpu.memref_squeeze %dma_start3A_476 : memref<1x80xi32, #tpu.memory_space<vmem>> -> memref<80xi32, #tpu.memory_space<vmem>>
      %dma_start3A_478 = arith.constant 0 : i32
      %dma_start3A_479 = arith.constant 0 : i32
      %dma_start3A_480 = tpu.memref_slice %arg2[%dma_start3A_478, %dma_start3A_479] : memref<10000x128xf32, #tpu.memory_space<hbm>> -> memref<10000x128xf32, #tpu.memory_space<hbm>>
      tpu.enqueue_indirect_dma source(%dma_start3A_480 : memref<10000x128xf32, #tpu.memory_space<hbm>>) target(%arg13 : memref<80x128xf32, #tpu.memory_space<vmem>>) offsets(%dma_start3A_477 : memref<80xi32, #tpu.memory_space<vmem>>) semaphore(%arg21 : memref<!tpu.dma_semaphore, #tpu.memory_space<semaphore_mem>>)
      %dma_wait3A_481 = arith.constant 0 : i32
      %dma_wait3A_482 = arith.constant 0 : i32
      %dma_wait3A_483 = tpu.memref_slice %arg11[%dma_wait3A_481, %dma_wait3A_482] : memref<2x80xi32, #tpu.memory_space<vmem>> -> memref<1x80xi32, #tpu.memory_space<vmem>>
      %dma_wait3A_484 = tpu.memref_squeeze %dma_wait3A_483 : memref<1x80xi32, #tpu.memory_space<vmem>> -> memref<80xi32, #tpu.memory_space<vmem>>
      %dma_wait3A_485 = arith.constant 0 : i32
      %dma_wait3A_486 = arith.constant 0 : i32
      %dma_wait3A_487 = tpu.memref_slice %arg2[%dma_wait3A_485, %dma_wait3A_486] : memref<10000x128xf32, #tpu.memory_space<hbm>> -> memref<10000x128xf32, #tpu.memory_space<hbm>>
      tpu.wait_indirect_dma semaphore(%arg23 : memref<!tpu.dma_semaphore, #tpu.memory_space<semaphore_mem>>) src(%dma_wait3A_487 : memref<10000x128xf32, #tpu.memory_space<hbm>>) dst(%arg15 : memref<80x128xf32, #tpu.memory_space<vmem>>)
      %dma_start3A_488 = arith.constant 1 : i32
      %dma_start3A_489 = arith.constant 0 : i32
      %dma_start3A_490 = tpu.memref_slice %arg11[%dma_start3A_488, %dma_start3A_489] : memref<2x80xi32, #tpu.memory_space<vmem>> -> memref<1x80xi32, #tpu.memory_space<vmem>>
      %dma_start3A_491 = tpu.memref_squeeze %dma_start3A_490 : memref<1x80xi32, #tpu.memory_space<vmem>> -> memref<80xi32, #tpu.memory_space<vmem>>
      %dma_start3A_492 = arith.constant 0 : i32
      %dma_start3A_493 = arith.constant 0 : i32
      %dma_start3A_494 = tpu.memref_slice %arg8[%dma_start3A_492, %dma_start3A_493] : memref<10000x128xf32, #tpu.memory_space<vmem_shared>> -> memref<10000x128xf32, #tpu.memory_space<vmem_shared>>
      tpu.enqueue_indirect_dma source(%arg15 : memref<80x128xf32, #tpu.memory_space<vmem>>) target(%dma_start3A_494 : memref<10000x128xf32, #tpu.memory_space<vmem_shared>>) offsets(%dma_start3A_491 : memref<80xi32, #tpu.memory_space<vmem>>) semaphore(%arg27 : memref<!tpu.dma_semaphore, #tpu.memory_space<semaphore_mem>>) {add = true}
      %add3A_495 = arith.constant 1 : i32
      %add3A_496 = arith.addi %add3A_445, %add3A_495 : i32
      %dma_wait3A_497 = arith.constant 1 : i32
      %dma_wait3A_498 = arith.constant 0 : i32
      %dma_wait3A_499 = tpu.memref_slice %arg10[%dma_wait3A_497, %dma_wait3A_498] : memref<2x80xi32, #tpu.memory_space<vmem>> -> memref<1x80xi32, #tpu.memory_space<vmem>>
      %dma_wait3A_500 = tpu.memref_squeeze %dma_wait3A_499 : memref<1x80xi32, #tpu.memory_space<vmem>> -> memref<80xi32, #tpu.memory_space<vmem>>
      %dma_wait3A_501 = arith.constant 0 : i32
      %dma_wait3A_502 = arith.constant 0 : i32
      %dma_wait3A_503 = tpu.memref_slice %arg8[%dma_wait3A_501, %dma_wait3A_502] : memref<10000x128xf32, #tpu.memory_space<vmem_shared>> -> memref<10000x128xf32, #tpu.memory_space<vmem_shared>>
      tpu.wait_indirect_dma semaphore(%arg26 : memref<!tpu.dma_semaphore, #tpu.memory_space<semaphore_mem>>) src(%arg14 : memref<80x128xf32, #tpu.memory_space<vmem>>) dst(%dma_wait3A_503 : memref<10000x128xf32, #tpu.memory_space<vmem_shared>>)
      %add3A_504 = arith.constant 2 : i32
      %add3A_505 = arith.addi %add3A_496, %add3A_504 : i32
      %dma_start3A_506 = arith.constant 0 : i32
      %dma_start3A_507 = arith.constant 0 : i32
      %dma_start3A_508 = tpu.memref_slice %arg3[%add3A, %add3A_505, %dma_start3A_506, %dma_start3A_507] : memref<32x125x2x80xi32, #tpu.memory_space<hbm>> -> memref<1x1x2x80xi32, #tpu.memory_space<hbm>>
      %dma_start3A_509 = tpu.memref_squeeze %dma_start3A_508 : memref<1x1x2x80xi32, #tpu.memory_space<hbm>> -> memref<2x80xi32, #tpu.memory_space<hbm>>
      %dma_start3A_510 = arith.constant 0 : i32
      %dma_start3A_511 = arith.constant 0 : i32
      %dma_start3A_512 = tpu.memref_slice %arg3[%add3A, %add3A_505, %dma_start3A_510, %dma_start3A_511] : memref<32x125x2x80xi32, #tpu.memory_space<hbm>> -> memref<1x1x2x80xi32, #tpu.memory_space<hbm>>
      %dma_start3A_513 = tpu.memref_squeeze %dma_start3A_512 : memref<1x1x2x80xi32, #tpu.memory_space<hbm>> -> memref<2x80xi32, #tpu.memory_space<hbm>>
      tpu.enqueue_dma source(%dma_start3A_513 : memref<2x80xi32, #tpu.memory_space<hbm>>) target(%arg10 : memref<2x80xi32, #tpu.memory_space<vmem>>) target_semaphore(%arg18 : memref<!tpu.dma_semaphore, #tpu.memory_space<semaphore_mem>>)
      %dma_wait3A_514 = arith.constant 0 : i32
      %dma_wait3A_515 = arith.constant 0 : i32
      %dma_wait3A_516 = arith.constant 0 : i32
      %dma_wait3A_517 = tpu.memref_slice %arg3[%add3A, %dma_wait3A_514, %dma_wait3A_515, %dma_wait3A_516] : memref<32x125x2x80xi32, #tpu.memory_space<hbm>> -> memref<1x1x2x80xi32, #tpu.memory_space<hbm>>
      %dma_wait3A_518 = tpu.memref_squeeze %dma_wait3A_517 : memref<1x1x2x80xi32, #tpu.memory_space<hbm>> -> memref<2x80xi32, #tpu.memory_space<hbm>>
      %dma_wait3A_519 = arith.constant 0 : i32
      %dma_wait3A_520 = arith.constant 0 : i32
      %dma_wait3A_521 = tpu.memref_slice %arg3[%add3A, %dma_wait3A_514, %dma_wait3A_519, %dma_wait3A_520] : memref<32x125x2x80xi32, #tpu.memory_space<hbm>> -> memref<1x1x2x80xi32, #tpu.memory_space<hbm>>
      %dma_wait3A_522 = tpu.memref_squeeze %dma_wait3A_521 : memref<1x1x2x80xi32, #tpu.memory_space<hbm>> -> memref<2x80xi32, #tpu.memory_space<hbm>>
      tpu.wait_dma2 semaphore(%arg18 : memref<!tpu.dma_semaphore, #tpu.memory_space<semaphore_mem>>) src(%dma_wait3A_522 : memref<2x80xi32, #tpu.memory_space<hbm>>) dst(%arg10 : memref<2x80xi32, #tpu.memory_space<vmem>>)
      %dma_start3A_523 = arith.constant 0 : i32
      %dma_start3A_524 = arith.constant 0 : i32
      %dma_start3A_525 = tpu.memref_slice %arg10[%dma_start3A_523, %dma_start3A_524] : memref<2x80xi32, #tpu.memory_space<vmem>> -> memref<1x80xi32, #tpu.memory_space<vmem>>
      %dma_start3A_526 = tpu.memref_squeeze %dma_start3A_525 : memref<1x80xi32, #tpu.memory_space<vmem>> -> memref<80xi32, #tpu.memory_space<vmem>>
      %dma_start3A_527 = arith.constant 0 : i32
      %dma_start3A_528 = arith.constant 0 : i32
      %dma_start3A_529 = tpu.memref_slice %arg2[%dma_start3A_527, %dma_start3A_528] : memref<10000x128xf32, #tpu.memory_space<hbm>> -> memref<10000x128xf32, #tpu.memory_space<hbm>>
      tpu.enqueue_indirect_dma source(%dma_start3A_529 : memref<10000x128xf32, #tpu.memory_space<hbm>>) target(%arg14 : memref<80x128xf32, #tpu.memory_space<vmem>>) offsets(%dma_start3A_526 : memref<80xi32, #tpu.memory_space<vmem>>) semaphore(%arg22 : memref<!tpu.dma_semaphore, #tpu.memory_space<semaphore_mem>>)
      %dma_wait3A_530 = arith.constant 0 : i32
      %dma_wait3A_531 = arith.constant 0 : i32
      %dma_wait3A_532 = tpu.memref_slice %arg12[%dma_wait3A_530, %dma_wait3A_531] : memref<2x80xi32, #tpu.memory_space<vmem>> -> memref<1x80xi32, #tpu.memory_space<vmem>>
      %dma_wait3A_533 = tpu.memref_squeeze %dma_wait3A_532 : memref<1x80xi32, #tpu.memory_space<vmem>> -> memref<80xi32, #tpu.memory_space<vmem>>
      %dma_wait3A_534 = arith.constant 0 : i32
      %dma_wait3A_535 = arith.constant 0 : i32
      %dma_wait3A_536 = tpu.memref_slice %arg2[%dma_wait3A_534, %dma_wait3A_535] : memref<10000x128xf32, #tpu.memory_space<hbm>> -> memref<10000x128xf32, #tpu.memory_space<hbm>>
      tpu.wait_indirect_dma semaphore(%arg24 : memref<!tpu.dma_semaphore, #tpu.memory_space<semaphore_mem>>) src(%dma_wait3A_536 : memref<10000x128xf32, #tpu.memory_space<hbm>>) dst(%arg16 : memref<80x128xf32, #tpu.memory_space<vmem>>)
      %dma_start3A_537 = arith.constant 1 : i32
      %dma_start3A_538 = arith.constant 0 : i32
      %dma_start3A_539 = tpu.memref_slice %arg12[%dma_start3A_537, %dma_start3A_538] : memref<2x80xi32, #tpu.memory_space<vmem>> -> memref<1x80xi32, #tpu.memory_space<vmem>>
      %dma_start3A_540 = tpu.memref_squeeze %dma_start3A_539 : memref<1x80xi32, #tpu.memory_space<vmem>> -> memref<80xi32, #tpu.memory_space<vmem>>
      %dma_start3A_541 = arith.constant 0 : i32
      %dma_start3A_542 = arith.constant 0 : i32
      %dma_start3A_543 = tpu.memref_slice %arg8[%dma_start3A_541, %dma_start3A_542] : memref<10000x128xf32, #tpu.memory_space<vmem_shared>> -> memref<10000x128xf32, #tpu.memory_space<vmem_shared>>
      tpu.enqueue_indirect_dma source(%arg16 : memref<80x128xf32, #tpu.memory_space<vmem>>) target(%dma_start3A_543 : memref<10000x128xf32, #tpu.memory_space<vmem_shared>>) offsets(%dma_start3A_540 : memref<80xi32, #tpu.memory_space<vmem>>) semaphore(%arg28 : memref<!tpu.dma_semaphore, #tpu.memory_space<semaphore_mem>>) {add = true}
      %add3A_544 = arith.constant 2 : i32
      %add3A_545 = arith.addi %add3A_445, %add3A_544 : i32
      %dma_wait3A_546 = arith.constant 1 : i32
      %dma_wait3A_547 = arith.constant 0 : i32
      %dma_wait3A_548 = tpu.memref_slice %arg11[%dma_wait3A_546, %dma_wait3A_547] : memref<2x80xi32, #tpu.memory_space<vmem>> -> memref<1x80xi32, #tpu.memory_space<vmem>>
      %dma_wait3A_549 = tpu.memref_squeeze %dma_wait3A_548 : memref<1x80xi32, #tpu.memory_space<vmem>> -> memref<80xi32, #tpu.memory_space<vmem>>
      %dma_wait3A_550 = arith.constant 0 : i32
      %dma_wait3A_551 = arith.constant 0 : i32
      %dma_wait3A_552 = tpu.memref_slice %arg8[%dma_wait3A_550, %dma_wait3A_551] : memref<10000x128xf32, #tpu.memory_space<vmem_shared>> -> memref<10000x128xf32, #tpu.memory_space<vmem_shared>>
      tpu.wait_indirect_dma semaphore(%arg27 : memref<!tpu.dma_semaphore, #tpu.memory_space<semaphore_mem>>) src(%arg15 : memref<80x128xf32, #tpu.memory_space<vmem>>) dst(%dma_wait3A_552 : memref<10000x128xf32, #tpu.memory_space<vmem_shared>>)
      %add3A_553 = arith.constant 2 : i32
      %add3A_554 = arith.addi %add3A_545, %add3A_553 : i32
      %dma_start3A_555 = arith.constant 0 : i32
      %dma_start3A_556 = arith.constant 0 : i32
      %dma_start3A_557 = tpu.memref_slice %arg3[%add3A, %add3A_554, %dma_start3A_555, %dma_start3A_556] : memref<32x125x2x80xi32, #tpu.memory_space<hbm>> -> memref<1x1x2x80xi32, #tpu.memory_space<hbm>>
      %dma_start3A_558 = tpu.memref_squeeze %dma_start3A_557 : memref<1x1x2x80xi32, #tpu.memory_space<hbm>> -> memref<2x80xi32, #tpu.memory_space<hbm>>
      %dma_start3A_559 = arith.constant 0 : i32
      %dma_start3A_560 = arith.constant 0 : i32
      %dma_start3A_561 = tpu.memref_slice %arg3[%add3A, %add3A_554, %dma_start3A_559, %dma_start3A_560] : memref<32x125x2x80xi32, #tpu.memory_space<hbm>> -> memref<1x1x2x80xi32, #tpu.memory_space<hbm>>
      %dma_start3A_562 = tpu.memref_squeeze %dma_start3A_561 : memref<1x1x2x80xi32, #tpu.memory_space<hbm>> -> memref<2x80xi32, #tpu.memory_space<hbm>>
      tpu.enqueue_dma source(%dma_start3A_562 : memref<2x80xi32, #tpu.memory_space<hbm>>) target(%arg11 : memref<2x80xi32, #tpu.memory_space<vmem>>) target_semaphore(%arg19 : memref<!tpu.dma_semaphore, #tpu.memory_space<semaphore_mem>>)
      %dma_wait3A_563 = arith.constant 0 : i32
      %dma_wait3A_564 = arith.constant 0 : i32
      %dma_wait3A_565 = arith.constant 0 : i32
      %dma_wait3A_566 = tpu.memref_slice %arg3[%add3A, %dma_wait3A_563, %dma_wait3A_564, %dma_wait3A_565] : memref<32x125x2x80xi32, #tpu.memory_space<hbm>> -> memref<1x1x2x80xi32, #tpu.memory_space<hbm>>
      %dma_wait3A_567 = tpu.memref_squeeze %dma_wait3A_566 : memref<1x1x2x80xi32, #tpu.memory_space<hbm>> -> memref<2x80xi32, #tpu.memory_space<hbm>>
      %dma_wait3A_568 = arith.constant 0 : i32
      %dma_wait3A_569 = arith.constant 0 : i32
      %dma_wait3A_570 = tpu.memref_slice %arg3[%add3A, %dma_wait3A_563, %dma_wait3A_568, %dma_wait3A_569] : memref<32x125x2x80xi32, #tpu.memory_space<hbm>> -> memref<1x1x2x80xi32, #tpu.memory_space<hbm>>
      %dma_wait3A_571 = tpu.memref_squeeze %dma_wait3A_570 : memref<1x1x2x80xi32, #tpu.memory_space<hbm>> -> memref<2x80xi32, #tpu.memory_space<hbm>>
      tpu.wait_dma2 semaphore(%arg19 : memref<!tpu.dma_semaphore, #tpu.memory_space<semaphore_mem>>) src(%dma_wait3A_571 : memref<2x80xi32, #tpu.memory_space<hbm>>) dst(%arg11 : memref<2x80xi32, #tpu.memory_space<vmem>>)
      %dma_start3A_572 = arith.constant 0 : i32
      %dma_start3A_573 = arith.constant 0 : i32
      %dma_start3A_574 = tpu.memref_slice %arg11[%dma_start3A_572, %dma_start3A_573] : memref<2x80xi32, #tpu.memory_space<vmem>> -> memref<1x80xi32, #tpu.memory_space<vmem>>
      %dma_start3A_575 = tpu.memref_squeeze %dma_start3A_574 : memref<1x80xi32, #tpu.memory_space<vmem>> -> memref<80xi32, #tpu.memory_space<vmem>>
      %dma_start3A_576 = arith.constant 0 : i32
      %dma_start3A_577 = arith.constant 0 : i32
      %dma_start3A_578 = tpu.memref_slice %arg2[%dma_start3A_576, %dma_start3A_577] : memref<10000x128xf32, #tpu.memory_space<hbm>> -> memref<10000x128xf32, #tpu.memory_space<hbm>>
      tpu.enqueue_indirect_dma source(%dma_start3A_578 : memref<10000x128xf32, #tpu.memory_space<hbm>>) target(%arg15 : memref<80x128xf32, #tpu.memory_space<vmem>>) offsets(%dma_start3A_575 : memref<80xi32, #tpu.memory_space<vmem>>) semaphore(%arg23 : memref<!tpu.dma_semaphore, #tpu.memory_space<semaphore_mem>>)
      %dma_wait3A_579 = arith.constant 0 : i32
      %dma_wait3A_580 = arith.constant 0 : i32
      %dma_wait3A_581 = tpu.memref_slice %arg9[%dma_wait3A_579, %dma_wait3A_580] : memref<2x80xi32, #tpu.memory_space<vmem>> -> memref<1x80xi32, #tpu.memory_space<vmem>>
      %dma_wait3A_582 = tpu.memref_squeeze %dma_wait3A_581 : memref<1x80xi32, #tpu.memory_space<vmem>> -> memref<80xi32, #tpu.memory_space<vmem>>
      %dma_wait3A_583 = arith.constant 0 : i32
      %dma_wait3A_584 = arith.constant 0 : i32
      %dma_wait3A_585 = tpu.memref_slice %arg2[%dma_wait3A_583, %dma_wait3A_584] : memref<10000x128xf32, #tpu.memory_space<hbm>> -> memref<10000x128xf32, #tpu.memory_space<hbm>>
      tpu.wait_indirect_dma semaphore(%arg21 : memref<!tpu.dma_semaphore, #tpu.memory_space<semaphore_mem>>) src(%dma_wait3A_585 : memref<10000x128xf32, #tpu.memory_space<hbm>>) dst(%arg13 : memref<80x128xf32, #tpu.memory_space<vmem>>)
      %dma_start3A_586 = arith.constant 1 : i32
      %dma_start3A_587 = arith.constant 0 : i32
      %dma_start3A_588 = tpu.memref_slice %arg9[%dma_start3A_586, %dma_start3A_587] : memref<2x80xi32, #tpu.memory_space<vmem>> -> memref<1x80xi32, #tpu.memory_space<vmem>>
      %dma_start3A_589 = tpu.memref_squeeze %dma_start3A_588 : memref<1x80xi32, #tpu.memory_space<vmem>> -> memref<80xi32, #tpu.memory_space<vmem>>
      %dma_start3A_590 = arith.constant 0 : i32
      %dma_start3A_591 = arith.constant 0 : i32
      %dma_start3A_592 = tpu.memref_slice %arg8[%dma_start3A_590, %dma_start3A_591] : memref<10000x128xf32, #tpu.memory_space<vmem_shared>> -> memref<10000x128xf32, #tpu.memory_space<vmem_shared>>
      tpu.enqueue_indirect_dma source(%arg13 : memref<80x128xf32, #tpu.memory_space<vmem>>) target(%dma_start3A_592 : memref<10000x128xf32, #tpu.memory_space<vmem_shared>>) offsets(%dma_start3A_589 : memref<80xi32, #tpu.memory_space<vmem>>) semaphore(%arg25 : memref<!tpu.dma_semaphore, #tpu.memory_space<semaphore_mem>>) {add = true}
      %add3A_593 = arith.constant 3 : i32
      %add3A_594 = arith.addi %add3A_445, %add3A_593 : i32
      %dma_wait3A_595 = arith.constant 1 : i32
      %dma_wait3A_596 = arith.constant 0 : i32
      %dma_wait3A_597 = tpu.memref_slice %arg12[%dma_wait3A_595, %dma_wait3A_596] : memref<2x80xi32, #tpu.memory_space<vmem>> -> memref<1x80xi32, #tpu.memory_space<vmem>>
      %dma_wait3A_598 = tpu.memref_squeeze %dma_wait3A_597 : memref<1x80xi32, #tpu.memory_space<vmem>> -> memref<80xi32, #tpu.memory_space<vmem>>
      %dma_wait3A_599 = arith.constant 0 : i32
      %dma_wait3A_600 = arith.constant 0 : i32
      %dma_wait3A_601 = tpu.memref_slice %arg8[%dma_wait3A_599, %dma_wait3A_600] : memref<10000x128xf32, #tpu.memory_space<vmem_shared>> -> memref<10000x128xf32, #tpu.memory_space<vmem_shared>>
      tpu.wait_indirect_dma semaphore(%arg28 : memref<!tpu.dma_semaphore, #tpu.memory_space<semaphore_mem>>) src(%arg16 : memref<80x128xf32, #tpu.memory_space<vmem>>) dst(%dma_wait3A_601 : memref<10000x128xf32, #tpu.memory_space<vmem_shared>>)
      %add3A_602 = arith.constant 2 : i32
      %add3A_603 = arith.addi %add3A_594, %add3A_602 : i32
      %dma_start3A_604 = arith.constant 0 : i32
      %dma_start3A_605 = arith.constant 0 : i32
      %dma_start3A_606 = tpu.memref_slice %arg3[%add3A, %add3A_603, %dma_start3A_604, %dma_start3A_605] : memref<32x125x2x80xi32, #tpu.memory_space<hbm>> -> memref<1x1x2x80xi32, #tpu.memory_space<hbm>>
      %dma_start3A_607 = tpu.memref_squeeze %dma_start3A_606 : memref<1x1x2x80xi32, #tpu.memory_space<hbm>> -> memref<2x80xi32, #tpu.memory_space<hbm>>
      %dma_start3A_608 = arith.constant 0 : i32
      %dma_start3A_609 = arith.constant 0 : i32
      %dma_start3A_610 = tpu.memref_slice %arg3[%add3A, %add3A_603, %dma_start3A_608, %dma_start3A_609] : memref<32x125x2x80xi32, #tpu.memory_space<hbm>> -> memref<1x1x2x80xi32, #tpu.memory_space<hbm>>
      %dma_start3A_611 = tpu.memref_squeeze %dma_start3A_610 : memref<1x1x2x80xi32, #tpu.memory_space<hbm>> -> memref<2x80xi32, #tpu.memory_space<hbm>>
      tpu.enqueue_dma source(%dma_start3A_611 : memref<2x80xi32, #tpu.memory_space<hbm>>) target(%arg12 : memref<2x80xi32, #tpu.memory_space<vmem>>) target_semaphore(%arg20 : memref<!tpu.dma_semaphore, #tpu.memory_space<semaphore_mem>>)
      %dma_wait3A_612 = arith.constant 0 : i32
      %dma_wait3A_613 = arith.constant 0 : i32
      %dma_wait3A_614 = arith.constant 0 : i32
      %dma_wait3A_615 = tpu.memref_slice %arg3[%add3A, %dma_wait3A_612, %dma_wait3A_613, %dma_wait3A_614] : memref<32x125x2x80xi32, #tpu.memory_space<hbm>> -> memref<1x1x2x80xi32, #tpu.memory_space<hbm>>
      %dma_wait3A_616 = tpu.memref_squeeze %dma_wait3A_615 : memref<1x1x2x80xi32, #tpu.memory_space<hbm>> -> memref<2x80xi32, #tpu.memory_space<hbm>>
      %dma_wait3A_617 = arith.constant 0 : i32
      %dma_wait3A_618 = arith.constant 0 : i32
      %dma_wait3A_619 = tpu.memref_slice %arg3[%add3A, %dma_wait3A_612, %dma_wait3A_617, %dma_wait3A_618] : memref<32x125x2x80xi32, #tpu.memory_space<hbm>> -> memref<1x1x2x80xi32, #tpu.memory_space<hbm>>
      %dma_wait3A_620 = tpu.memref_squeeze %dma_wait3A_619 : memref<1x1x2x80xi32, #tpu.memory_space<hbm>> -> memref<2x80xi32, #tpu.memory_space<hbm>>
      tpu.wait_dma2 semaphore(%arg20 : memref<!tpu.dma_semaphore, #tpu.memory_space<semaphore_mem>>) src(%dma_wait3A_620 : memref<2x80xi32, #tpu.memory_space<hbm>>) dst(%arg12 : memref<2x80xi32, #tpu.memory_space<vmem>>)
      %dma_start3A_621 = arith.constant 0 : i32
      %dma_start3A_622 = arith.constant 0 : i32
      %dma_start3A_623 = tpu.memref_slice %arg12[%dma_start3A_621, %dma_start3A_622] : memref<2x80xi32, #tpu.memory_space<vmem>> -> memref<1x80xi32, #tpu.memory_space<vmem>>
      %dma_start3A_624 = tpu.memref_squeeze %dma_start3A_623 : memref<1x80xi32, #tpu.memory_space<vmem>> -> memref<80xi32, #tpu.memory_space<vmem>>
      %dma_start3A_625 = arith.constant 0 : i32
      %dma_start3A_626 = arith.constant 0 : i32
      %dma_start3A_627 = tpu.memref_slice %arg2[%dma_start3A_625, %dma_start3A_626] : memref<10000x128xf32, #tpu.memory_space<hbm>> -> memref<10000x128xf32, #tpu.memory_space<hbm>>
      tpu.enqueue_indirect_dma source(%dma_start3A_627 : memref<10000x128xf32, #tpu.memory_space<hbm>>) target(%arg16 : memref<80x128xf32, #tpu.memory_space<vmem>>) offsets(%dma_start3A_624 : memref<80xi32, #tpu.memory_space<vmem>>) semaphore(%arg24 : memref<!tpu.dma_semaphore, #tpu.memory_space<semaphore_mem>>)
      %dma_wait3A_628 = arith.constant 0 : i32
      %dma_wait3A_629 = arith.constant 0 : i32
      %dma_wait3A_630 = tpu.memref_slice %arg10[%dma_wait3A_628, %dma_wait3A_629] : memref<2x80xi32, #tpu.memory_space<vmem>> -> memref<1x80xi32, #tpu.memory_space<vmem>>
      %dma_wait3A_631 = tpu.memref_squeeze %dma_wait3A_630 : memref<1x80xi32, #tpu.memory_space<vmem>> -> memref<80xi32, #tpu.memory_space<vmem>>
      %dma_wait3A_632 = arith.constant 0 : i32
      %dma_wait3A_633 = arith.constant 0 : i32
      %dma_wait3A_634 = tpu.memref_slice %arg2[%dma_wait3A_632, %dma_wait3A_633] : memref<10000x128xf32, #tpu.memory_space<hbm>> -> memref<10000x128xf32, #tpu.memory_space<hbm>>
      tpu.wait_indirect_dma semaphore(%arg22 : memref<!tpu.dma_semaphore, #tpu.memory_space<semaphore_mem>>) src(%dma_wait3A_634 : memref<10000x128xf32, #tpu.memory_space<hbm>>) dst(%arg14 : memref<80x128xf32, #tpu.memory_space<vmem>>)
      %dma_start3A_635 = arith.constant 1 : i32
      %dma_start3A_636 = arith.constant 0 : i32
      %dma_start3A_637 = tpu.memref_slice %arg10[%dma_start3A_635, %dma_start3A_636] : memref<2x80xi32, #tpu.memory_space<vmem>> -> memref<1x80xi32, #tpu.memory_space<vmem>>
      %dma_start3A_638 = tpu.memref_squeeze %dma_start3A_637 : memref<1x80xi32, #tpu.memory_space<vmem>> -> memref<80xi32, #tpu.memory_space<vmem>>
      %dma_start3A_639 = arith.constant 0 : i32
      %dma_start3A_640 = arith.constant 0 : i32
      %dma_start3A_641 = tpu.memref_slice %arg8[%dma_start3A_639, %dma_start3A_640] : memref<10000x128xf32, #tpu.memory_space<vmem_shared>> -> memref<10000x128xf32, #tpu.memory_space<vmem_shared>>
      tpu.enqueue_indirect_dma source(%arg14 : memref<80x128xf32, #tpu.memory_space<vmem>>) target(%dma_start3A_641 : memref<10000x128xf32, #tpu.memory_space<vmem_shared>>) offsets(%dma_start3A_638 : memref<80xi32, #tpu.memory_space<vmem>>) semaphore(%arg26 : memref<!tpu.dma_semaphore, #tpu.memory_space<semaphore_mem>>) {add = true}
    }
    %scan3A_327 = arith.constant 30 : i32
    %dma_wait3A_328 = arith.constant 1 : i32
    %dma_wait3A_329 = arith.constant 0 : i32
    %dma_wait3A_330 = tpu.memref_slice %arg9[%dma_wait3A_328, %dma_wait3A_329] : memref<2x80xi32, #tpu.memory_space<vmem>> -> memref<1x80xi32, #tpu.memory_space<vmem>>
    %dma_wait3A_331 = tpu.memref_squeeze %dma_wait3A_330 : memref<1x80xi32, #tpu.memory_space<vmem>> -> memref<80xi32, #tpu.memory_space<vmem>>
    %dma_wait3A_332 = arith.constant 0 : i32
    %dma_wait3A_333 = arith.constant 0 : i32
    %dma_wait3A_334 = tpu.memref_slice %arg8[%dma_wait3A_332, %dma_wait3A_333] : memref<10000x128xf32, #tpu.memory_space<vmem_shared>> -> memref<10000x128xf32, #tpu.memory_space<vmem_shared>>
    tpu.wait_indirect_dma semaphore(%arg25 : memref<!tpu.dma_semaphore, #tpu.memory_space<semaphore_mem>>) src(%arg13 : memref<80x128xf32, #tpu.memory_space<vmem>>) dst(%dma_wait3A_334 : memref<10000x128xf32, #tpu.memory_space<vmem_shared>>)
    %dma_start3A_335 = arith.constant 124 : i32
    %dma_start3A_336 = arith.constant 0 : i32
    %dma_start3A_337 = arith.constant 0 : i32
    %dma_start3A_338 = tpu.memref_slice %arg3[%add3A, %dma_start3A_335, %dma_start3A_336, %dma_start3A_337] : memref<32x125x2x80xi32, #tpu.memory_space<hbm>> -> memref<1x1x2x80xi32, #tpu.memory_space<hbm>>
    %dma_start3A_339 = tpu.memref_squeeze %dma_start3A_338 : memref<1x1x2x80xi32, #tpu.memory_space<hbm>> -> memref<2x80xi32, #tpu.memory_space<hbm>>
    %dma_start3A_340 = arith.constant 0 : i32
    %dma_start3A_341 = arith.constant 0 : i32
    %dma_start3A_342 = tpu.memref_slice %arg3[%add3A, %dma_start3A_335, %dma_start3A_340, %dma_start3A_341] : memref<32x125x2x80xi32, #tpu.memory_space<hbm>> -> memref<1x1x2x80xi32, #tpu.memory_space<hbm>>
    %dma_start3A_343 = tpu.memref_squeeze %dma_start3A_342 : memref<1x1x2x80xi32, #tpu.memory_space<hbm>> -> memref<2x80xi32, #tpu.memory_space<hbm>>
    tpu.enqueue_dma source(%dma_start3A_343 : memref<2x80xi32, #tpu.memory_space<hbm>>) target(%arg9 : memref<2x80xi32, #tpu.memory_space<vmem>>) target_semaphore(%arg17 : memref<!tpu.dma_semaphore, #tpu.memory_space<semaphore_mem>>)
    %dma_wait3A_344 = arith.constant 0 : i32
    %dma_wait3A_345 = arith.constant 0 : i32
    %dma_wait3A_346 = arith.constant 0 : i32
    %dma_wait3A_347 = tpu.memref_slice %arg3[%add3A, %dma_wait3A_344, %dma_wait3A_345, %dma_wait3A_346] : memref<32x125x2x80xi32, #tpu.memory_space<hbm>> -> memref<1x1x2x80xi32, #tpu.memory_space<hbm>>
    %dma_wait3A_348 = tpu.memref_squeeze %dma_wait3A_347 : memref<1x1x2x80xi32, #tpu.memory_space<hbm>> -> memref<2x80xi32, #tpu.memory_space<hbm>>
    %dma_wait3A_349 = arith.constant 0 : i32
    %dma_wait3A_350 = arith.constant 0 : i32
    %dma_wait3A_351 = tpu.memref_slice %arg3[%add3A, %dma_wait3A_344, %dma_wait3A_349, %dma_wait3A_350] : memref<32x125x2x80xi32, #tpu.memory_space<hbm>> -> memref<1x1x2x80xi32, #tpu.memory_space<hbm>>
    %dma_wait3A_352 = tpu.memref_squeeze %dma_wait3A_351 : memref<1x1x2x80xi32, #tpu.memory_space<hbm>> -> memref<2x80xi32, #tpu.memory_space<hbm>>
    tpu.wait_dma2 semaphore(%arg17 : memref<!tpu.dma_semaphore, #tpu.memory_space<semaphore_mem>>) src(%dma_wait3A_352 : memref<2x80xi32, #tpu.memory_space<hbm>>) dst(%arg9 : memref<2x80xi32, #tpu.memory_space<vmem>>)
    %dma_start3A_353 = arith.constant 0 : i32
    %dma_start3A_354 = arith.constant 0 : i32
    %dma_start3A_355 = tpu.memref_slice %arg9[%dma_start3A_353, %dma_start3A_354] : memref<2x80xi32, #tpu.memory_space<vmem>> -> memref<1x80xi32, #tpu.memory_space<vmem>>
    %dma_start3A_356 = tpu.memref_squeeze %dma_start3A_355 : memref<1x80xi32, #tpu.memory_space<vmem>> -> memref<80xi32, #tpu.memory_space<vmem>>
    %dma_start3A_357 = arith.constant 0 : i32
    %dma_start3A_358 = arith.constant 0 : i32
    %dma_start3A_359 = tpu.memref_slice %arg2[%dma_start3A_357, %dma_start3A_358] : memref<10000x128xf32, #tpu.memory_space<hbm>> -> memref<10000x128xf32, #tpu.memory_space<hbm>>
    tpu.enqueue_indirect_dma source(%dma_start3A_359 : memref<10000x128xf32, #tpu.memory_space<hbm>>) target(%arg13 : memref<80x128xf32, #tpu.memory_space<vmem>>) offsets(%dma_start3A_356 : memref<80xi32, #tpu.memory_space<vmem>>) semaphore(%arg21 : memref<!tpu.dma_semaphore, #tpu.memory_space<semaphore_mem>>)
    %dma_wait3A_360 = arith.constant 0 : i32
    %dma_wait3A_361 = arith.constant 0 : i32
    %dma_wait3A_362 = tpu.memref_slice %arg11[%dma_wait3A_360, %dma_wait3A_361] : memref<2x80xi32, #tpu.memory_space<vmem>> -> memref<1x80xi32, #tpu.memory_space<vmem>>
    %dma_wait3A_363 = tpu.memref_squeeze %dma_wait3A_362 : memref<1x80xi32, #tpu.memory_space<vmem>> -> memref<80xi32, #tpu.memory_space<vmem>>
    %dma_wait3A_364 = arith.constant 0 : i32
    %dma_wait3A_365 = arith.constant 0 : i32
    %dma_wait3A_366 = tpu.memref_slice %arg2[%dma_wait3A_364, %dma_wait3A_365] : memref<10000x128xf32, #tpu.memory_space<hbm>> -> memref<10000x128xf32, #tpu.memory_space<hbm>>
    tpu.wait_indirect_dma semaphore(%arg23 : memref<!tpu.dma_semaphore, #tpu.memory_space<semaphore_mem>>) src(%dma_wait3A_366 : memref<10000x128xf32, #tpu.memory_space<hbm>>) dst(%arg15 : memref<80x128xf32, #tpu.memory_space<vmem>>)
    %dma_start3A_367 = arith.constant 1 : i32
    %dma_start3A_368 = arith.constant 0 : i32
    %dma_start3A_369 = tpu.memref_slice %arg11[%dma_start3A_367, %dma_start3A_368] : memref<2x80xi32, #tpu.memory_space<vmem>> -> memref<1x80xi32, #tpu.memory_space<vmem>>
    %dma_start3A_370 = tpu.memref_squeeze %dma_start3A_369 : memref<1x80xi32, #tpu.memory_space<vmem>> -> memref<80xi32, #tpu.memory_space<vmem>>
    %dma_start3A_371 = arith.constant 0 : i32
    %dma_start3A_372 = arith.constant 0 : i32
    %dma_start3A_373 = tpu.memref_slice %arg8[%dma_start3A_371, %dma_start3A_372] : memref<10000x128xf32, #tpu.memory_space<vmem_shared>> -> memref<10000x128xf32, #tpu.memory_space<vmem_shared>>
    tpu.enqueue_indirect_dma source(%arg15 : memref<80x128xf32, #tpu.memory_space<vmem>>) target(%dma_start3A_373 : memref<10000x128xf32, #tpu.memory_space<vmem_shared>>) offsets(%dma_start3A_370 : memref<80xi32, #tpu.memory_space<vmem>>) semaphore(%arg27 : memref<!tpu.dma_semaphore, #tpu.memory_space<semaphore_mem>>) {add = true}
    %dma_wait3A_374 = arith.constant 1 : i32
    %dma_wait3A_375 = arith.constant 0 : i32
    %dma_wait3A_376 = tpu.memref_slice %arg10[%dma_wait3A_374, %dma_wait3A_375] : memref<2x80xi32, #tpu.memory_space<vmem>> -> memref<1x80xi32, #tpu.memory_space<vmem>>
    %dma_wait3A_377 = tpu.memref_squeeze %dma_wait3A_376 : memref<1x80xi32, #tpu.memory_space<vmem>> -> memref<80xi32, #tpu.memory_space<vmem>>
    %dma_wait3A_378 = arith.constant 0 : i32
    %dma_wait3A_379 = arith.constant 0 : i32
    %dma_wait3A_380 = tpu.memref_slice %arg8[%dma_wait3A_378, %dma_wait3A_379] : memref<10000x128xf32, #tpu.memory_space<vmem_shared>> -> memref<10000x128xf32, #tpu.memory_space<vmem_shared>>
    tpu.wait_indirect_dma semaphore(%arg26 : memref<!tpu.dma_semaphore, #tpu.memory_space<semaphore_mem>>) src(%arg14 : memref<80x128xf32, #tpu.memory_space<vmem>>) dst(%dma_wait3A_380 : memref<10000x128xf32, #tpu.memory_space<vmem_shared>>)
    %dma_wait3A_381 = arith.constant 0 : i32
    %dma_wait3A_382 = arith.constant 0 : i32
    %dma_wait3A_383 = tpu.memref_slice %arg12[%dma_wait3A_381, %dma_wait3A_382] : memref<2x80xi32, #tpu.memory_space<vmem>> -> memref<1x80xi32, #tpu.memory_space<vmem>>
    %dma_wait3A_384 = tpu.memref_squeeze %dma_wait3A_383 : memref<1x80xi32, #tpu.memory_space<vmem>> -> memref<80xi32, #tpu.memory_space<vmem>>
    %dma_wait3A_385 = arith.constant 0 : i32
    %dma_wait3A_386 = arith.constant 0 : i32
    %dma_wait3A_387 = tpu.memref_slice %arg2[%dma_wait3A_385, %dma_wait3A_386] : memref<10000x128xf32, #tpu.memory_space<hbm>> -> memref<10000x128xf32, #tpu.memory_space<hbm>>
    tpu.wait_indirect_dma semaphore(%arg24 : memref<!tpu.dma_semaphore, #tpu.memory_space<semaphore_mem>>) src(%dma_wait3A_387 : memref<10000x128xf32, #tpu.memory_space<hbm>>) dst(%arg16 : memref<80x128xf32, #tpu.memory_space<vmem>>)
    %dma_start3A_388 = arith.constant 1 : i32
    %dma_start3A_389 = arith.constant 0 : i32
    %dma_start3A_390 = tpu.memref_slice %arg12[%dma_start3A_388, %dma_start3A_389] : memref<2x80xi32, #tpu.memory_space<vmem>> -> memref<1x80xi32, #tpu.memory_space<vmem>>
    %dma_start3A_391 = tpu.memref_squeeze %dma_start3A_390 : memref<1x80xi32, #tpu.memory_space<vmem>> -> memref<80xi32, #tpu.memory_space<vmem>>
    %dma_start3A_392 = arith.constant 0 : i32
    %dma_start3A_393 = arith.constant 0 : i32
    %dma_start3A_394 = tpu.memref_slice %arg8[%dma_start3A_392, %dma_start3A_393] : memref<10000x128xf32, #tpu.memory_space<vmem_shared>> -> memref<10000x128xf32, #tpu.memory_space<vmem_shared>>
    tpu.enqueue_indirect_dma source(%arg16 : memref<80x128xf32, #tpu.memory_space<vmem>>) target(%dma_start3A_394 : memref<10000x128xf32, #tpu.memory_space<vmem_shared>>) offsets(%dma_start3A_391 : memref<80xi32, #tpu.memory_space<vmem>>) semaphore(%arg28 : memref<!tpu.dma_semaphore, #tpu.memory_space<semaphore_mem>>) {add = true}
    %dma_wait3A_395 = arith.constant 0 : i32
    %dma_wait3A_396 = arith.constant 0 : i32
    %dma_wait3A_397 = tpu.memref_slice %arg9[%dma_wait3A_395, %dma_wait3A_396] : memref<2x80xi32, #tpu.memory_space<vmem>> -> memref<1x80xi32, #tpu.memory_space<vmem>>
    %dma_wait3A_398 = tpu.memref_squeeze %dma_wait3A_397 : memref<1x80xi32, #tpu.memory_space<vmem>> -> memref<80xi32, #tpu.memory_space<vmem>>
    %dma_wait3A_399 = arith.constant 0 : i32
    %dma_wait3A_400 = arith.constant 0 : i32
    %dma_wait3A_401 = tpu.memref_slice %arg2[%dma_wait3A_399, %dma_wait3A_400] : memref<10000x128xf32, #tpu.memory_space<hbm>> -> memref<10000x128xf32, #tpu.memory_space<hbm>>
    tpu.wait_indirect_dma semaphore(%arg21 : memref<!tpu.dma_semaphore, #tpu.memory_space<semaphore_mem>>) src(%dma_wait3A_401 : memref<10000x128xf32, #tpu.memory_space<hbm>>) dst(%arg13 : memref<80x128xf32, #tpu.memory_space<vmem>>)
    %dma_start3A_402 = arith.constant 1 : i32
    %dma_start3A_403 = arith.constant 0 : i32
    %dma_start3A_404 = tpu.memref_slice %arg9[%dma_start3A_402, %dma_start3A_403] : memref<2x80xi32, #tpu.memory_space<vmem>> -> memref<1x80xi32, #tpu.memory_space<vmem>>
    %dma_start3A_405 = tpu.memref_squeeze %dma_start3A_404 : memref<1x80xi32, #tpu.memory_space<vmem>> -> memref<80xi32, #tpu.memory_space<vmem>>
    %dma_start3A_406 = arith.constant 0 : i32
    %dma_start3A_407 = arith.constant 0 : i32
    %dma_start3A_408 = tpu.memref_slice %arg8[%dma_start3A_406, %dma_start3A_407] : memref<10000x128xf32, #tpu.memory_space<vmem_shared>> -> memref<10000x128xf32, #tpu.memory_space<vmem_shared>>
    tpu.enqueue_indirect_dma source(%arg13 : memref<80x128xf32, #tpu.memory_space<vmem>>) target(%dma_start3A_408 : memref<10000x128xf32, #tpu.memory_space<vmem_shared>>) offsets(%dma_start3A_405 : memref<80xi32, #tpu.memory_space<vmem>>) semaphore(%arg25 : memref<!tpu.dma_semaphore, #tpu.memory_space<semaphore_mem>>) {add = true}
    %dma_wait3A_409 = arith.constant 1 : i32
    %dma_wait3A_410 = arith.constant 0 : i32
    %dma_wait3A_411 = tpu.memref_slice %arg11[%dma_wait3A_409, %dma_wait3A_410] : memref<2x80xi32, #tpu.memory_space<vmem>> -> memref<1x80xi32, #tpu.memory_space<vmem>>
    %dma_wait3A_412 = tpu.memref_squeeze %dma_wait3A_411 : memref<1x80xi32, #tpu.memory_space<vmem>> -> memref<80xi32, #tpu.memory_space<vmem>>
    %dma_wait3A_413 = arith.constant 0 : i32
    %dma_wait3A_414 = arith.constant 0 : i32
    %dma_wait3A_415 = tpu.memref_slice %arg8[%dma_wait3A_413, %dma_wait3A_414] : memref<10000x128xf32, #tpu.memory_space<vmem_shared>> -> memref<10000x128xf32, #tpu.memory_space<vmem_shared>>
    tpu.wait_indirect_dma semaphore(%arg27 : memref<!tpu.dma_semaphore, #tpu.memory_space<semaphore_mem>>) src(%arg15 : memref<80x128xf32, #tpu.memory_space<vmem>>) dst(%dma_wait3A_415 : memref<10000x128xf32, #tpu.memory_space<vmem_shared>>)
    %dma_wait3A_416 = arith.constant 1 : i32
    %dma_wait3A_417 = arith.constant 0 : i32
    %dma_wait3A_418 = tpu.memref_slice %arg12[%dma_wait3A_416, %dma_wait3A_417] : memref<2x80xi32, #tpu.memory_space<vmem>> -> memref<1x80xi32, #tpu.memory_space<vmem>>
    %dma_wait3A_419 = tpu.memref_squeeze %dma_wait3A_418 : memref<1x80xi32, #tpu.memory_space<vmem>> -> memref<80xi32, #tpu.memory_space<vmem>>
    %dma_wait3A_420 = arith.constant 0 : i32
    %dma_wait3A_421 = arith.constant 0 : i32
    %dma_wait3A_422 = tpu.memref_slice %arg8[%dma_wait3A_420, %dma_wait3A_421] : memref<10000x128xf32, #tpu.memory_space<vmem_shared>> -> memref<10000x128xf32, #tpu.memory_space<vmem_shared>>
    tpu.wait_indirect_dma semaphore(%arg28 : memref<!tpu.dma_semaphore, #tpu.memory_space<semaphore_mem>>) src(%arg16 : memref<80x128xf32, #tpu.memory_space<vmem>>) dst(%dma_wait3A_422 : memref<10000x128xf32, #tpu.memory_space<vmem_shared>>)
    %dma_wait3A_423 = arith.constant 1 : i32
    %dma_wait3A_424 = arith.constant 0 : i32
    %dma_wait3A_425 = tpu.memref_slice %arg9[%dma_wait3A_423, %dma_wait3A_424] : memref<2x80xi32, #tpu.memory_space<vmem>> -> memref<1x80xi32, #tpu.memory_space<vmem>>
    %dma_wait3A_426 = tpu.memref_squeeze %dma_wait3A_425 : memref<1x80xi32, #tpu.memory_space<vmem>> -> memref<80xi32, #tpu.memory_space<vmem>>
    %dma_wait3A_427 = arith.constant 0 : i32
    %dma_wait3A_428 = arith.constant 0 : i32
    %dma_wait3A_429 = tpu.memref_slice %arg8[%dma_wait3A_427, %dma_wait3A_428] : memref<10000x128xf32, #tpu.memory_space<vmem_shared>> -> memref<10000x128xf32, #tpu.memory_space<vmem_shared>>
    tpu.wait_indirect_dma semaphore(%arg25 : memref<!tpu.dma_semaphore, #tpu.memory_space<semaphore_mem>>) src(%arg13 : memref<80x128xf32, #tpu.memory_space<vmem>>) dst(%dma_wait3A_429 : memref<10000x128xf32, #tpu.memory_space<vmem_shared>>)
    %barrier3A_430 = arith.constant 0 : index
    tpu.barrier barrier_id(%barrier3A_430)
    %lt3A_431 = arith.constant 15 : i32
    %lt3A_432 = arith.cmpi slt, %arg1, %lt3A_431 : i32
    %convert_element_type3A_433 = arith.extui %lt3A_432 : i1 to i32
    %cond3A_434 = arith.constant 0 : i32
    %cond3A_435 = arith.cmpi ne, %convert_element_type3A_433, %cond3A_434 : i32
    scf.if %cond3A_435 {
      "tpu.region"() ({
        %run_scoped3A = tpu.sem_alloc : memref<!tpu.dma_semaphore, #tpu.memory_space<semaphore_mem>>
        %dma_start3A_441 = arith.constant 0 : i32
        %dma_start3A_442 = tpu.memref_slice %arg6[%arg0, %multiple_of3A, %dma_start3A_441] : memref<2x10000x128xf32, #tpu.memory_space<hbm>> -> memref<1x632x128xf32, #tpu.memory_space<hbm>>
        %dma_start3A_443 = tpu.memref_squeeze %dma_start3A_442 : memref<1x632x128xf32, #tpu.memory_space<hbm>> -> memref<632x128xf32, #tpu.memory_space<hbm>>
        %dma_start3A_444 = arith.constant 0 : i32
        %dma_start3A_445 = tpu.memref_slice %arg8[%multiple_of3A, %dma_start3A_444] : memref<10000x128xf32, #tpu.memory_space<vmem_shared>> -> memref<632x128xf32, #tpu.memory_space<vmem_shared>>
        tpu.enqueue_dma source(%dma_start3A_445 : memref<632x128xf32, #tpu.memory_space<vmem_shared>>) target(%dma_start3A_443 : memref<632x128xf32, #tpu.memory_space<hbm>>) target_semaphore(%run_scoped3A : memref<!tpu.dma_semaphore, #tpu.memory_space<semaphore_mem>>)
        %dma_wait3A_446 = arith.constant 0 : i32
        %dma_wait3A_447 = tpu.memref_slice %arg6[%arg0, %multiple_of3A, %dma_wait3A_446] : memref<2x10000x128xf32, #tpu.memory_space<hbm>> -> memref<1x632x128xf32, #tpu.memory_space<hbm>>
        %dma_wait3A_448 = tpu.memref_squeeze %dma_wait3A_447 : memref<1x632x128xf32, #tpu.memory_space<hbm>> -> memref<632x128xf32, #tpu.memory_space<hbm>>
        %dma_wait3A_449 = arith.constant 0 : i32
        %dma_wait3A_450 = tpu.memref_slice %arg8[%multiple_of3A, %dma_wait3A_449] : memref<10000x128xf32, #tpu.memory_space<vmem_shared>> -> memref<632x128xf32, #tpu.memory_space<vmem_shared>>
        tpu.wait_dma2 semaphore(%run_scoped3A : memref<!tpu.dma_semaphore, #tpu.memory_space<semaphore_mem>>) src(%dma_wait3A_450 : memref<632x128xf32, #tpu.memory_space<vmem_shared>>) dst(%dma_wait3A_448 : memref<632x128xf32, #tpu.memory_space<hbm>>)
        tpu.yield
      }) : () -> ()
    } else {
    }
    %eq3A_436 = arith.constant 15 : i32
    %eq3A_437 = arith.cmpi eq, %arg1, %eq3A_436 : i32
    %convert_element_type3A_438 = arith.extui %eq3A_437 : i1 to i32
    %cond3A_439 = arith.constant 0 : i32
    %cond3A_440 = arith.cmpi ne, %convert_element_type3A_438, %cond3A_439 : i32
    scf.if %cond3A_440 {
      "tpu.region"() ({
        %run_scoped3A = tpu.sem_alloc : memref<!tpu.dma_semaphore, #tpu.memory_space<semaphore_mem>>
        %dma_start3A_441 = arith.constant 0 : i32
        %dma_start3A_442 = tpu.memref_slice %arg6[%arg0, %multiple_of3A, %dma_start3A_441] : memref<2x10000x128xf32, #tpu.memory_space<hbm>> -> memref<1x520x128xf32, #tpu.memory_space<hbm>>
        %dma_start3A_443 = tpu.memref_squeeze %dma_start3A_442 : memref<1x520x128xf32, #tpu.memory_space<hbm>> -> memref<520x128xf32, #tpu.memory_space<hbm>>
        %dma_start3A_444 = arith.constant 0 : i32
        %dma_start3A_445 = tpu.memref_slice %arg8[%multiple_of3A, %dma_start3A_444] : memref<10000x128xf32, #tpu.memory_space<vmem_shared>> -> memref<520x128xf32, #tpu.memory_space<vmem_shared>>
        tpu.enqueue_dma source(%dma_start3A_445 : memref<520x128xf32, #tpu.memory_space<vmem_shared>>) target(%dma_start3A_443 : memref<520x128xf32, #tpu.memory_space<hbm>>) target_semaphore(%run_scoped3A : memref<!tpu.dma_semaphore, #tpu.memory_space<semaphore_mem>>)
        %dma_wait3A_446 = arith.constant 0 : i32
        %dma_wait3A_447 = tpu.memref_slice %arg6[%arg0, %multiple_of3A, %dma_wait3A_446] : memref<2x10000x128xf32, #tpu.memory_space<hbm>> -> memref<1x520x128xf32, #tpu.memory_space<hbm>>
        %dma_wait3A_448 = tpu.memref_squeeze %dma_wait3A_447 : memref<1x520x128xf32, #tpu.memory_space<hbm>> -> memref<520x128xf32, #tpu.memory_space<hbm>>
        %dma_wait3A_449 = arith.constant 0 : i32
        %dma_wait3A_450 = tpu.memref_slice %arg8[%multiple_of3A, %dma_wait3A_449] : memref<10000x128xf32, #tpu.memory_space<vmem_shared>> -> memref<520x128xf32, #tpu.memory_space<vmem_shared>>
        tpu.wait_dma2 semaphore(%run_scoped3A : memref<!tpu.dma_semaphore, #tpu.memory_space<semaphore_mem>>) src(%dma_wait3A_450 : memref<520x128xf32, #tpu.memory_space<vmem_shared>>) dst(%dma_wait3A_448 : memref<520x128xf32, #tpu.memory_space<hbm>>)
        tpu.yield
      }) : () -> ()
    } else {
    }
    return
  }
}

#map = affine_map<(d0, d1) -> (0, 0)>
#map1 = affine_map<(d0, d1) -> (0, 0, 0, 0)>
#map2 = affine_map<(d0, d1) -> (0, 0, 0)>
module attributes {stable_mosaic.version = 14 : i64} {
  func.func @body(%arg0: i32, %arg1: i32, %arg2: memref<10000x128xf32, #tpu.memory_space<hbm>>, %arg3: memref<32x125x2x80xi32, #tpu.memory_space<hbm>>, %arg4: memref<632x128xf32, #tpu.memory_space<hbm>>, %arg5: memref<80x128xf32, #tpu.memory_space<hbm>>, %arg6: memref<2x10000x128xf32, #tpu.memory_space<hbm>>, %arg7: memref<10000x128xf32, #tpu.memory_space<vmem_shared>>, %arg8: memref<2x80xi32, #tpu.memory_space<vmem>>, %arg9: memref<2x80xi32, #tpu.memory_space<vmem>>, %arg10: memref<2x80xi32, #tpu.memory_space<vmem>>, %arg11: memref<2x80xi32, #tpu.memory_space<vmem>>, %arg12: memref<80x128xf32, #tpu.memory_space<vmem>>, %arg13: memref<80x128xf32, #tpu.memory_space<vmem>>, %arg14: memref<80x128xf32, #tpu.memory_space<vmem>>, %arg15: memref<80x128xf32, #tpu.memory_space<vmem>>, %arg16: memref<!tpu.dma_semaphore, #tpu.memory_space<semaphore_mem>>, %arg17: memref<!tpu.dma_semaphore, #tpu.memory_space<semaphore_mem>>, %arg18: memref<!tpu.dma_semaphore, #tpu.memory_space<semaphore_mem>>, %arg19: memref<!tpu.dma_semaphore, #tpu.memory_space<semaphore_mem>>, %arg20: memref<!tpu.dma_semaphore, #tpu.memory_space<semaphore_mem>>, %arg21: memref<!tpu.dma_semaphore, #tpu.memory_space<semaphore_mem>>, %arg22: memref<!tpu.dma_semaphore, #tpu.memory_space<semaphore_mem>>, %arg23: memref<!tpu.dma_semaphore, #tpu.memory_space<semaphore_mem>>, %arg24: memref<!tpu.dma_semaphore, #tpu.memory_space<semaphore_mem>>, %arg25: memref<!tpu.dma_semaphore, #tpu.memory_space<semaphore_mem>>, %arg26: memref<!tpu.dma_semaphore, #tpu.memory_space<semaphore_mem>>, %arg27: memref<!tpu.dma_semaphore, #tpu.memory_space<semaphore_mem>>) attributes {dimension_semantics = [#tpu.dimension_semantics<core_parallel>, #tpu.dimension_semantics<subcore_parallel>], iteration_bounds = array<i64: 2, 16>, scalar_prefetch = 0 : i64, scratch_operands = 21 : i64, tpu.core_type = #tpu.core_type<sc_vector_subcore>, window_params = [{transform_indices = #map}, {transform_indices = #map1}, {transform_indices = #map}, {transform_indices = #map}, {transform_indices = #map2}]} {
    %mul3A = arith.constant 16 : i32
    %mul3A_0 = arith.muli %arg0, %mul3A : i32
    %add3A = arith.addi %mul3A_0, %arg1 : i32
    %mul3A_1 = arith.constant 632 : i32
    %mul3A_2 = arith.muli %arg1, %mul3A_1 : i32
    %multiple_of3A = tpu.assume_multiple %mul3A_2, 8 : i32
    %lt3A = arith.constant 15 : i32
    %lt3A_3 = arith.cmpi slt, %arg1, %lt3A : i32
    %convert_element_type3A = arith.extui %lt3A_3 : i1 to i32
    %cond3A = arith.constant 0 : i32
    %cond3A_4 = arith.cmpi ne, %convert_element_type3A, %cond3A : i32
    scf.if %cond3A_4 {
      "tpu.region"() ({
        %run_scoped3A = tpu.sem_alloc : memref<!tpu.dma_semaphore, #tpu.memory_space<semaphore_mem>>
        %dma_start3A_253 = arith.constant 0 : i32
        %dma_start3A_254 = tpu.memref_slice %arg7[%multiple_of3A, %dma_start3A_253] : memref<10000x128xf32, #tpu.memory_space<vmem_shared>> -> memref<632x128xf32, #tpu.memory_space<vmem_shared>>
        tpu.enqueue_dma source(%arg4 : memref<632x128xf32, #tpu.memory_space<hbm>>) target(%dma_start3A_254 : memref<632x128xf32, #tpu.memory_space<vmem_shared>>) target_semaphore(%run_scoped3A : memref<!tpu.dma_semaphore, #tpu.memory_space<semaphore_mem>>)
        %dma_wait3A_255 = arith.constant 0 : i32
        %dma_wait3A_256 = tpu.memref_slice %arg7[%multiple_of3A, %dma_wait3A_255] : memref<10000x128xf32, #tpu.memory_space<vmem_shared>> -> memref<632x128xf32, #tpu.memory_space<vmem_shared>>
        tpu.wait_dma2 semaphore(%run_scoped3A : memref<!tpu.dma_semaphore, #tpu.memory_space<semaphore_mem>>) src(%arg4 : memref<632x128xf32, #tpu.memory_space<hbm>>) dst(%dma_wait3A_256 : memref<632x128xf32, #tpu.memory_space<vmem_shared>>)
        tpu.yield
      }) : () -> ()
    } else {
    }
    %eq3A = arith.constant 15 : i32
    %eq3A_5 = arith.cmpi eq, %arg1, %eq3A : i32
    %convert_element_type3A_6 = arith.extui %eq3A_5 : i1 to i32
    %cond3A_7 = arith.constant 0 : i32
    %cond3A_8 = arith.cmpi ne, %convert_element_type3A_6, %cond3A_7 : i32
    scf.if %cond3A_8 {
      "tpu.region"() ({
        %run_scoped3A = tpu.sem_alloc : memref<!tpu.dma_semaphore, #tpu.memory_space<semaphore_mem>>
        %dma_start3A_253 = arith.constant 0 : i32
        %dma_start3A_254 = tpu.memref_slice %arg7[%multiple_of3A, %dma_start3A_253] : memref<10000x128xf32, #tpu.memory_space<vmem_shared>> -> memref<520x128xf32, #tpu.memory_space<vmem_shared>>
        %dma_start3A_255 = arith.constant 0 : i32
        %dma_start3A_256 = arith.constant 0 : i32
        %dma_start3A_257 = tpu.memref_slice %arg4[%dma_start3A_255, %dma_start3A_256] : memref<632x128xf32, #tpu.memory_space<hbm>> -> memref<520x128xf32, #tpu.memory_space<hbm>>
        tpu.enqueue_dma source(%dma_start3A_257 : memref<520x128xf32, #tpu.memory_space<hbm>>) target(%dma_start3A_254 : memref<520x128xf32, #tpu.memory_space<vmem_shared>>) target_semaphore(%run_scoped3A : memref<!tpu.dma_semaphore, #tpu.memory_space<semaphore_mem>>)
        %dma_wait3A_258 = arith.constant 0 : i32
        %dma_wait3A_259 = tpu.memref_slice %arg7[%multiple_of3A, %dma_wait3A_258] : memref<10000x128xf32, #tpu.memory_space<vmem_shared>> -> memref<520x128xf32, #tpu.memory_space<vmem_shared>>
        %dma_wait3A_260 = arith.constant 0 : i32
        %dma_wait3A_261 = arith.constant 0 : i32
        %dma_wait3A_262 = tpu.memref_slice %arg4[%dma_wait3A_260, %dma_wait3A_261] : memref<632x128xf32, #tpu.memory_space<hbm>> -> memref<520x128xf32, #tpu.memory_space<hbm>>
        tpu.wait_dma2 semaphore(%run_scoped3A : memref<!tpu.dma_semaphore, #tpu.memory_space<semaphore_mem>>) src(%dma_wait3A_262 : memref<520x128xf32, #tpu.memory_space<hbm>>) dst(%dma_wait3A_259 : memref<520x128xf32, #tpu.memory_space<vmem_shared>>)
        tpu.yield
      }) : () -> ()
    } else {
    }
    %barrier3A = arith.constant 0 : index
    tpu.barrier barrier_id(%barrier3A)
    %dma_start3A = arith.constant 0 : i32
    %dma_start3A_9 = arith.constant 0 : i32
    %dma_start3A_10 = arith.constant 0 : i32
    %dma_start3A_11 = tpu.memref_slice %arg3[%add3A, %dma_start3A, %dma_start3A_9, %dma_start3A_10] : memref<32x125x2x80xi32, #tpu.memory_space<hbm>> -> memref<1x1x2x80xi32, #tpu.memory_space<hbm>>
    %dma_start3A_12 = tpu.memref_squeeze %dma_start3A_11 : memref<1x1x2x80xi32, #tpu.memory_space<hbm>> -> memref<2x80xi32, #tpu.memory_space<hbm>>
    %dma_start3A_13 = arith.constant 0 : i32
    %dma_start3A_14 = arith.constant 0 : i32
    %dma_start3A_15 = tpu.memref_slice %arg3[%add3A, %dma_start3A, %dma_start3A_13, %dma_start3A_14] : memref<32x125x2x80xi32, #tpu.memory_space<hbm>> -> memref<1x1x2x80xi32, #tpu.memory_space<hbm>>
    %dma_start3A_16 = tpu.memref_squeeze %dma_start3A_15 : memref<1x1x2x80xi32, #tpu.memory_space<hbm>> -> memref<2x80xi32, #tpu.memory_space<hbm>>
    tpu.enqueue_dma source(%dma_start3A_16 : memref<2x80xi32, #tpu.memory_space<hbm>>) target(%arg8 : memref<2x80xi32, #tpu.memory_space<vmem>>) target_semaphore(%arg16 : memref<!tpu.dma_semaphore, #tpu.memory_space<semaphore_mem>>)
    %dma_start3A_17 = arith.constant 1 : i32
    %dma_start3A_18 = arith.constant 0 : i32
    %dma_start3A_19 = arith.constant 0 : i32
    %dma_start3A_20 = tpu.memref_slice %arg3[%add3A, %dma_start3A_17, %dma_start3A_18, %dma_start3A_19] : memref<32x125x2x80xi32, #tpu.memory_space<hbm>> -> memref<1x1x2x80xi32, #tpu.memory_space<hbm>>
    %dma_start3A_21 = tpu.memref_squeeze %dma_start3A_20 : memref<1x1x2x80xi32, #tpu.memory_space<hbm>> -> memref<2x80xi32, #tpu.memory_space<hbm>>
    %dma_start3A_22 = arith.constant 0 : i32
    %dma_start3A_23 = arith.constant 0 : i32
    %dma_start3A_24 = tpu.memref_slice %arg3[%add3A, %dma_start3A_17, %dma_start3A_22, %dma_start3A_23] : memref<32x125x2x80xi32, #tpu.memory_space<hbm>> -> memref<1x1x2x80xi32, #tpu.memory_space<hbm>>
    %dma_start3A_25 = tpu.memref_squeeze %dma_start3A_24 : memref<1x1x2x80xi32, #tpu.memory_space<hbm>> -> memref<2x80xi32, #tpu.memory_space<hbm>>
    tpu.enqueue_dma source(%dma_start3A_25 : memref<2x80xi32, #tpu.memory_space<hbm>>) target(%arg9 : memref<2x80xi32, #tpu.memory_space<vmem>>) target_semaphore(%arg17 : memref<!tpu.dma_semaphore, #tpu.memory_space<semaphore_mem>>)
    %dma_wait3A = arith.constant 0 : i32
    %dma_wait3A_26 = arith.constant 0 : i32
    %dma_wait3A_27 = arith.constant 0 : i32
    %dma_wait3A_28 = tpu.memref_slice %arg3[%add3A, %dma_wait3A, %dma_wait3A_26, %dma_wait3A_27] : memref<32x125x2x80xi32, #tpu.memory_space<hbm>> -> memref<1x1x2x80xi32, #tpu.memory_space<hbm>>
    %dma_wait3A_29 = tpu.memref_squeeze %dma_wait3A_28 : memref<1x1x2x80xi32, #tpu.memory_space<hbm>> -> memref<2x80xi32, #tpu.memory_space<hbm>>
    %dma_wait3A_30 = arith.constant 0 : i32
    %dma_wait3A_31 = arith.constant 0 : i32
    %dma_wait3A_32 = tpu.memref_slice %arg3[%add3A, %dma_wait3A, %dma_wait3A_30, %dma_wait3A_31] : memref<32x125x2x80xi32, #tpu.memory_space<hbm>> -> memref<1x1x2x80xi32, #tpu.memory_space<hbm>>
    %dma_wait3A_33 = tpu.memref_squeeze %dma_wait3A_32 : memref<1x1x2x80xi32, #tpu.memory_space<hbm>> -> memref<2x80xi32, #tpu.memory_space<hbm>>
    tpu.wait_dma2 semaphore(%arg16 : memref<!tpu.dma_semaphore, #tpu.memory_space<semaphore_mem>>) src(%dma_wait3A_33 : memref<2x80xi32, #tpu.memory_space<hbm>>) dst(%arg8 : memref<2x80xi32, #tpu.memory_space<vmem>>)
    %dma_start3A_34 = arith.constant 0 : i32
    %dma_start3A_35 = arith.constant 0 : i32
    %dma_start3A_36 = tpu.memref_slice %arg8[%dma_start3A_34, %dma_start3A_35] : memref<2x80xi32, #tpu.memory_space<vmem>> -> memref<1x80xi32, #tpu.memory_space<vmem>>
    %dma_start3A_37 = tpu.memref_squeeze %dma_start3A_36 : memref<1x80xi32, #tpu.memory_space<vmem>> -> memref<80xi32, #tpu.memory_space<vmem>>
    %dma_start3A_38 = arith.constant 0 : i32
    %dma_start3A_39 = arith.constant 0 : i32
    %dma_start3A_40 = tpu.memref_slice %arg2[%dma_start3A_38, %dma_start3A_39] : memref<10000x128xf32, #tpu.memory_space<hbm>> -> memref<10000x128xf32, #tpu.memory_space<hbm>>
    tpu.enqueue_indirect_dma source(%dma_start3A_40 : memref<10000x128xf32, #tpu.memory_space<hbm>>) target(%arg12 : memref<80x128xf32, #tpu.memory_space<vmem>>) offsets(%dma_start3A_37 : memref<80xi32, #tpu.memory_space<vmem>>) semaphore(%arg20 : memref<!tpu.dma_semaphore, #tpu.memory_space<semaphore_mem>>)
    %dma_wait3A_41 = arith.constant 0 : i32
    %dma_wait3A_42 = arith.constant 0 : i32
    %dma_wait3A_43 = arith.constant 0 : i32
    %dma_wait3A_44 = tpu.memref_slice %arg3[%add3A, %dma_wait3A_41, %dma_wait3A_42, %dma_wait3A_43] : memref<32x125x2x80xi32, #tpu.memory_space<hbm>> -> memref<1x1x2x80xi32, #tpu.memory_space<hbm>>
    %dma_wait3A_45 = tpu.memref_squeeze %dma_wait3A_44 : memref<1x1x2x80xi32, #tpu.memory_space<hbm>> -> memref<2x80xi32, #tpu.memory_space<hbm>>
    %dma_wait3A_46 = arith.constant 0 : i32
    %dma_wait3A_47 = arith.constant 0 : i32
    %dma_wait3A_48 = tpu.memref_slice %arg3[%add3A, %dma_wait3A_41, %dma_wait3A_46, %dma_wait3A_47] : memref<32x125x2x80xi32, #tpu.memory_space<hbm>> -> memref<1x1x2x80xi32, #tpu.memory_space<hbm>>
    %dma_wait3A_49 = tpu.memref_squeeze %dma_wait3A_48 : memref<1x1x2x80xi32, #tpu.memory_space<hbm>> -> memref<2x80xi32, #tpu.memory_space<hbm>>
    tpu.wait_dma2 semaphore(%arg17 : memref<!tpu.dma_semaphore, #tpu.memory_space<semaphore_mem>>) src(%dma_wait3A_49 : memref<2x80xi32, #tpu.memory_space<hbm>>) dst(%arg9 : memref<2x80xi32, #tpu.memory_space<vmem>>)
    %dma_start3A_50 = arith.constant 0 : i32
    %dma_start3A_51 = arith.constant 0 : i32
    %dma_start3A_52 = tpu.memref_slice %arg9[%dma_start3A_50, %dma_start3A_51] : memref<2x80xi32, #tpu.memory_space<vmem>> -> memref<1x80xi32, #tpu.memory_space<vmem>>
    %dma_start3A_53 = tpu.memref_squeeze %dma_start3A_52 : memref<1x80xi32, #tpu.memory_space<vmem>> -> memref<80xi32, #tpu.memory_space<vmem>>
    %dma_start3A_54 = arith.constant 0 : i32
    %dma_start3A_55 = arith.constant 0 : i32
    %dma_start3A_56 = tpu.memref_slice %arg2[%dma_start3A_54, %dma_start3A_55] : memref<10000x128xf32, #tpu.memory_space<hbm>> -> memref<10000x128xf32, #tpu.memory_space<hbm>>
    tpu.enqueue_indirect_dma source(%dma_start3A_56 : memref<10000x128xf32, #tpu.memory_space<hbm>>) target(%arg13 : memref<80x128xf32, #tpu.memory_space<vmem>>) offsets(%dma_start3A_53 : memref<80xi32, #tpu.memory_space<vmem>>) semaphore(%arg21 : memref<!tpu.dma_semaphore, #tpu.memory_space<semaphore_mem>>)
    %dma_start3A_57 = arith.constant 2 : i32
    %dma_start3A_58 = arith.constant 0 : i32
    %dma_start3A_59 = arith.constant 0 : i32
    %dma_start3A_60 = tpu.memref_slice %arg3[%add3A, %dma_start3A_57, %dma_start3A_58, %dma_start3A_59] : memref<32x125x2x80xi32, #tpu.memory_space<hbm>> -> memref<1x1x2x80xi32, #tpu.memory_space<hbm>>
    %dma_start3A_61 = tpu.memref_squeeze %dma_start3A_60 : memref<1x1x2x80xi32, #tpu.memory_space<hbm>> -> memref<2x80xi32, #tpu.memory_space<hbm>>
    %dma_start3A_62 = arith.constant 0 : i32
    %dma_start3A_63 = arith.constant 0 : i32
    %dma_start3A_64 = tpu.memref_slice %arg3[%add3A, %dma_start3A_57, %dma_start3A_62, %dma_start3A_63] : memref<32x125x2x80xi32, #tpu.memory_space<hbm>> -> memref<1x1x2x80xi32, #tpu.memory_space<hbm>>
    %dma_start3A_65 = tpu.memref_squeeze %dma_start3A_64 : memref<1x1x2x80xi32, #tpu.memory_space<hbm>> -> memref<2x80xi32, #tpu.memory_space<hbm>>
    tpu.enqueue_dma source(%dma_start3A_65 : memref<2x80xi32, #tpu.memory_space<hbm>>) target(%arg10 : memref<2x80xi32, #tpu.memory_space<vmem>>) target_semaphore(%arg18 : memref<!tpu.dma_semaphore, #tpu.memory_space<semaphore_mem>>)
    %dma_wait3A_66 = arith.constant 0 : i32
    %dma_wait3A_67 = arith.constant 0 : i32
    %dma_wait3A_68 = arith.constant 0 : i32
    %dma_wait3A_69 = tpu.memref_slice %arg3[%add3A, %dma_wait3A_66, %dma_wait3A_67, %dma_wait3A_68] : memref<32x125x2x80xi32, #tpu.memory_space<hbm>> -> memref<1x1x2x80xi32, #tpu.memory_space<hbm>>
    %dma_wait3A_70 = tpu.memref_squeeze %dma_wait3A_69 : memref<1x1x2x80xi32, #tpu.memory_space<hbm>> -> memref<2x80xi32, #tpu.memory_space<hbm>>
    %dma_wait3A_71 = arith.constant 0 : i32
    %dma_wait3A_72 = arith.constant 0 : i32
    %dma_wait3A_73 = tpu.memref_slice %arg3[%add3A, %dma_wait3A_66, %dma_wait3A_71, %dma_wait3A_72] : memref<32x125x2x80xi32, #tpu.memory_space<hbm>> -> memref<1x1x2x80xi32, #tpu.memory_space<hbm>>
    %dma_wait3A_74 = tpu.memref_squeeze %dma_wait3A_73 : memref<1x1x2x80xi32, #tpu.memory_space<hbm>> -> memref<2x80xi32, #tpu.memory_space<hbm>>
    tpu.wait_dma2 semaphore(%arg18 : memref<!tpu.dma_semaphore, #tpu.memory_space<semaphore_mem>>) src(%dma_wait3A_74 : memref<2x80xi32, #tpu.memory_space<hbm>>) dst(%arg10 : memref<2x80xi32, #tpu.memory_space<vmem>>)
    %dma_start3A_75 = arith.constant 0 : i32
    %dma_start3A_76 = arith.constant 0 : i32
    %dma_start3A_77 = tpu.memref_slice %arg10[%dma_start3A_75, %dma_start3A_76] : memref<2x80xi32, #tpu.memory_space<vmem>> -> memref<1x80xi32, #tpu.memory_space<vmem>>
    %dma_start3A_78 = tpu.memref_squeeze %dma_start3A_77 : memref<1x80xi32, #tpu.memory_space<vmem>> -> memref<80xi32, #tpu.memory_space<vmem>>
    %dma_start3A_79 = arith.constant 0 : i32
    %dma_start3A_80 = arith.constant 0 : i32
    %dma_start3A_81 = tpu.memref_slice %arg2[%dma_start3A_79, %dma_start3A_80] : memref<10000x128xf32, #tpu.memory_space<hbm>> -> memref<10000x128xf32, #tpu.memory_space<hbm>>
    tpu.enqueue_indirect_dma source(%dma_start3A_81 : memref<10000x128xf32, #tpu.memory_space<hbm>>) target(%arg14 : memref<80x128xf32, #tpu.memory_space<vmem>>) offsets(%dma_start3A_78 : memref<80xi32, #tpu.memory_space<vmem>>) semaphore(%arg22 : memref<!tpu.dma_semaphore, #tpu.memory_space<semaphore_mem>>)
    %dma_wait3A_82 = arith.constant 0 : i32
    %dma_wait3A_83 = arith.constant 0 : i32
    %dma_wait3A_84 = tpu.memref_slice %arg8[%dma_wait3A_82, %dma_wait3A_83] : memref<2x80xi32, #tpu.memory_space<vmem>> -> memref<1x80xi32, #tpu.memory_space<vmem>>
    %dma_wait3A_85 = tpu.memref_squeeze %dma_wait3A_84 : memref<1x80xi32, #tpu.memory_space<vmem>> -> memref<80xi32, #tpu.memory_space<vmem>>
    %dma_wait3A_86 = arith.constant 0 : i32
    %dma_wait3A_87 = arith.constant 0 : i32
    %dma_wait3A_88 = tpu.memref_slice %arg2[%dma_wait3A_86, %dma_wait3A_87] : memref<10000x128xf32, #tpu.memory_space<hbm>> -> memref<10000x128xf32, #tpu.memory_space<hbm>>
    tpu.wait_indirect_dma semaphore(%arg20 : memref<!tpu.dma_semaphore, #tpu.memory_space<semaphore_mem>>) src(%dma_wait3A_88 : memref<10000x128xf32, #tpu.memory_space<hbm>>) dst(%arg12 : memref<80x128xf32, #tpu.memory_space<vmem>>)
    %dma_start3A_89 = arith.constant 1 : i32
    %dma_start3A_90 = arith.constant 0 : i32
    %dma_start3A_91 = tpu.memref_slice %arg8[%dma_start3A_89, %dma_start3A_90] : memref<2x80xi32, #tpu.memory_space<vmem>> -> memref<1x80xi32, #tpu.memory_space<vmem>>
    %dma_start3A_92 = tpu.memref_squeeze %dma_start3A_91 : memref<1x80xi32, #tpu.memory_space<vmem>> -> memref<80xi32, #tpu.memory_space<vmem>>
    %dma_start3A_93 = arith.constant 0 : i32
    %dma_start3A_94 = arith.constant 0 : i32
    %dma_start3A_95 = tpu.memref_slice %arg7[%dma_start3A_93, %dma_start3A_94] : memref<10000x128xf32, #tpu.memory_space<vmem_shared>> -> memref<10000x128xf32, #tpu.memory_space<vmem_shared>>
    tpu.enqueue_indirect_dma source(%arg12 : memref<80x128xf32, #tpu.memory_space<vmem>>) target(%dma_start3A_95 : memref<10000x128xf32, #tpu.memory_space<vmem_shared>>) offsets(%dma_start3A_92 : memref<80xi32, #tpu.memory_space<vmem>>) semaphore(%arg24 : memref<!tpu.dma_semaphore, #tpu.memory_space<semaphore_mem>>) {add = true}
    %dma_start3A_96 = arith.constant 3 : i32
    %dma_start3A_97 = arith.constant 0 : i32
    %dma_start3A_98 = arith.constant 0 : i32
    %dma_start3A_99 = tpu.memref_slice %arg3[%add3A, %dma_start3A_96, %dma_start3A_97, %dma_start3A_98] : memref<32x125x2x80xi32, #tpu.memory_space<hbm>> -> memref<1x1x2x80xi32, #tpu.memory_space<hbm>>
    %dma_start3A_100 = tpu.memref_squeeze %dma_start3A_99 : memref<1x1x2x80xi32, #tpu.memory_space<hbm>> -> memref<2x80xi32, #tpu.memory_space<hbm>>
    %dma_start3A_101 = arith.constant 0 : i32
    %dma_start3A_102 = arith.constant 0 : i32
    %dma_start3A_103 = tpu.memref_slice %arg3[%add3A, %dma_start3A_96, %dma_start3A_101, %dma_start3A_102] : memref<32x125x2x80xi32, #tpu.memory_space<hbm>> -> memref<1x1x2x80xi32, #tpu.memory_space<hbm>>
    %dma_start3A_104 = tpu.memref_squeeze %dma_start3A_103 : memref<1x1x2x80xi32, #tpu.memory_space<hbm>> -> memref<2x80xi32, #tpu.memory_space<hbm>>
    tpu.enqueue_dma source(%dma_start3A_104 : memref<2x80xi32, #tpu.memory_space<hbm>>) target(%arg11 : memref<2x80xi32, #tpu.memory_space<vmem>>) target_semaphore(%arg19 : memref<!tpu.dma_semaphore, #tpu.memory_space<semaphore_mem>>)
    %dma_wait3A_105 = arith.constant 0 : i32
    %dma_wait3A_106 = arith.constant 0 : i32
    %dma_wait3A_107 = arith.constant 0 : i32
    %dma_wait3A_108 = tpu.memref_slice %arg3[%add3A, %dma_wait3A_105, %dma_wait3A_106, %dma_wait3A_107] : memref<32x125x2x80xi32, #tpu.memory_space<hbm>> -> memref<1x1x2x80xi32, #tpu.memory_space<hbm>>
    %dma_wait3A_109 = tpu.memref_squeeze %dma_wait3A_108 : memref<1x1x2x80xi32, #tpu.memory_space<hbm>> -> memref<2x80xi32, #tpu.memory_space<hbm>>
    %dma_wait3A_110 = arith.constant 0 : i32
    %dma_wait3A_111 = arith.constant 0 : i32
    %dma_wait3A_112 = tpu.memref_slice %arg3[%add3A, %dma_wait3A_105, %dma_wait3A_110, %dma_wait3A_111] : memref<32x125x2x80xi32, #tpu.memory_space<hbm>> -> memref<1x1x2x80xi32, #tpu.memory_space<hbm>>
    %dma_wait3A_113 = tpu.memref_squeeze %dma_wait3A_112 : memref<1x1x2x80xi32, #tpu.memory_space<hbm>> -> memref<2x80xi32, #tpu.memory_space<hbm>>
    tpu.wait_dma2 semaphore(%arg19 : memref<!tpu.dma_semaphore, #tpu.memory_space<semaphore_mem>>) src(%dma_wait3A_113 : memref<2x80xi32, #tpu.memory_space<hbm>>) dst(%arg11 : memref<2x80xi32, #tpu.memory_space<vmem>>)
    %dma_start3A_114 = arith.constant 0 : i32
    %dma_start3A_115 = arith.constant 0 : i32
    %dma_start3A_116 = tpu.memref_slice %arg11[%dma_start3A_114, %dma_start3A_115] : memref<2x80xi32, #tpu.memory_space<vmem>> -> memref<1x80xi32, #tpu.memory_space<vmem>>
    %dma_start3A_117 = tpu.memref_squeeze %dma_start3A_116 : memref<1x80xi32, #tpu.memory_space<vmem>> -> memref<80xi32, #tpu.memory_space<vmem>>
    %dma_start3A_118 = arith.constant 0 : i32
    %dma_start3A_119 = arith.constant 0 : i32
    %dma_start3A_120 = tpu.memref_slice %arg2[%dma_start3A_118, %dma_start3A_119] : memref<10000x128xf32, #tpu.memory_space<hbm>> -> memref<10000x128xf32, #tpu.memory_space<hbm>>
    tpu.enqueue_indirect_dma source(%dma_start3A_120 : memref<10000x128xf32, #tpu.memory_space<hbm>>) target(%arg15 : memref<80x128xf32, #tpu.memory_space<vmem>>) offsets(%dma_start3A_117 : memref<80xi32, #tpu.memory_space<vmem>>) semaphore(%arg23 : memref<!tpu.dma_semaphore, #tpu.memory_space<semaphore_mem>>)
    %dma_wait3A_121 = arith.constant 0 : i32
    %dma_wait3A_122 = arith.constant 0 : i32
    %dma_wait3A_123 = tpu.memref_slice %arg9[%dma_wait3A_121, %dma_wait3A_122] : memref<2x80xi32, #tpu.memory_space<vmem>> -> memref<1x80xi32, #tpu.memory_space<vmem>>
    %dma_wait3A_124 = tpu.memref_squeeze %dma_wait3A_123 : memref<1x80xi32, #tpu.memory_space<vmem>> -> memref<80xi32, #tpu.memory_space<vmem>>
    %dma_wait3A_125 = arith.constant 0 : i32
    %dma_wait3A_126 = arith.constant 0 : i32
    %dma_wait3A_127 = tpu.memref_slice %arg2[%dma_wait3A_125, %dma_wait3A_126] : memref<10000x128xf32, #tpu.memory_space<hbm>> -> memref<10000x128xf32, #tpu.memory_space<hbm>>
    tpu.wait_indirect_dma semaphore(%arg21 : memref<!tpu.dma_semaphore, #tpu.memory_space<semaphore_mem>>) src(%dma_wait3A_127 : memref<10000x128xf32, #tpu.memory_space<hbm>>) dst(%arg13 : memref<80x128xf32, #tpu.memory_space<vmem>>)
    %dma_start3A_128 = arith.constant 1 : i32
    %dma_start3A_129 = arith.constant 0 : i32
    %dma_start3A_130 = tpu.memref_slice %arg9[%dma_start3A_128, %dma_start3A_129] : memref<2x80xi32, #tpu.memory_space<vmem>> -> memref<1x80xi32, #tpu.memory_space<vmem>>
    %dma_start3A_131 = tpu.memref_squeeze %dma_start3A_130 : memref<1x80xi32, #tpu.memory_space<vmem>> -> memref<80xi32, #tpu.memory_space<vmem>>
    %dma_start3A_132 = arith.constant 0 : i32
    %dma_start3A_133 = arith.constant 0 : i32
    %dma_start3A_134 = tpu.memref_slice %arg7[%dma_start3A_132, %dma_start3A_133] : memref<10000x128xf32, #tpu.memory_space<vmem_shared>> -> memref<10000x128xf32, #tpu.memory_space<vmem_shared>>
    tpu.enqueue_indirect_dma source(%arg13 : memref<80x128xf32, #tpu.memory_space<vmem>>) target(%dma_start3A_134 : memref<10000x128xf32, #tpu.memory_space<vmem_shared>>) offsets(%dma_start3A_131 : memref<80xi32, #tpu.memory_space<vmem>>) semaphore(%arg25 : memref<!tpu.dma_semaphore, #tpu.memory_space<semaphore_mem>>) {add = true}
    %scan3A = arith.constant 0 : i32
    %scan3A_135 = arith.constant 0 : i32
    %scan3A_136 = arith.constant 30 : i32
    %scan3A_137 = arith.addi %scan3A_135, %scan3A_136 : i32
    %scan3A_138 = arith.constant 1 : i32
    scf.for %scan3A_253 = %scan3A_135 to %scan3A_137 step %scan3A_138  : i32 {
      %mul3A_254 = arith.constant 4 : i32
      %mul3A_255 = arith.muli %mul3A_254, %scan3A_253 : i32
      %add3A_256 = arith.constant 2 : i32
      %add3A_257 = arith.addi %mul3A_255, %add3A_256 : i32
      %add3A_258 = arith.constant 0 : i32
      %add3A_259 = arith.addi %add3A_257, %add3A_258 : i32
      %dma_wait3A_260 = arith.constant 1 : i32
      %dma_wait3A_261 = arith.constant 0 : i32
      %dma_wait3A_262 = tpu.memref_slice %arg8[%dma_wait3A_260, %dma_wait3A_261] : memref<2x80xi32, #tpu.memory_space<vmem>> -> memref<1x80xi32, #tpu.memory_space<vmem>>
      %dma_wait3A_263 = tpu.memref_squeeze %dma_wait3A_262 : memref<1x80xi32, #tpu.memory_space<vmem>> -> memref<80xi32, #tpu.memory_space<vmem>>
      %dma_wait3A_264 = arith.constant 0 : i32
      %dma_wait3A_265 = arith.constant 0 : i32
      %dma_wait3A_266 = tpu.memref_slice %arg7[%dma_wait3A_264, %dma_wait3A_265] : memref<10000x128xf32, #tpu.memory_space<vmem_shared>> -> memref<10000x128xf32, #tpu.memory_space<vmem_shared>>
      tpu.wait_indirect_dma semaphore(%arg24 : memref<!tpu.dma_semaphore, #tpu.memory_space<semaphore_mem>>) src(%arg12 : memref<80x128xf32, #tpu.memory_space<vmem>>) dst(%dma_wait3A_266 : memref<10000x128xf32, #tpu.memory_space<vmem_shared>>)
      %add3A_267 = arith.constant 2 : i32
      %add3A_268 = arith.addi %add3A_259, %add3A_267 : i32
      %dma_start3A_269 = arith.constant 0 : i32
      %dma_start3A_270 = arith.constant 0 : i32
      %dma_start3A_271 = tpu.memref_slice %arg3[%add3A, %add3A_268, %dma_start3A_269, %dma_start3A_270] : memref<32x125x2x80xi32, #tpu.memory_space<hbm>> -> memref<1x1x2x80xi32, #tpu.memory_space<hbm>>
      %dma_start3A_272 = tpu.memref_squeeze %dma_start3A_271 : memref<1x1x2x80xi32, #tpu.memory_space<hbm>> -> memref<2x80xi32, #tpu.memory_space<hbm>>
      %dma_start3A_273 = arith.constant 0 : i32
      %dma_start3A_274 = arith.constant 0 : i32
      %dma_start3A_275 = tpu.memref_slice %arg3[%add3A, %add3A_268, %dma_start3A_273, %dma_start3A_274] : memref<32x125x2x80xi32, #tpu.memory_space<hbm>> -> memref<1x1x2x80xi32, #tpu.memory_space<hbm>>
      %dma_start3A_276 = tpu.memref_squeeze %dma_start3A_275 : memref<1x1x2x80xi32, #tpu.memory_space<hbm>> -> memref<2x80xi32, #tpu.memory_space<hbm>>
      tpu.enqueue_dma source(%dma_start3A_276 : memref<2x80xi32, #tpu.memory_space<hbm>>) target(%arg8 : memref<2x80xi32, #tpu.memory_space<vmem>>) target_semaphore(%arg16 : memref<!tpu.dma_semaphore, #tpu.memory_space<semaphore_mem>>)
      %dma_wait3A_277 = arith.constant 0 : i32
      %dma_wait3A_278 = arith.constant 0 : i32
      %dma_wait3A_279 = arith.constant 0 : i32
      %dma_wait3A_280 = tpu.memref_slice %arg3[%add3A, %dma_wait3A_277, %dma_wait3A_278, %dma_wait3A_279] : memref<32x125x2x80xi32, #tpu.memory_space<hbm>> -> memref<1x1x2x80xi32, #tpu.memory_space<hbm>>
      %dma_wait3A_281 = tpu.memref_squeeze %dma_wait3A_280 : memref<1x1x2x80xi32, #tpu.memory_space<hbm>> -> memref<2x80xi32, #tpu.memory_space<hbm>>
      %dma_wait3A_282 = arith.constant 0 : i32
      %dma_wait3A_283 = arith.constant 0 : i32
      %dma_wait3A_284 = tpu.memref_slice %arg3[%add3A, %dma_wait3A_277, %dma_wait3A_282, %dma_wait3A_283] : memref<32x125x2x80xi32, #tpu.memory_space<hbm>> -> memref<1x1x2x80xi32, #tpu.memory_space<hbm>>
      %dma_wait3A_285 = tpu.memref_squeeze %dma_wait3A_284 : memref<1x1x2x80xi32, #tpu.memory_space<hbm>> -> memref<2x80xi32, #tpu.memory_space<hbm>>
      tpu.wait_dma2 semaphore(%arg16 : memref<!tpu.dma_semaphore, #tpu.memory_space<semaphore_mem>>) src(%dma_wait3A_285 : memref<2x80xi32, #tpu.memory_space<hbm>>) dst(%arg8 : memref<2x80xi32, #tpu.memory_space<vmem>>)
      %dma_start3A_286 = arith.constant 0 : i32
      %dma_start3A_287 = arith.constant 0 : i32
      %dma_start3A_288 = tpu.memref_slice %arg8[%dma_start3A_286, %dma_start3A_287] : memref<2x80xi32, #tpu.memory_space<vmem>> -> memref<1x80xi32, #tpu.memory_space<vmem>>
      %dma_start3A_289 = tpu.memref_squeeze %dma_start3A_288 : memref<1x80xi32, #tpu.memory_space<vmem>> -> memref<80xi32, #tpu.memory_space<vmem>>
      %dma_start3A_290 = arith.constant 0 : i32
      %dma_start3A_291 = arith.constant 0 : i32
      %dma_start3A_292 = tpu.memref_slice %arg2[%dma_start3A_290, %dma_start3A_291] : memref<10000x128xf32, #tpu.memory_space<hbm>> -> memref<10000x128xf32, #tpu.memory_space<hbm>>
      tpu.enqueue_indirect_dma source(%dma_start3A_292 : memref<10000x128xf32, #tpu.memory_space<hbm>>) target(%arg12 : memref<80x128xf32, #tpu.memory_space<vmem>>) offsets(%dma_start3A_289 : memref<80xi32, #tpu.memory_space<vmem>>) semaphore(%arg20 : memref<!tpu.dma_semaphore, #tpu.memory_space<semaphore_mem>>)
      %dma_wait3A_293 = arith.constant 0 : i32
      %dma_wait3A_294 = arith.constant 0 : i32
      %dma_wait3A_295 = tpu.memref_slice %arg10[%dma_wait3A_293, %dma_wait3A_294] : memref<2x80xi32, #tpu.memory_space<vmem>> -> memref<1x80xi32, #tpu.memory_space<vmem>>
      %dma_wait3A_296 = tpu.memref_squeeze %dma_wait3A_295 : memref<1x80xi32, #tpu.memory_space<vmem>> -> memref<80xi32, #tpu.memory_space<vmem>>
      %dma_wait3A_297 = arith.constant 0 : i32
      %dma_wait3A_298 = arith.constant 0 : i32
      %dma_wait3A_299 = tpu.memref_slice %arg2[%dma_wait3A_297, %dma_wait3A_298] : memref<10000x128xf32, #tpu.memory_space<hbm>> -> memref<10000x128xf32, #tpu.memory_space<hbm>>
      tpu.wait_indirect_dma semaphore(%arg22 : memref<!tpu.dma_semaphore, #tpu.memory_space<semaphore_mem>>) src(%dma_wait3A_299 : memref<10000x128xf32, #tpu.memory_space<hbm>>) dst(%arg14 : memref<80x128xf32, #tpu.memory_space<vmem>>)
      %dma_start3A_300 = arith.constant 1 : i32
      %dma_start3A_301 = arith.constant 0 : i32
      %dma_start3A_302 = tpu.memref_slice %arg10[%dma_start3A_300, %dma_start3A_301] : memref<2x80xi32, #tpu.memory_space<vmem>> -> memref<1x80xi32, #tpu.memory_space<vmem>>
      %dma_start3A_303 = tpu.memref_squeeze %dma_start3A_302 : memref<1x80xi32, #tpu.memory_space<vmem>> -> memref<80xi32, #tpu.memory_space<vmem>>
      %dma_start3A_304 = arith.constant 0 : i32
      %dma_start3A_305 = arith.constant 0 : i32
      %dma_start3A_306 = tpu.memref_slice %arg7[%dma_start3A_304, %dma_start3A_305] : memref<10000x128xf32, #tpu.memory_space<vmem_shared>> -> memref<10000x128xf32, #tpu.memory_space<vmem_shared>>
      tpu.enqueue_indirect_dma source(%arg14 : memref<80x128xf32, #tpu.memory_space<vmem>>) target(%dma_start3A_306 : memref<10000x128xf32, #tpu.memory_space<vmem_shared>>) offsets(%dma_start3A_303 : memref<80xi32, #tpu.memory_space<vmem>>) semaphore(%arg26 : memref<!tpu.dma_semaphore, #tpu.memory_space<semaphore_mem>>) {add = true}
      %add3A_307 = arith.constant 1 : i32
      %add3A_308 = arith.addi %add3A_257, %add3A_307 : i32
      %dma_wait3A_309 = arith.constant 1 : i32
      %dma_wait3A_310 = arith.constant 0 : i32
      %dma_wait3A_311 = tpu.memref_slice %arg9[%dma_wait3A_309, %dma_wait3A_310] : memref<2x80xi32, #tpu.memory_space<vmem>> -> memref<1x80xi32, #tpu.memory_space<vmem>>
      %dma_wait3A_312 = tpu.memref_squeeze %dma_wait3A_311 : memref<1x80xi32, #tpu.memory_space<vmem>> -> memref<80xi32, #tpu.memory_space<vmem>>
      %dma_wait3A_313 = arith.constant 0 : i32
      %dma_wait3A_314 = arith.constant 0 : i32
      %dma_wait3A_315 = tpu.memref_slice %arg7[%dma_wait3A_313, %dma_wait3A_314] : memref<10000x128xf32, #tpu.memory_space<vmem_shared>> -> memref<10000x128xf32, #tpu.memory_space<vmem_shared>>
      tpu.wait_indirect_dma semaphore(%arg25 : memref<!tpu.dma_semaphore, #tpu.memory_space<semaphore_mem>>) src(%arg13 : memref<80x128xf32, #tpu.memory_space<vmem>>) dst(%dma_wait3A_315 : memref<10000x128xf32, #tpu.memory_space<vmem_shared>>)
      %add3A_316 = arith.constant 2 : i32
      %add3A_317 = arith.addi %add3A_308, %add3A_316 : i32
      %dma_start3A_318 = arith.constant 0 : i32
      %dma_start3A_319 = arith.constant 0 : i32
      %dma_start3A_320 = tpu.memref_slice %arg3[%add3A, %add3A_317, %dma_start3A_318, %dma_start3A_319] : memref<32x125x2x80xi32, #tpu.memory_space<hbm>> -> memref<1x1x2x80xi32, #tpu.memory_space<hbm>>
      %dma_start3A_321 = tpu.memref_squeeze %dma_start3A_320 : memref<1x1x2x80xi32, #tpu.memory_space<hbm>> -> memref<2x80xi32, #tpu.memory_space<hbm>>
      %dma_start3A_322 = arith.constant 0 : i32
      %dma_start3A_323 = arith.constant 0 : i32
      %dma_start3A_324 = tpu.memref_slice %arg3[%add3A, %add3A_317, %dma_start3A_322, %dma_start3A_323] : memref<32x125x2x80xi32, #tpu.memory_space<hbm>> -> memref<1x1x2x80xi32, #tpu.memory_space<hbm>>
      %dma_start3A_325 = tpu.memref_squeeze %dma_start3A_324 : memref<1x1x2x80xi32, #tpu.memory_space<hbm>> -> memref<2x80xi32, #tpu.memory_space<hbm>>
      tpu.enqueue_dma source(%dma_start3A_325 : memref<2x80xi32, #tpu.memory_space<hbm>>) target(%arg9 : memref<2x80xi32, #tpu.memory_space<vmem>>) target_semaphore(%arg17 : memref<!tpu.dma_semaphore, #tpu.memory_space<semaphore_mem>>)
      %dma_wait3A_326 = arith.constant 0 : i32
      %dma_wait3A_327 = arith.constant 0 : i32
      %dma_wait3A_328 = arith.constant 0 : i32
      %dma_wait3A_329 = tpu.memref_slice %arg3[%add3A, %dma_wait3A_326, %dma_wait3A_327, %dma_wait3A_328] : memref<32x125x2x80xi32, #tpu.memory_space<hbm>> -> memref<1x1x2x80xi32, #tpu.memory_space<hbm>>
      %dma_wait3A_330 = tpu.memref_squeeze %dma_wait3A_329 : memref<1x1x2x80xi32, #tpu.memory_space<hbm>> -> memref<2x80xi32, #tpu.memory_space<hbm>>
      %dma_wait3A_331 = arith.constant 0 : i32
      %dma_wait3A_332 = arith.constant 0 : i32
      %dma_wait3A_333 = tpu.memref_slice %arg3[%add3A, %dma_wait3A_326, %dma_wait3A_331, %dma_wait3A_332] : memref<32x125x2x80xi32, #tpu.memory_space<hbm>> -> memref<1x1x2x80xi32, #tpu.memory_space<hbm>>
      %dma_wait3A_334 = tpu.memref_squeeze %dma_wait3A_333 : memref<1x1x2x80xi32, #tpu.memory_space<hbm>> -> memref<2x80xi32, #tpu.memory_space<hbm>>
      tpu.wait_dma2 semaphore(%arg17 : memref<!tpu.dma_semaphore, #tpu.memory_space<semaphore_mem>>) src(%dma_wait3A_334 : memref<2x80xi32, #tpu.memory_space<hbm>>) dst(%arg9 : memref<2x80xi32, #tpu.memory_space<vmem>>)
      %dma_start3A_335 = arith.constant 0 : i32
      %dma_start3A_336 = arith.constant 0 : i32
      %dma_start3A_337 = tpu.memref_slice %arg9[%dma_start3A_335, %dma_start3A_336] : memref<2x80xi32, #tpu.memory_space<vmem>> -> memref<1x80xi32, #tpu.memory_space<vmem>>
      %dma_start3A_338 = tpu.memref_squeeze %dma_start3A_337 : memref<1x80xi32, #tpu.memory_space<vmem>> -> memref<80xi32, #tpu.memory_space<vmem>>
      %dma_start3A_339 = arith.constant 0 : i32
      %dma_start3A_340 = arith.constant 0 : i32
      %dma_start3A_341 = tpu.memref_slice %arg2[%dma_start3A_339, %dma_start3A_340] : memref<10000x128xf32, #tpu.memory_space<hbm>> -> memref<10000x128xf32, #tpu.memory_space<hbm>>
      tpu.enqueue_indirect_dma source(%dma_start3A_341 : memref<10000x128xf32, #tpu.memory_space<hbm>>) target(%arg13 : memref<80x128xf32, #tpu.memory_space<vmem>>) offsets(%dma_start3A_338 : memref<80xi32, #tpu.memory_space<vmem>>) semaphore(%arg21 : memref<!tpu.dma_semaphore, #tpu.memory_space<semaphore_mem>>)
      %dma_wait3A_342 = arith.constant 0 : i32
      %dma_wait3A_343 = arith.constant 0 : i32
      %dma_wait3A_344 = tpu.memref_slice %arg11[%dma_wait3A_342, %dma_wait3A_343] : memref<2x80xi32, #tpu.memory_space<vmem>> -> memref<1x80xi32, #tpu.memory_space<vmem>>
      %dma_wait3A_345 = tpu.memref_squeeze %dma_wait3A_344 : memref<1x80xi32, #tpu.memory_space<vmem>> -> memref<80xi32, #tpu.memory_space<vmem>>
      %dma_wait3A_346 = arith.constant 0 : i32
      %dma_wait3A_347 = arith.constant 0 : i32
      %dma_wait3A_348 = tpu.memref_slice %arg2[%dma_wait3A_346, %dma_wait3A_347] : memref<10000x128xf32, #tpu.memory_space<hbm>> -> memref<10000x128xf32, #tpu.memory_space<hbm>>
      tpu.wait_indirect_dma semaphore(%arg23 : memref<!tpu.dma_semaphore, #tpu.memory_space<semaphore_mem>>) src(%dma_wait3A_348 : memref<10000x128xf32, #tpu.memory_space<hbm>>) dst(%arg15 : memref<80x128xf32, #tpu.memory_space<vmem>>)
      %dma_start3A_349 = arith.constant 1 : i32
      %dma_start3A_350 = arith.constant 0 : i32
      %dma_start3A_351 = tpu.memref_slice %arg11[%dma_start3A_349, %dma_start3A_350] : memref<2x80xi32, #tpu.memory_space<vmem>> -> memref<1x80xi32, #tpu.memory_space<vmem>>
      %dma_start3A_352 = tpu.memref_squeeze %dma_start3A_351 : memref<1x80xi32, #tpu.memory_space<vmem>> -> memref<80xi32, #tpu.memory_space<vmem>>
      %dma_start3A_353 = arith.constant 0 : i32
      %dma_start3A_354 = arith.constant 0 : i32
      %dma_start3A_355 = tpu.memref_slice %arg7[%dma_start3A_353, %dma_start3A_354] : memref<10000x128xf32, #tpu.memory_space<vmem_shared>> -> memref<10000x128xf32, #tpu.memory_space<vmem_shared>>
      tpu.enqueue_indirect_dma source(%arg15 : memref<80x128xf32, #tpu.memory_space<vmem>>) target(%dma_start3A_355 : memref<10000x128xf32, #tpu.memory_space<vmem_shared>>) offsets(%dma_start3A_352 : memref<80xi32, #tpu.memory_space<vmem>>) semaphore(%arg27 : memref<!tpu.dma_semaphore, #tpu.memory_space<semaphore_mem>>) {add = true}
      %add3A_356 = arith.constant 2 : i32
      %add3A_357 = arith.addi %add3A_257, %add3A_356 : i32
      %dma_wait3A_358 = arith.constant 1 : i32
      %dma_wait3A_359 = arith.constant 0 : i32
      %dma_wait3A_360 = tpu.memref_slice %arg10[%dma_wait3A_358, %dma_wait3A_359] : memref<2x80xi32, #tpu.memory_space<vmem>> -> memref<1x80xi32, #tpu.memory_space<vmem>>
      %dma_wait3A_361 = tpu.memref_squeeze %dma_wait3A_360 : memref<1x80xi32, #tpu.memory_space<vmem>> -> memref<80xi32, #tpu.memory_space<vmem>>
      %dma_wait3A_362 = arith.constant 0 : i32
      %dma_wait3A_363 = arith.constant 0 : i32
      %dma_wait3A_364 = tpu.memref_slice %arg7[%dma_wait3A_362, %dma_wait3A_363] : memref<10000x128xf32, #tpu.memory_space<vmem_shared>> -> memref<10000x128xf32, #tpu.memory_space<vmem_shared>>
      tpu.wait_indirect_dma semaphore(%arg26 : memref<!tpu.dma_semaphore, #tpu.memory_space<semaphore_mem>>) src(%arg14 : memref<80x128xf32, #tpu.memory_space<vmem>>) dst(%dma_wait3A_364 : memref<10000x128xf32, #tpu.memory_space<vmem_shared>>)
      %add3A_365 = arith.constant 2 : i32
      %add3A_366 = arith.addi %add3A_357, %add3A_365 : i32
      %dma_start3A_367 = arith.constant 0 : i32
      %dma_start3A_368 = arith.constant 0 : i32
      %dma_start3A_369 = tpu.memref_slice %arg3[%add3A, %add3A_366, %dma_start3A_367, %dma_start3A_368] : memref<32x125x2x80xi32, #tpu.memory_space<hbm>> -> memref<1x1x2x80xi32, #tpu.memory_space<hbm>>
      %dma_start3A_370 = tpu.memref_squeeze %dma_start3A_369 : memref<1x1x2x80xi32, #tpu.memory_space<hbm>> -> memref<2x80xi32, #tpu.memory_space<hbm>>
      %dma_start3A_371 = arith.constant 0 : i32
      %dma_start3A_372 = arith.constant 0 : i32
      %dma_start3A_373 = tpu.memref_slice %arg3[%add3A, %add3A_366, %dma_start3A_371, %dma_start3A_372] : memref<32x125x2x80xi32, #tpu.memory_space<hbm>> -> memref<1x1x2x80xi32, #tpu.memory_space<hbm>>
      %dma_start3A_374 = tpu.memref_squeeze %dma_start3A_373 : memref<1x1x2x80xi32, #tpu.memory_space<hbm>> -> memref<2x80xi32, #tpu.memory_space<hbm>>
      tpu.enqueue_dma source(%dma_start3A_374 : memref<2x80xi32, #tpu.memory_space<hbm>>) target(%arg10 : memref<2x80xi32, #tpu.memory_space<vmem>>) target_semaphore(%arg18 : memref<!tpu.dma_semaphore, #tpu.memory_space<semaphore_mem>>)
      %dma_wait3A_375 = arith.constant 0 : i32
      %dma_wait3A_376 = arith.constant 0 : i32
      %dma_wait3A_377 = arith.constant 0 : i32
      %dma_wait3A_378 = tpu.memref_slice %arg3[%add3A, %dma_wait3A_375, %dma_wait3A_376, %dma_wait3A_377] : memref<32x125x2x80xi32, #tpu.memory_space<hbm>> -> memref<1x1x2x80xi32, #tpu.memory_space<hbm>>
      %dma_wait3A_379 = tpu.memref_squeeze %dma_wait3A_378 : memref<1x1x2x80xi32, #tpu.memory_space<hbm>> -> memref<2x80xi32, #tpu.memory_space<hbm>>
      %dma_wait3A_380 = arith.constant 0 : i32
      %dma_wait3A_381 = arith.constant 0 : i32
      %dma_wait3A_382 = tpu.memref_slice %arg3[%add3A, %dma_wait3A_375, %dma_wait3A_380, %dma_wait3A_381] : memref<32x125x2x80xi32, #tpu.memory_space<hbm>> -> memref<1x1x2x80xi32, #tpu.memory_space<hbm>>
      %dma_wait3A_383 = tpu.memref_squeeze %dma_wait3A_382 : memref<1x1x2x80xi32, #tpu.memory_space<hbm>> -> memref<2x80xi32, #tpu.memory_space<hbm>>
      tpu.wait_dma2 semaphore(%arg18 : memref<!tpu.dma_semaphore, #tpu.memory_space<semaphore_mem>>) src(%dma_wait3A_383 : memref<2x80xi32, #tpu.memory_space<hbm>>) dst(%arg10 : memref<2x80xi32, #tpu.memory_space<vmem>>)
      %dma_start3A_384 = arith.constant 0 : i32
      %dma_start3A_385 = arith.constant 0 : i32
      %dma_start3A_386 = tpu.memref_slice %arg10[%dma_start3A_384, %dma_start3A_385] : memref<2x80xi32, #tpu.memory_space<vmem>> -> memref<1x80xi32, #tpu.memory_space<vmem>>
      %dma_start3A_387 = tpu.memref_squeeze %dma_start3A_386 : memref<1x80xi32, #tpu.memory_space<vmem>> -> memref<80xi32, #tpu.memory_space<vmem>>
      %dma_start3A_388 = arith.constant 0 : i32
      %dma_start3A_389 = arith.constant 0 : i32
      %dma_start3A_390 = tpu.memref_slice %arg2[%dma_start3A_388, %dma_start3A_389] : memref<10000x128xf32, #tpu.memory_space<hbm>> -> memref<10000x128xf32, #tpu.memory_space<hbm>>
      tpu.enqueue_indirect_dma source(%dma_start3A_390 : memref<10000x128xf32, #tpu.memory_space<hbm>>) target(%arg14 : memref<80x128xf32, #tpu.memory_space<vmem>>) offsets(%dma_start3A_387 : memref<80xi32, #tpu.memory_space<vmem>>) semaphore(%arg22 : memref<!tpu.dma_semaphore, #tpu.memory_space<semaphore_mem>>)
      %dma_wait3A_391 = arith.constant 0 : i32
      %dma_wait3A_392 = arith.constant 0 : i32
      %dma_wait3A_393 = tpu.memref_slice %arg8[%dma_wait3A_391, %dma_wait3A_392] : memref<2x80xi32, #tpu.memory_space<vmem>> -> memref<1x80xi32, #tpu.memory_space<vmem>>
      %dma_wait3A_394 = tpu.memref_squeeze %dma_wait3A_393 : memref<1x80xi32, #tpu.memory_space<vmem>> -> memref<80xi32, #tpu.memory_space<vmem>>
      %dma_wait3A_395 = arith.constant 0 : i32
      %dma_wait3A_396 = arith.constant 0 : i32
      %dma_wait3A_397 = tpu.memref_slice %arg2[%dma_wait3A_395, %dma_wait3A_396] : memref<10000x128xf32, #tpu.memory_space<hbm>> -> memref<10000x128xf32, #tpu.memory_space<hbm>>
      tpu.wait_indirect_dma semaphore(%arg20 : memref<!tpu.dma_semaphore, #tpu.memory_space<semaphore_mem>>) src(%dma_wait3A_397 : memref<10000x128xf32, #tpu.memory_space<hbm>>) dst(%arg12 : memref<80x128xf32, #tpu.memory_space<vmem>>)
      %dma_start3A_398 = arith.constant 1 : i32
      %dma_start3A_399 = arith.constant 0 : i32
      %dma_start3A_400 = tpu.memref_slice %arg8[%dma_start3A_398, %dma_start3A_399] : memref<2x80xi32, #tpu.memory_space<vmem>> -> memref<1x80xi32, #tpu.memory_space<vmem>>
      %dma_start3A_401 = tpu.memref_squeeze %dma_start3A_400 : memref<1x80xi32, #tpu.memory_space<vmem>> -> memref<80xi32, #tpu.memory_space<vmem>>
      %dma_start3A_402 = arith.constant 0 : i32
      %dma_start3A_403 = arith.constant 0 : i32
      %dma_start3A_404 = tpu.memref_slice %arg7[%dma_start3A_402, %dma_start3A_403] : memref<10000x128xf32, #tpu.memory_space<vmem_shared>> -> memref<10000x128xf32, #tpu.memory_space<vmem_shared>>
      tpu.enqueue_indirect_dma source(%arg12 : memref<80x128xf32, #tpu.memory_space<vmem>>) target(%dma_start3A_404 : memref<10000x128xf32, #tpu.memory_space<vmem_shared>>) offsets(%dma_start3A_401 : memref<80xi32, #tpu.memory_space<vmem>>) semaphore(%arg24 : memref<!tpu.dma_semaphore, #tpu.memory_space<semaphore_mem>>) {add = true}
      %add3A_405 = arith.constant 3 : i32
      %add3A_406 = arith.addi %add3A_257, %add3A_405 : i32
      %dma_wait3A_407 = arith.constant 1 : i32
      %dma_wait3A_408 = arith.constant 0 : i32
      %dma_wait3A_409 = tpu.memref_slice %arg11[%dma_wait3A_407, %dma_wait3A_408] : memref<2x80xi32, #tpu.memory_space<vmem>> -> memref<1x80xi32, #tpu.memory_space<vmem>>
      %dma_wait3A_410 = tpu.memref_squeeze %dma_wait3A_409 : memref<1x80xi32, #tpu.memory_space<vmem>> -> memref<80xi32, #tpu.memory_space<vmem>>
      %dma_wait3A_411 = arith.constant 0 : i32
      %dma_wait3A_412 = arith.constant 0 : i32
      %dma_wait3A_413 = tpu.memref_slice %arg7[%dma_wait3A_411, %dma_wait3A_412] : memref<10000x128xf32, #tpu.memory_space<vmem_shared>> -> memref<10000x128xf32, #tpu.memory_space<vmem_shared>>
      tpu.wait_indirect_dma semaphore(%arg27 : memref<!tpu.dma_semaphore, #tpu.memory_space<semaphore_mem>>) src(%arg15 : memref<80x128xf32, #tpu.memory_space<vmem>>) dst(%dma_wait3A_413 : memref<10000x128xf32, #tpu.memory_space<vmem_shared>>)
      %add3A_414 = arith.constant 2 : i32
      %add3A_415 = arith.addi %add3A_406, %add3A_414 : i32
      %dma_start3A_416 = arith.constant 0 : i32
      %dma_start3A_417 = arith.constant 0 : i32
      %dma_start3A_418 = tpu.memref_slice %arg3[%add3A, %add3A_415, %dma_start3A_416, %dma_start3A_417] : memref<32x125x2x80xi32, #tpu.memory_space<hbm>> -> memref<1x1x2x80xi32, #tpu.memory_space<hbm>>
      %dma_start3A_419 = tpu.memref_squeeze %dma_start3A_418 : memref<1x1x2x80xi32, #tpu.memory_space<hbm>> -> memref<2x80xi32, #tpu.memory_space<hbm>>
      %dma_start3A_420 = arith.constant 0 : i32
      %dma_start3A_421 = arith.constant 0 : i32
      %dma_start3A_422 = tpu.memref_slice %arg3[%add3A, %add3A_415, %dma_start3A_420, %dma_start3A_421] : memref<32x125x2x80xi32, #tpu.memory_space<hbm>> -> memref<1x1x2x80xi32, #tpu.memory_space<hbm>>
      %dma_start3A_423 = tpu.memref_squeeze %dma_start3A_422 : memref<1x1x2x80xi32, #tpu.memory_space<hbm>> -> memref<2x80xi32, #tpu.memory_space<hbm>>
      tpu.enqueue_dma source(%dma_start3A_423 : memref<2x80xi32, #tpu.memory_space<hbm>>) target(%arg11 : memref<2x80xi32, #tpu.memory_space<vmem>>) target_semaphore(%arg19 : memref<!tpu.dma_semaphore, #tpu.memory_space<semaphore_mem>>)
      %dma_wait3A_424 = arith.constant 0 : i32
      %dma_wait3A_425 = arith.constant 0 : i32
      %dma_wait3A_426 = arith.constant 0 : i32
      %dma_wait3A_427 = tpu.memref_slice %arg3[%add3A, %dma_wait3A_424, %dma_wait3A_425, %dma_wait3A_426] : memref<32x125x2x80xi32, #tpu.memory_space<hbm>> -> memref<1x1x2x80xi32, #tpu.memory_space<hbm>>
      %dma_wait3A_428 = tpu.memref_squeeze %dma_wait3A_427 : memref<1x1x2x80xi32, #tpu.memory_space<hbm>> -> memref<2x80xi32, #tpu.memory_space<hbm>>
      %dma_wait3A_429 = arith.constant 0 : i32
      %dma_wait3A_430 = arith.constant 0 : i32
      %dma_wait3A_431 = tpu.memref_slice %arg3[%add3A, %dma_wait3A_424, %dma_wait3A_429, %dma_wait3A_430] : memref<32x125x2x80xi32, #tpu.memory_space<hbm>> -> memref<1x1x2x80xi32, #tpu.memory_space<hbm>>
      %dma_wait3A_432 = tpu.memref_squeeze %dma_wait3A_431 : memref<1x1x2x80xi32, #tpu.memory_space<hbm>> -> memref<2x80xi32, #tpu.memory_space<hbm>>
      tpu.wait_dma2 semaphore(%arg19 : memref<!tpu.dma_semaphore, #tpu.memory_space<semaphore_mem>>) src(%dma_wait3A_432 : memref<2x80xi32, #tpu.memory_space<hbm>>) dst(%arg11 : memref<2x80xi32, #tpu.memory_space<vmem>>)
      %dma_start3A_433 = arith.constant 0 : i32
      %dma_start3A_434 = arith.constant 0 : i32
      %dma_start3A_435 = tpu.memref_slice %arg11[%dma_start3A_433, %dma_start3A_434] : memref<2x80xi32, #tpu.memory_space<vmem>> -> memref<1x80xi32, #tpu.memory_space<vmem>>
      %dma_start3A_436 = tpu.memref_squeeze %dma_start3A_435 : memref<1x80xi32, #tpu.memory_space<vmem>> -> memref<80xi32, #tpu.memory_space<vmem>>
      %dma_start3A_437 = arith.constant 0 : i32
      %dma_start3A_438 = arith.constant 0 : i32
      %dma_start3A_439 = tpu.memref_slice %arg2[%dma_start3A_437, %dma_start3A_438] : memref<10000x128xf32, #tpu.memory_space<hbm>> -> memref<10000x128xf32, #tpu.memory_space<hbm>>
      tpu.enqueue_indirect_dma source(%dma_start3A_439 : memref<10000x128xf32, #tpu.memory_space<hbm>>) target(%arg15 : memref<80x128xf32, #tpu.memory_space<vmem>>) offsets(%dma_start3A_436 : memref<80xi32, #tpu.memory_space<vmem>>) semaphore(%arg23 : memref<!tpu.dma_semaphore, #tpu.memory_space<semaphore_mem>>)
      %dma_wait3A_440 = arith.constant 0 : i32
      %dma_wait3A_441 = arith.constant 0 : i32
      %dma_wait3A_442 = tpu.memref_slice %arg9[%dma_wait3A_440, %dma_wait3A_441] : memref<2x80xi32, #tpu.memory_space<vmem>> -> memref<1x80xi32, #tpu.memory_space<vmem>>
      %dma_wait3A_443 = tpu.memref_squeeze %dma_wait3A_442 : memref<1x80xi32, #tpu.memory_space<vmem>> -> memref<80xi32, #tpu.memory_space<vmem>>
      %dma_wait3A_444 = arith.constant 0 : i32
      %dma_wait3A_445 = arith.constant 0 : i32
      %dma_wait3A_446 = tpu.memref_slice %arg2[%dma_wait3A_444, %dma_wait3A_445] : memref<10000x128xf32, #tpu.memory_space<hbm>> -> memref<10000x128xf32, #tpu.memory_space<hbm>>
      tpu.wait_indirect_dma semaphore(%arg21 : memref<!tpu.dma_semaphore, #tpu.memory_space<semaphore_mem>>) src(%dma_wait3A_446 : memref<10000x128xf32, #tpu.memory_space<hbm>>) dst(%arg13 : memref<80x128xf32, #tpu.memory_space<vmem>>)
      %dma_start3A_447 = arith.constant 1 : i32
      %dma_start3A_448 = arith.constant 0 : i32
      %dma_start3A_449 = tpu.memref_slice %arg9[%dma_start3A_447, %dma_start3A_448] : memref<2x80xi32, #tpu.memory_space<vmem>> -> memref<1x80xi32, #tpu.memory_space<vmem>>
      %dma_start3A_450 = tpu.memref_squeeze %dma_start3A_449 : memref<1x80xi32, #tpu.memory_space<vmem>> -> memref<80xi32, #tpu.memory_space<vmem>>
      %dma_start3A_451 = arith.constant 0 : i32
      %dma_start3A_452 = arith.constant 0 : i32
      %dma_start3A_453 = tpu.memref_slice %arg7[%dma_start3A_451, %dma_start3A_452] : memref<10000x128xf32, #tpu.memory_space<vmem_shared>> -> memref<10000x128xf32, #tpu.memory_space<vmem_shared>>
      tpu.enqueue_indirect_dma source(%arg13 : memref<80x128xf32, #tpu.memory_space<vmem>>) target(%dma_start3A_453 : memref<10000x128xf32, #tpu.memory_space<vmem_shared>>) offsets(%dma_start3A_450 : memref<80xi32, #tpu.memory_space<vmem>>) semaphore(%arg25 : memref<!tpu.dma_semaphore, #tpu.memory_space<semaphore_mem>>) {add = true}
    }
    %scan3A_139 = arith.constant 30 : i32
    %dma_wait3A_140 = arith.constant 1 : i32
    %dma_wait3A_141 = arith.constant 0 : i32
    %dma_wait3A_142 = tpu.memref_slice %arg8[%dma_wait3A_140, %dma_wait3A_141] : memref<2x80xi32, #tpu.memory_space<vmem>> -> memref<1x80xi32, #tpu.memory_space<vmem>>
    %dma_wait3A_143 = tpu.memref_squeeze %dma_wait3A_142 : memref<1x80xi32, #tpu.memory_space<vmem>> -> memref<80xi32, #tpu.memory_space<vmem>>
    %dma_wait3A_144 = arith.constant 0 : i32
    %dma_wait3A_145 = arith.constant 0 : i32
    %dma_wait3A_146 = tpu.memref_slice %arg7[%dma_wait3A_144, %dma_wait3A_145] : memref<10000x128xf32, #tpu.memory_space<vmem_shared>> -> memref<10000x128xf32, #tpu.memory_space<vmem_shared>>
    tpu.wait_indirect_dma semaphore(%arg24 : memref<!tpu.dma_semaphore, #tpu.memory_space<semaphore_mem>>) src(%arg12 : memref<80x128xf32, #tpu.memory_space<vmem>>) dst(%dma_wait3A_146 : memref<10000x128xf32, #tpu.memory_space<vmem_shared>>)
    %dma_start3A_147 = arith.constant 124 : i32
    %dma_start3A_148 = arith.constant 0 : i32
    %dma_start3A_149 = arith.constant 0 : i32
    %dma_start3A_150 = tpu.memref_slice %arg3[%add3A, %dma_start3A_147, %dma_start3A_148, %dma_start3A_149] : memref<32x125x2x80xi32, #tpu.memory_space<hbm>> -> memref<1x1x2x80xi32, #tpu.memory_space<hbm>>
    %dma_start3A_151 = tpu.memref_squeeze %dma_start3A_150 : memref<1x1x2x80xi32, #tpu.memory_space<hbm>> -> memref<2x80xi32, #tpu.memory_space<hbm>>
    %dma_start3A_152 = arith.constant 0 : i32
    %dma_start3A_153 = arith.constant 0 : i32
    %dma_start3A_154 = tpu.memref_slice %arg3[%add3A, %dma_start3A_147, %dma_start3A_152, %dma_start3A_153] : memref<32x125x2x80xi32, #tpu.memory_space<hbm>> -> memref<1x1x2x80xi32, #tpu.memory_space<hbm>>
    %dma_start3A_155 = tpu.memref_squeeze %dma_start3A_154 : memref<1x1x2x80xi32, #tpu.memory_space<hbm>> -> memref<2x80xi32, #tpu.memory_space<hbm>>
    tpu.enqueue_dma source(%dma_start3A_155 : memref<2x80xi32, #tpu.memory_space<hbm>>) target(%arg8 : memref<2x80xi32, #tpu.memory_space<vmem>>) target_semaphore(%arg16 : memref<!tpu.dma_semaphore, #tpu.memory_space<semaphore_mem>>)
    %dma_wait3A_156 = arith.constant 0 : i32
    %dma_wait3A_157 = arith.constant 0 : i32
    %dma_wait3A_158 = arith.constant 0 : i32
    %dma_wait3A_159 = tpu.memref_slice %arg3[%add3A, %dma_wait3A_156, %dma_wait3A_157, %dma_wait3A_158] : memref<32x125x2x80xi32, #tpu.memory_space<hbm>> -> memref<1x1x2x80xi32, #tpu.memory_space<hbm>>
    %dma_wait3A_160 = tpu.memref_squeeze %dma_wait3A_159 : memref<1x1x2x80xi32, #tpu.memory_space<hbm>> -> memref<2x80xi32, #tpu.memory_space<hbm>>
    %dma_wait3A_161 = arith.constant 0 : i32
    %dma_wait3A_162 = arith.constant 0 : i32
    %dma_wait3A_163 = tpu.memref_slice %arg3[%add3A, %dma_wait3A_156, %dma_wait3A_161, %dma_wait3A_162] : memref<32x125x2x80xi32, #tpu.memory_space<hbm>> -> memref<1x1x2x80xi32, #tpu.memory_space<hbm>>
    %dma_wait3A_164 = tpu.memref_squeeze %dma_wait3A_163 : memref<1x1x2x80xi32, #tpu.memory_space<hbm>> -> memref<2x80xi32, #tpu.memory_space<hbm>>
    tpu.wait_dma2 semaphore(%arg16 : memref<!tpu.dma_semaphore, #tpu.memory_space<semaphore_mem>>) src(%dma_wait3A_164 : memref<2x80xi32, #tpu.memory_space<hbm>>) dst(%arg8 : memref<2x80xi32, #tpu.memory_space<vmem>>)
    %dma_start3A_165 = arith.constant 0 : i32
    %dma_start3A_166 = arith.constant 0 : i32
    %dma_start3A_167 = tpu.memref_slice %arg8[%dma_start3A_165, %dma_start3A_166] : memref<2x80xi32, #tpu.memory_space<vmem>> -> memref<1x80xi32, #tpu.memory_space<vmem>>
    %dma_start3A_168 = tpu.memref_squeeze %dma_start3A_167 : memref<1x80xi32, #tpu.memory_space<vmem>> -> memref<80xi32, #tpu.memory_space<vmem>>
    %dma_start3A_169 = arith.constant 0 : i32
    %dma_start3A_170 = arith.constant 0 : i32
    %dma_start3A_171 = tpu.memref_slice %arg2[%dma_start3A_169, %dma_start3A_170] : memref<10000x128xf32, #tpu.memory_space<hbm>> -> memref<10000x128xf32, #tpu.memory_space<hbm>>
    tpu.enqueue_indirect_dma source(%dma_start3A_171 : memref<10000x128xf32, #tpu.memory_space<hbm>>) target(%arg12 : memref<80x128xf32, #tpu.memory_space<vmem>>) offsets(%dma_start3A_168 : memref<80xi32, #tpu.memory_space<vmem>>) semaphore(%arg20 : memref<!tpu.dma_semaphore, #tpu.memory_space<semaphore_mem>>)
    %dma_wait3A_172 = arith.constant 0 : i32
    %dma_wait3A_173 = arith.constant 0 : i32
    %dma_wait3A_174 = tpu.memref_slice %arg10[%dma_wait3A_172, %dma_wait3A_173] : memref<2x80xi32, #tpu.memory_space<vmem>> -> memref<1x80xi32, #tpu.memory_space<vmem>>
    %dma_wait3A_175 = tpu.memref_squeeze %dma_wait3A_174 : memref<1x80xi32, #tpu.memory_space<vmem>> -> memref<80xi32, #tpu.memory_space<vmem>>
    %dma_wait3A_176 = arith.constant 0 : i32
    %dma_wait3A_177 = arith.constant 0 : i32
    %dma_wait3A_178 = tpu.memref_slice %arg2[%dma_wait3A_176, %dma_wait3A_177] : memref<10000x128xf32, #tpu.memory_space<hbm>> -> memref<10000x128xf32, #tpu.memory_space<hbm>>
    tpu.wait_indirect_dma semaphore(%arg22 : memref<!tpu.dma_semaphore, #tpu.memory_space<semaphore_mem>>) src(%dma_wait3A_178 : memref<10000x128xf32, #tpu.memory_space<hbm>>) dst(%arg14 : memref<80x128xf32, #tpu.memory_space<vmem>>)
    %dma_start3A_179 = arith.constant 1 : i32
    %dma_start3A_180 = arith.constant 0 : i32
    %dma_start3A_181 = tpu.memref_slice %arg10[%dma_start3A_179, %dma_start3A_180] : memref<2x80xi32, #tpu.memory_space<vmem>> -> memref<1x80xi32, #tpu.memory_space<vmem>>
    %dma_start3A_182 = tpu.memref_squeeze %dma_start3A_181 : memref<1x80xi32, #tpu.memory_space<vmem>> -> memref<80xi32, #tpu.memory_space<vmem>>
    %dma_start3A_183 = arith.constant 0 : i32
    %dma_start3A_184 = arith.constant 0 : i32
    %dma_start3A_185 = tpu.memref_slice %arg7[%dma_start3A_183, %dma_start3A_184] : memref<10000x128xf32, #tpu.memory_space<vmem_shared>> -> memref<10000x128xf32, #tpu.memory_space<vmem_shared>>
    tpu.enqueue_indirect_dma source(%arg14 : memref<80x128xf32, #tpu.memory_space<vmem>>) target(%dma_start3A_185 : memref<10000x128xf32, #tpu.memory_space<vmem_shared>>) offsets(%dma_start3A_182 : memref<80xi32, #tpu.memory_space<vmem>>) semaphore(%arg26 : memref<!tpu.dma_semaphore, #tpu.memory_space<semaphore_mem>>) {add = true}
    %dma_wait3A_186 = arith.constant 1 : i32
    %dma_wait3A_187 = arith.constant 0 : i32
    %dma_wait3A_188 = tpu.memref_slice %arg9[%dma_wait3A_186, %dma_wait3A_187] : memref<2x80xi32, #tpu.memory_space<vmem>> -> memref<1x80xi32, #tpu.memory_space<vmem>>
    %dma_wait3A_189 = tpu.memref_squeeze %dma_wait3A_188 : memref<1x80xi32, #tpu.memory_space<vmem>> -> memref<80xi32, #tpu.memory_space<vmem>>
    %dma_wait3A_190 = arith.constant 0 : i32
    %dma_wait3A_191 = arith.constant 0 : i32
    %dma_wait3A_192 = tpu.memref_slice %arg7[%dma_wait3A_190, %dma_wait3A_191] : memref<10000x128xf32, #tpu.memory_space<vmem_shared>> -> memref<10000x128xf32, #tpu.memory_space<vmem_shared>>
    tpu.wait_indirect_dma semaphore(%arg25 : memref<!tpu.dma_semaphore, #tpu.memory_space<semaphore_mem>>) src(%arg13 : memref<80x128xf32, #tpu.memory_space<vmem>>) dst(%dma_wait3A_192 : memref<10000x128xf32, #tpu.memory_space<vmem_shared>>)
    %dma_wait3A_193 = arith.constant 0 : i32
    %dma_wait3A_194 = arith.constant 0 : i32
    %dma_wait3A_195 = tpu.memref_slice %arg11[%dma_wait3A_193, %dma_wait3A_194] : memref<2x80xi32, #tpu.memory_space<vmem>> -> memref<1x80xi32, #tpu.memory_space<vmem>>
    %dma_wait3A_196 = tpu.memref_squeeze %dma_wait3A_195 : memref<1x80xi32, #tpu.memory_space<vmem>> -> memref<80xi32, #tpu.memory_space<vmem>>
    %dma_wait3A_197 = arith.constant 0 : i32
    %dma_wait3A_198 = arith.constant 0 : i32
    %dma_wait3A_199 = tpu.memref_slice %arg2[%dma_wait3A_197, %dma_wait3A_198] : memref<10000x128xf32, #tpu.memory_space<hbm>> -> memref<10000x128xf32, #tpu.memory_space<hbm>>
    tpu.wait_indirect_dma semaphore(%arg23 : memref<!tpu.dma_semaphore, #tpu.memory_space<semaphore_mem>>) src(%dma_wait3A_199 : memref<10000x128xf32, #tpu.memory_space<hbm>>) dst(%arg15 : memref<80x128xf32, #tpu.memory_space<vmem>>)
    %dma_start3A_200 = arith.constant 1 : i32
    %dma_start3A_201 = arith.constant 0 : i32
    %dma_start3A_202 = tpu.memref_slice %arg11[%dma_start3A_200, %dma_start3A_201] : memref<2x80xi32, #tpu.memory_space<vmem>> -> memref<1x80xi32, #tpu.memory_space<vmem>>
    %dma_start3A_203 = tpu.memref_squeeze %dma_start3A_202 : memref<1x80xi32, #tpu.memory_space<vmem>> -> memref<80xi32, #tpu.memory_space<vmem>>
    %dma_start3A_204 = arith.constant 0 : i32
    %dma_start3A_205 = arith.constant 0 : i32
    %dma_start3A_206 = tpu.memref_slice %arg7[%dma_start3A_204, %dma_start3A_205] : memref<10000x128xf32, #tpu.memory_space<vmem_shared>> -> memref<10000x128xf32, #tpu.memory_space<vmem_shared>>
    tpu.enqueue_indirect_dma source(%arg15 : memref<80x128xf32, #tpu.memory_space<vmem>>) target(%dma_start3A_206 : memref<10000x128xf32, #tpu.memory_space<vmem_shared>>) offsets(%dma_start3A_203 : memref<80xi32, #tpu.memory_space<vmem>>) semaphore(%arg27 : memref<!tpu.dma_semaphore, #tpu.memory_space<semaphore_mem>>) {add = true}
    %dma_wait3A_207 = arith.constant 0 : i32
    %dma_wait3A_208 = arith.constant 0 : i32
    %dma_wait3A_209 = tpu.memref_slice %arg8[%dma_wait3A_207, %dma_wait3A_208] : memref<2x80xi32, #tpu.memory_space<vmem>> -> memref<1x80xi32, #tpu.memory_space<vmem>>
    %dma_wait3A_210 = tpu.memref_squeeze %dma_wait3A_209 : memref<1x80xi32, #tpu.memory_space<vmem>> -> memref<80xi32, #tpu.memory_space<vmem>>
    %dma_wait3A_211 = arith.constant 0 : i32
    %dma_wait3A_212 = arith.constant 0 : i32
    %dma_wait3A_213 = tpu.memref_slice %arg2[%dma_wait3A_211, %dma_wait3A_212] : memref<10000x128xf32, #tpu.memory_space<hbm>> -> memref<10000x128xf32, #tpu.memory_space<hbm>>
    tpu.wait_indirect_dma semaphore(%arg20 : memref<!tpu.dma_semaphore, #tpu.memory_space<semaphore_mem>>) src(%dma_wait3A_213 : memref<10000x128xf32, #tpu.memory_space<hbm>>) dst(%arg12 : memref<80x128xf32, #tpu.memory_space<vmem>>)
    %dma_start3A_214 = arith.constant 1 : i32
    %dma_start3A_215 = arith.constant 0 : i32
    %dma_start3A_216 = tpu.memref_slice %arg8[%dma_start3A_214, %dma_start3A_215] : memref<2x80xi32, #tpu.memory_space<vmem>> -> memref<1x80xi32, #tpu.memory_space<vmem>>
    %dma_start3A_217 = tpu.memref_squeeze %dma_start3A_216 : memref<1x80xi32, #tpu.memory_space<vmem>> -> memref<80xi32, #tpu.memory_space<vmem>>
    %dma_start3A_218 = arith.constant 0 : i32
    %dma_start3A_219 = arith.constant 0 : i32
    %dma_start3A_220 = tpu.memref_slice %arg7[%dma_start3A_218, %dma_start3A_219] : memref<10000x128xf32, #tpu.memory_space<vmem_shared>> -> memref<10000x128xf32, #tpu.memory_space<vmem_shared>>
    tpu.enqueue_indirect_dma source(%arg12 : memref<80x128xf32, #tpu.memory_space<vmem>>) target(%dma_start3A_220 : memref<10000x128xf32, #tpu.memory_space<vmem_shared>>) offsets(%dma_start3A_217 : memref<80xi32, #tpu.memory_space<vmem>>) semaphore(%arg24 : memref<!tpu.dma_semaphore, #tpu.memory_space<semaphore_mem>>) {add = true}
    %dma_wait3A_221 = arith.constant 1 : i32
    %dma_wait3A_222 = arith.constant 0 : i32
    %dma_wait3A_223 = tpu.memref_slice %arg10[%dma_wait3A_221, %dma_wait3A_222] : memref<2x80xi32, #tpu.memory_space<vmem>> -> memref<1x80xi32, #tpu.memory_space<vmem>>
    %dma_wait3A_224 = tpu.memref_squeeze %dma_wait3A_223 : memref<1x80xi32, #tpu.memory_space<vmem>> -> memref<80xi32, #tpu.memory_space<vmem>>
    %dma_wait3A_225 = arith.constant 0 : i32
    %dma_wait3A_226 = arith.constant 0 : i32
    %dma_wait3A_227 = tpu.memref_slice %arg7[%dma_wait3A_225, %dma_wait3A_226] : memref<10000x128xf32, #tpu.memory_space<vmem_shared>> -> memref<10000x128xf32, #tpu.memory_space<vmem_shared>>
    tpu.wait_indirect_dma semaphore(%arg26 : memref<!tpu.dma_semaphore, #tpu.memory_space<semaphore_mem>>) src(%arg14 : memref<80x128xf32, #tpu.memory_space<vmem>>) dst(%dma_wait3A_227 : memref<10000x128xf32, #tpu.memory_space<vmem_shared>>)
    %dma_wait3A_228 = arith.constant 1 : i32
    %dma_wait3A_229 = arith.constant 0 : i32
    %dma_wait3A_230 = tpu.memref_slice %arg11[%dma_wait3A_228, %dma_wait3A_229] : memref<2x80xi32, #tpu.memory_space<vmem>> -> memref<1x80xi32, #tpu.memory_space<vmem>>
    %dma_wait3A_231 = tpu.memref_squeeze %dma_wait3A_230 : memref<1x80xi32, #tpu.memory_space<vmem>> -> memref<80xi32, #tpu.memory_space<vmem>>
    %dma_wait3A_232 = arith.constant 0 : i32
    %dma_wait3A_233 = arith.constant 0 : i32
    %dma_wait3A_234 = tpu.memref_slice %arg7[%dma_wait3A_232, %dma_wait3A_233] : memref<10000x128xf32, #tpu.memory_space<vmem_shared>> -> memref<10000x128xf32, #tpu.memory_space<vmem_shared>>
    tpu.wait_indirect_dma semaphore(%arg27 : memref<!tpu.dma_semaphore, #tpu.memory_space<semaphore_mem>>) src(%arg15 : memref<80x128xf32, #tpu.memory_space<vmem>>) dst(%dma_wait3A_234 : memref<10000x128xf32, #tpu.memory_space<vmem_shared>>)
    %dma_wait3A_235 = arith.constant 1 : i32
    %dma_wait3A_236 = arith.constant 0 : i32
    %dma_wait3A_237 = tpu.memref_slice %arg8[%dma_wait3A_235, %dma_wait3A_236] : memref<2x80xi32, #tpu.memory_space<vmem>> -> memref<1x80xi32, #tpu.memory_space<vmem>>
    %dma_wait3A_238 = tpu.memref_squeeze %dma_wait3A_237 : memref<1x80xi32, #tpu.memory_space<vmem>> -> memref<80xi32, #tpu.memory_space<vmem>>
    %dma_wait3A_239 = arith.constant 0 : i32
    %dma_wait3A_240 = arith.constant 0 : i32
    %dma_wait3A_241 = tpu.memref_slice %arg7[%dma_wait3A_239, %dma_wait3A_240] : memref<10000x128xf32, #tpu.memory_space<vmem_shared>> -> memref<10000x128xf32, #tpu.memory_space<vmem_shared>>
    tpu.wait_indirect_dma semaphore(%arg24 : memref<!tpu.dma_semaphore, #tpu.memory_space<semaphore_mem>>) src(%arg12 : memref<80x128xf32, #tpu.memory_space<vmem>>) dst(%dma_wait3A_241 : memref<10000x128xf32, #tpu.memory_space<vmem_shared>>)
    %barrier3A_242 = arith.constant 0 : index
    tpu.barrier barrier_id(%barrier3A_242)
    %lt3A_243 = arith.constant 15 : i32
    %lt3A_244 = arith.cmpi slt, %arg1, %lt3A_243 : i32
    %convert_element_type3A_245 = arith.extui %lt3A_244 : i1 to i32
    %cond3A_246 = arith.constant 0 : i32
    %cond3A_247 = arith.cmpi ne, %convert_element_type3A_245, %cond3A_246 : i32
    scf.if %cond3A_247 {
      "tpu.region"() ({
        %run_scoped3A = tpu.sem_alloc : memref<!tpu.dma_semaphore, #tpu.memory_space<semaphore_mem>>
        %dma_start3A_253 = arith.constant 0 : i32
        %dma_start3A_254 = tpu.memref_slice %arg6[%arg0, %multiple_of3A, %dma_start3A_253] : memref<2x10000x128xf32, #tpu.memory_space<hbm>> -> memref<1x632x128xf32, #tpu.memory_space<hbm>>
        %dma_start3A_255 = tpu.memref_squeeze %dma_start3A_254 : memref<1x632x128xf32, #tpu.memory_space<hbm>> -> memref<632x128xf32, #tpu.memory_space<hbm>>
        %dma_start3A_256 = arith.constant 0 : i32
        %dma_start3A_257 = tpu.memref_slice %arg7[%multiple_of3A, %dma_start3A_256] : memref<10000x128xf32, #tpu.memory_space<vmem_shared>> -> memref<632x128xf32, #tpu.memory_space<vmem_shared>>
        tpu.enqueue_dma source(%dma_start3A_257 : memref<632x128xf32, #tpu.memory_space<vmem_shared>>) target(%dma_start3A_255 : memref<632x128xf32, #tpu.memory_space<hbm>>) target_semaphore(%run_scoped3A : memref<!tpu.dma_semaphore, #tpu.memory_space<semaphore_mem>>)
        %dma_wait3A_258 = arith.constant 0 : i32
        %dma_wait3A_259 = tpu.memref_slice %arg6[%arg0, %multiple_of3A, %dma_wait3A_258] : memref<2x10000x128xf32, #tpu.memory_space<hbm>> -> memref<1x632x128xf32, #tpu.memory_space<hbm>>
        %dma_wait3A_260 = tpu.memref_squeeze %dma_wait3A_259 : memref<1x632x128xf32, #tpu.memory_space<hbm>> -> memref<632x128xf32, #tpu.memory_space<hbm>>
        %dma_wait3A_261 = arith.constant 0 : i32
        %dma_wait3A_262 = tpu.memref_slice %arg7[%multiple_of3A, %dma_wait3A_261] : memref<10000x128xf32, #tpu.memory_space<vmem_shared>> -> memref<632x128xf32, #tpu.memory_space<vmem_shared>>
        tpu.wait_dma2 semaphore(%run_scoped3A : memref<!tpu.dma_semaphore, #tpu.memory_space<semaphore_mem>>) src(%dma_wait3A_262 : memref<632x128xf32, #tpu.memory_space<vmem_shared>>) dst(%dma_wait3A_260 : memref<632x128xf32, #tpu.memory_space<hbm>>)
        tpu.yield
      }) : () -> ()
    } else {
    }
    %eq3A_248 = arith.constant 15 : i32
    %eq3A_249 = arith.cmpi eq, %arg1, %eq3A_248 : i32
    %convert_element_type3A_250 = arith.extui %eq3A_249 : i1 to i32
    %cond3A_251 = arith.constant 0 : i32
    %cond3A_252 = arith.cmpi ne, %convert_element_type3A_250, %cond3A_251 : i32
    scf.if %cond3A_252 {
      "tpu.region"() ({
        %run_scoped3A = tpu.sem_alloc : memref<!tpu.dma_semaphore, #tpu.memory_space<semaphore_mem>>
        %dma_start3A_253 = arith.constant 0 : i32
        %dma_start3A_254 = tpu.memref_slice %arg6[%arg0, %multiple_of3A, %dma_start3A_253] : memref<2x10000x128xf32, #tpu.memory_space<hbm>> -> memref<1x520x128xf32, #tpu.memory_space<hbm>>
        %dma_start3A_255 = tpu.memref_squeeze %dma_start3A_254 : memref<1x520x128xf32, #tpu.memory_space<hbm>> -> memref<520x128xf32, #tpu.memory_space<hbm>>
        %dma_start3A_256 = arith.constant 0 : i32
        %dma_start3A_257 = tpu.memref_slice %arg7[%multiple_of3A, %dma_start3A_256] : memref<10000x128xf32, #tpu.memory_space<vmem_shared>> -> memref<520x128xf32, #tpu.memory_space<vmem_shared>>
        tpu.enqueue_dma source(%dma_start3A_257 : memref<520x128xf32, #tpu.memory_space<vmem_shared>>) target(%dma_start3A_255 : memref<520x128xf32, #tpu.memory_space<hbm>>) target_semaphore(%run_scoped3A : memref<!tpu.dma_semaphore, #tpu.memory_space<semaphore_mem>>)
        %dma_wait3A_258 = arith.constant 0 : i32
        %dma_wait3A_259 = tpu.memref_slice %arg6[%arg0, %multiple_of3A, %dma_wait3A_258] : memref<2x10000x128xf32, #tpu.memory_space<hbm>> -> memref<1x520x128xf32, #tpu.memory_space<hbm>>
        %dma_wait3A_260 = tpu.memref_squeeze %dma_wait3A_259 : memref<1x520x128xf32, #tpu.memory_space<hbm>> -> memref<520x128xf32, #tpu.memory_space<hbm>>
        %dma_wait3A_261 = arith.constant 0 : i32
        %dma_wait3A_262 = tpu.memref_slice %arg7[%multiple_of3A, %dma_wait3A_261] : memref<10000x128xf32, #tpu.memory_space<vmem_shared>> -> memref<520x128xf32, #tpu.memory_space<vmem_shared>>
        tpu.wait_dma2 semaphore(%run_scoped3A : memref<!tpu.dma_semaphore, #tpu.memory_space<semaphore_mem>>) src(%dma_wait3A_262 : memref<520x128xf32, #tpu.memory_space<vmem_shared>>) dst(%dma_wait3A_260 : memref<520x128xf32, #tpu.memory_space<hbm>>)
        tpu.yield
      }) : () -> ()
    } else {
    }
    return
  }
}

module attributes {stable_mosaic.version = 14 : i64} {
  func.func @_tc_layer1_body(%arg0: i32, %arg1: i32, %arg2: memref<1000x128xf32, #tpu.memory_space<vmem>>, %arg3: memref<2x1000x128xf32, #tpu.memory_space<vmem>>, %arg4: memref<2x1000x128xf32, #tpu.memory_space<vmem>>, %arg5: memref<128x128xf32, #tpu.memory_space<vmem>>, %arg6: memref<128x128xf32, #tpu.memory_space<vmem>>, %arg7: memref<128x128xf32, #tpu.memory_space<vmem>>, %arg8: memref<128x128xf32, #tpu.memory_space<vmem>>, %arg9: memref<1x128xf32, #tpu.memory_space<vmem>>, %arg10: memref<1x128xf32, #tpu.memory_space<vmem>>, %arg11: memref<1x128xf32, #tpu.memory_space<vmem>>, %arg12: memref<1x128xf32, #tpu.memory_space<vmem>>, %arg13: memref<1x128xf32, #tpu.memory_space<vmem>>, %arg14: memref<1000x128xf32, #tpu.memory_space<vmem>>, %arg15: memref<1000x1xf32, #tpu.memory_space<vmem>>, %arg16: memref<10000x128xf32, #tpu.memory_space<vmem>>, %arg17: memref<8x128xf32, #tpu.memory_space<vmem>>, %arg18: memref<10000x1xf32, #tpu.memory_space<vmem>>) attributes {dimension_semantics = [#tpu.dimension_semantics<arbitrary>, #tpu.dimension_semantics<arbitrary>], iteration_bounds = array<i64: 2, 10>, scalar_prefetch = 0 : i64, scratch_operands = 3 : i64, tpu.core_type = #tpu.core_type<tc>, window_params = [{transform_indices = @transform_0, window_bounds = array<i64: 1000, 128>}, {transform_indices = @transform_1, window_bounds = array<i64: 2, 1000, 128>}, {transform_indices = @transform_2, window_bounds = array<i64: 2, 1000, 128>}, {pipeline_mode = #tpu.pipeline_mode<synchronous>, transform_indices = @transform_3, window_bounds = array<i64: 128, 128>}, {pipeline_mode = #tpu.pipeline_mode<synchronous>, transform_indices = @transform_4, window_bounds = array<i64: 128, 128>}, {pipeline_mode = #tpu.pipeline_mode<synchronous>, transform_indices = @transform_5, window_bounds = array<i64: 128, 128>}, {pipeline_mode = #tpu.pipeline_mode<synchronous>, transform_indices = @transform_6, window_bounds = array<i64: 128, 128>}, {pipeline_mode = #tpu.pipeline_mode<synchronous>, transform_indices = @transform_7, window_bounds = array<i64: 1, 128>}, {pipeline_mode = #tpu.pipeline_mode<synchronous>, transform_indices = @transform_8, window_bounds = array<i64: 1, 128>}, {pipeline_mode = #tpu.pipeline_mode<synchronous>, transform_indices = @transform_9, window_bounds = array<i64: 1, 128>}, {pipeline_mode = #tpu.pipeline_mode<synchronous>, transform_indices = @transform_10, window_bounds = array<i64: 1, 128>}, {pipeline_mode = #tpu.pipeline_mode<synchronous>, transform_indices = @transform_11, window_bounds = array<i64: 1, 128>}, {transform_indices = @transform_12, window_bounds = array<i64: 1000, 128>}, {transform_indices = @transform_13, window_bounds = array<i64: 1000, 1>}]} {
    %eq3A = arith.constant 0 : i32
    %eq3A_0 = arith.cmpi eq, %arg0, %eq3A : i32
    %convert_element_type3A = arith.extui %eq3A_0 : i1 to i32
    %cond3A = arith.constant 0 : i32
    %cond3A_1 = arith.cmpi ne, %convert_element_type3A, %cond3A : i32
    scf.if %cond3A_1 {
      %get3A = arith.constant 0 : index
      %get3A_7 = arith.constant 0 : index
      %get3A_8 = arith.constant 0 : index
      %get3A_9 = vector.load %arg4[%get3A, %get3A_7, %get3A_8] : memref<2x1000x128xf32, #tpu.memory_space<vmem>>, vector<1x1000x1xf32>
      %get3A_10 = vector.shape_cast %get3A_9 : vector<1x1000x1xf32> to vector<1000x1xf32>
      %get3A_11 = arith.constant 1 : index
      %get3A_12 = arith.constant 0 : index
      %get3A_13 = arith.constant 0 : index
      %get3A_14 = vector.load %arg4[%get3A_11, %get3A_12, %get3A_13] : memref<2x1000x128xf32, #tpu.memory_space<vmem>>, vector<1x1000x1xf32>
      %get3A_15 = vector.shape_cast %get3A_14 : vector<1x1000x1xf32> to vector<1000x1xf32>
      %add3A = arith.addf %get3A_10, %get3A_15 : vector<1000x1xf32>
      %max3A = arith.constant 1.000000e+00 : f32
      %max3A_16 = vector.broadcast %max3A : f32 to vector<1000x1xf32>
      %max3A_17 = arith.maximumf %add3A, %max3A_16 : vector<1000x1xf32>
      %div3A = arith.constant 1.000000e+00 : f32
      %div3A_18 = vector.broadcast %div3A : f32 to vector<1000x1xf32>
      %div3A_19 = arith.divf %div3A_18, %max3A_17 : vector<1000x1xf32>
      %mul3A = arith.constant 1000 : i32
      %mul3A_20 = arith.muli %arg1, %mul3A : i32
      %swap3A = arith.index_cast %mul3A_20 : i32 to index
      %swap3A_21 = arith.constant 0 : index
      %swap3A_22 = vector.load %arg18[%swap3A, %swap3A_21] : memref<10000x1xf32, #tpu.memory_space<vmem>>, vector<1000x1xf32>
      tpu.vector_store %arg18[%swap3A, %swap3A_21], %div3A_19 {strides = array<i32>} : memref<10000x1xf32, #tpu.memory_space<vmem>>, vector<1000x1xf32>,
      %get3A_23 = arith.constant 0 : index
      %get3A_24 = arith.constant 0 : index
      %get3A_25 = arith.constant 0 : index
      %get3A_26 = vector.load %arg3[%get3A_23, %get3A_24, %get3A_25] : memref<2x1000x128xf32, #tpu.memory_space<vmem>>, vector<1x1000x128xf32>
      %get3A_27 = vector.shape_cast %get3A_26 : vector<1x1000x128xf32> to vector<1000x128xf32>
      %get3A_28 = arith.constant 1 : index
      %get3A_29 = arith.constant 0 : index
      %get3A_30 = arith.constant 0 : index
      %get3A_31 = vector.load %arg3[%get3A_28, %get3A_29, %get3A_30] : memref<2x1000x128xf32, #tpu.memory_space<vmem>>, vector<1x1000x128xf32>
      %get3A_32 = vector.shape_cast %get3A_31 : vector<1x1000x128xf32> to vector<1000x128xf32>
      %add3A_33 = arith.addf %get3A_27, %get3A_32 : vector<1000x128xf32>
      %mul3A_34 = vector.broadcast %div3A_19 : vector<1000x1xf32> to vector<1000x128xf32>
      %mul3A_35 = arith.mulf %add3A_33, %mul3A_34 : vector<1000x128xf32>
      %get3A_36 = arith.constant 0 : index
      %get3A_37 = arith.constant 0 : index
      %get3A_38 = vector.load %arg2[%get3A_36, %get3A_37] : memref<1000x128xf32, #tpu.memory_space<vmem>>, vector<1000x128xf32>
      %get3A_39 = arith.constant 0 : index
      %get3A_40 = arith.constant 0 : index
      %get3A_41 = vector.load %arg5[%get3A_39, %get3A_40] : memref<128x128xf32, #tpu.memory_space<vmem>>, vector<128x128xf32>
      %dot_general3A = arith.constant dense<0.000000e+00> : vector<1000x128xf32>
      %dot_general3A_42 = tpu.matmul %get3A_38, %get3A_41, %dot_general3A {dimension_numbers = #tpu.dot_dimension_numbers<[1], [0], [0], [1], [0, 0, 1, 1], [], []>, transpose_lhs_hint = false} : vector<1000x128xf32>, vector<128x128xf32>, vector<1000x128xf32> -> vector<1000x128xf32>
      %get3A_43 = arith.constant 0 : index
      %get3A_44 = arith.constant 0 : index
      %get3A_45 = vector.load %arg6[%get3A_43, %get3A_44] : memref<128x128xf32, #tpu.memory_space<vmem>>, vector<128x128xf32>
      %dot_general3A_46 = arith.constant dense<0.000000e+00> : vector<1000x128xf32>
      %dot_general3A_47 = tpu.matmul %mul3A_35, %get3A_45, %dot_general3A_46 {dimension_numbers = #tpu.dot_dimension_numbers<[1], [0], [0], [1], [0, 0, 1, 1], [], []>, transpose_lhs_hint = false} : vector<1000x128xf32>, vector<128x128xf32>, vector<1000x128xf32> -> vector<1000x128xf32>
      %get3A_48 = arith.constant 0 : index
      %get3A_49 = arith.constant 0 : index
      %get3A_50 = vector.load %arg9[%get3A_48, %get3A_49] : memref<1x128xf32, #tpu.memory_space<vmem>>, vector<1x128xf32>
      %get3A_51 = arith.constant 0 : index
      %get3A_52 = arith.constant 0 : index
      %get3A_53 = vector.load %arg7[%get3A_51, %get3A_52] : memref<128x128xf32, #tpu.memory_space<vmem>>, vector<128x128xf32>
      %dot_general3A_54 = arith.constant dense<0.000000e+00> : vector<1x128xf32>
      %dot_general3A_55 = tpu.matmul %get3A_50, %get3A_53, %dot_general3A_54 {dimension_numbers = #tpu.dot_dimension_numbers<[1], [0], [0], [1], [0, 0, 1, 1], [], []>, transpose_lhs_hint = false} : vector<1x128xf32>, vector<128x128xf32>, vector<1x128xf32> -> vector<1x128xf32>
      %get3A_56 = arith.constant 0 : index
      %get3A_57 = arith.constant 0 : index
      %get3A_58 = vector.load %arg10[%get3A_56, %get3A_57] : memref<1x128xf32, #tpu.memory_space<vmem>>, vector<1x128xf32>
      %get3A_59 = arith.constant 0 : index
      %get3A_60 = arith.constant 0 : index
      %get3A_61 = vector.load %arg8[%get3A_59, %get3A_60] : memref<128x128xf32, #tpu.memory_space<vmem>>, vector<128x128xf32>
      %dot_general3A_62 = arith.constant dense<0.000000e+00> : vector<1x128xf32>
      %dot_general3A_63 = tpu.matmul %get3A_58, %get3A_61, %dot_general3A_62 {dimension_numbers = #tpu.dot_dimension_numbers<[1], [0], [0], [1], [0, 0, 1, 1], [], []>, transpose_lhs_hint = false} : vector<1x128xf32>, vector<128x128xf32>, vector<1x128xf32> -> vector<1x128xf32>
      %add3A_64 = arith.addf %dot_general3A_55, %dot_general3A_63 : vector<1x128xf32>
      %get3A_65 = arith.constant 0 : index
      %get3A_66 = arith.constant 0 : index
      %get3A_67 = vector.load %arg11[%get3A_65, %get3A_66] : memref<1x128xf32, #tpu.memory_space<vmem>>, vector<1x128xf32>
      %add3A_68 = arith.addf %add3A_64, %get3A_67 : vector<1x128xf32>
      %get3A_69 = arith.constant 0 : index
      %get3A_70 = arith.constant 0 : index
      %get3A_71 = vector.load %arg7[%get3A_69, %get3A_70] : memref<128x128xf32, #tpu.memory_space<vmem>>, vector<128x128xf32>
      %dot_general3A_72 = arith.constant dense<0.000000e+00> : vector<1000x128xf32>
      %dot_general3A_73 = tpu.matmul %dot_general3A_42, %get3A_71, %dot_general3A_72 {dimension_numbers = #tpu.dot_dimension_numbers<[1], [0], [0], [1], [0, 0, 1, 1], [], []>, transpose_lhs_hint = false} : vector<1000x128xf32>, vector<128x128xf32>, vector<1000x128xf32> -> vector<1000x128xf32>
      %get3A_74 = arith.constant 0 : index
      %get3A_75 = arith.constant 0 : index
      %get3A_76 = vector.load %arg8[%get3A_74, %get3A_75] : memref<128x128xf32, #tpu.memory_space<vmem>>, vector<128x128xf32>
      %dot_general3A_77 = arith.constant dense<0.000000e+00> : vector<1000x128xf32>
      %dot_general3A_78 = tpu.matmul %dot_general3A_47, %get3A_76, %dot_general3A_77 {dimension_numbers = #tpu.dot_dimension_numbers<[1], [0], [0], [1], [0, 0, 1, 1], [], []>, transpose_lhs_hint = false} : vector<1000x128xf32>, vector<128x128xf32>, vector<1000x128xf32> -> vector<1000x128xf32>
      %add3A_79 = arith.addf %dot_general3A_73, %dot_general3A_78 : vector<1000x128xf32>
      %add3A_80 = vector.broadcast %add3A_68 : vector<1x128xf32> to vector<1000x128xf32>
      %add3A_81 = arith.addf %add3A_79, %add3A_80 : vector<1000x128xf32>
      %mul3A_82 = arith.constant 1000 : i32
      %mul3A_83 = arith.muli %arg1, %mul3A_82 : i32
      %swap3A_84 = arith.index_cast %mul3A_83 : i32 to index
      %swap3A_85 = arith.constant 0 : index
      %swap3A_86 = vector.load %arg16[%swap3A_84, %swap3A_85] : memref<10000x128xf32, #tpu.memory_space<vmem>>, vector<1000x128xf32>
      tpu.vector_store %arg16[%swap3A_84, %swap3A_85], %add3A_81 {strides = array<i32>} : memref<10000x128xf32, #tpu.memory_space<vmem>>, vector<1000x128xf32>,
      %eq3A_87 = arith.constant 0 : i32
      %eq3A_88 = arith.cmpi eq, %arg1, %eq3A_87 : i32
      %convert_element_type3A_89 = arith.extui %eq3A_88 : i1 to i32
      %cond3A_90 = arith.constant 0 : i32
      %cond3A_91 = arith.cmpi ne, %convert_element_type3A_89, %cond3A_90 : i32
      scf.if %cond3A_91 {
        %broadcast_in_dim3A_111 = arith.constant 0.000000e+00 : f32
        %broadcast_in_dim3A_112 = vector.broadcast %broadcast_in_dim3A_111 : f32 to vector<8x128xf32>
        %swap3A_113 = arith.constant 0 : index
        %swap3A_114 = arith.constant 0 : index
        %swap3A_115 = vector.load %arg17[%swap3A_113, %swap3A_114] : memref<8x128xf32, #tpu.memory_space<vmem>>, vector<8x128xf32>
        tpu.vector_store %arg17[%swap3A_113, %swap3A_114], %broadcast_in_dim3A_112 {strides = array<i32>} : memref<8x128xf32, #tpu.memory_space<vmem>>, vector<8x128xf32>,
      } else {
      }
      %get3A_92 = arith.constant 0 : index
      %get3A_93 = arith.constant 0 : index
      %get3A_94 = vector.load %arg17[%get3A_92, %get3A_93] : memref<8x128xf32, #tpu.memory_space<vmem>>, vector<1x128xf32>
      %reduce_sum3A = arith.constant dense<0.000000e+00> : vector<128xf32>
      %reduce_sum3A_95 = vector.multi_reduction <add>, %add3A_81, %reduce_sum3A [0] : vector<1000x128xf32> to vector<128xf32>
      %broadcast_in_dim3A = vector.shape_cast %reduce_sum3A_95 : vector<128xf32> to vector<1x128xf32>
      %add3A_96 = arith.addf %get3A_94, %broadcast_in_dim3A : vector<1x128xf32>
      %swap3A_97 = arith.constant 0 : index
      %swap3A_98 = arith.constant 0 : index
      %swap3A_99 = vector.load %arg17[%swap3A_97, %swap3A_98] : memref<8x128xf32, #tpu.memory_space<vmem>>, vector<1x128xf32>
      tpu.vector_store %arg17[%swap3A_97, %swap3A_98], %add3A_96 {strides = array<i32>} : memref<8x128xf32, #tpu.memory_space<vmem>>, vector<1x128xf32>,
      %get3A_100 = arith.constant 1 : index
      %get3A_101 = arith.constant 0 : index
      %get3A_102 = vector.load %arg17[%get3A_100, %get3A_101] : memref<8x128xf32, #tpu.memory_space<vmem>>, vector<1x128xf32>
      %mul3A_103 = arith.mulf %add3A_81, %add3A_81 : vector<1000x128xf32>
      %reduce_sum3A_104 = arith.constant dense<0.000000e+00> : vector<128xf32>
      %reduce_sum3A_105 = vector.multi_reduction <add>, %mul3A_103, %reduce_sum3A_104 [0] : vector<1000x128xf32> to vector<128xf32>
      %broadcast_in_dim3A_106 = vector.shape_cast %reduce_sum3A_105 : vector<128xf32> to vector<1x128xf32>
      %add3A_107 = arith.addf %get3A_102, %broadcast_in_dim3A_106 : vector<1x128xf32>
      %swap3A_108 = arith.constant 1 : index
      %swap3A_109 = arith.constant 0 : index
      %swap3A_110 = vector.load %arg17[%swap3A_108, %swap3A_109] : memref<8x128xf32, #tpu.memory_space<vmem>>, vector<1x128xf32>
      tpu.vector_store %arg17[%swap3A_108, %swap3A_109], %add3A_107 {strides = array<i32>} : memref<8x128xf32, #tpu.memory_space<vmem>>, vector<1x128xf32>,
    } else {
    }
    %eq3A_2 = arith.constant 1 : i32
    %eq3A_3 = arith.cmpi eq, %arg0, %eq3A_2 : i32
    %convert_element_type3A_4 = arith.extui %eq3A_3 : i1 to i32
    %cond3A_5 = arith.constant 0 : i32
    %cond3A_6 = arith.cmpi ne, %convert_element_type3A_4, %cond3A_5 : i32
    scf.if %cond3A_6 {
      %get3A = arith.constant 0 : index
      %get3A_7 = arith.constant 0 : index
      %get3A_8 = vector.load %arg17[%get3A, %get3A_7] : memref<8x128xf32, #tpu.memory_space<vmem>>, vector<1x128xf32>
      %div3A = arith.constant 1.000000e+04 : f32
      %div3A_9 = vector.broadcast %div3A : f32 to vector<1x128xf32>
      %div3A_10 = arith.divf %get3A_8, %div3A_9 : vector<1x128xf32>
      %get3A_11 = arith.constant 1 : index
      %get3A_12 = arith.constant 0 : index
      %get3A_13 = vector.load %arg17[%get3A_11, %get3A_12] : memref<8x128xf32, #tpu.memory_space<vmem>>, vector<1x128xf32>
      %div3A_14 = arith.constant 1.000000e+04 : f32
      %div3A_15 = vector.broadcast %div3A_14 : f32 to vector<1x128xf32>
      %div3A_16 = arith.divf %get3A_13, %div3A_15 : vector<1x128xf32>
      %mul3A = arith.mulf %div3A_10, %div3A_10 : vector<1x128xf32>
      %sub3A = arith.subf %div3A_16, %mul3A : vector<1x128xf32>
      %get3A_17 = arith.constant 0 : index
      %get3A_18 = arith.constant 0 : index
      %get3A_19 = vector.load %arg12[%get3A_17, %get3A_18] : memref<1x128xf32, #tpu.memory_space<vmem>>, vector<1x128xf32>
      %add3A = arith.constant 1.000000e+00 : f32
      %add3A_20 = vector.broadcast %add3A : f32 to vector<1x128xf32>
      %add3A_21 = arith.addf %sub3A, %add3A_20 : vector<1x128xf32>
      %sqrt3A = math.sqrt %add3A_21 : vector<1x128xf32>
      %div3A_22 = arith.divf %get3A_19, %sqrt3A : vector<1x128xf32>
      %mul3A_23 = arith.constant 1000 : i32
      %mul3A_24 = arith.muli %arg1, %mul3A_23 : i32
      %get3A_25 = arith.index_cast %mul3A_24 : i32 to index
      %get3A_26 = arith.constant 0 : index
      %get3A_27 = vector.load %arg16[%get3A_25, %get3A_26] : memref<10000x128xf32, #tpu.memory_space<vmem>>, vector<1000x128xf32>
      %sub3A_28 = vector.broadcast %div3A_10 : vector<1x128xf32> to vector<1000x128xf32>
      %sub3A_29 = arith.subf %get3A_27, %sub3A_28 : vector<1000x128xf32>
      %mul3A_30 = vector.broadcast %div3A_22 : vector<1x128xf32> to vector<1000x128xf32>
      %mul3A_31 = arith.mulf %sub3A_29, %mul3A_30 : vector<1000x128xf32>
      %get3A_32 = arith.constant 0 : index
      %get3A_33 = arith.constant 0 : index
      %get3A_34 = vector.load %arg13[%get3A_32, %get3A_33] : memref<1x128xf32, #tpu.memory_space<vmem>>, vector<1x128xf32>
      %add3A_35 = vector.broadcast %get3A_34 : vector<1x128xf32> to vector<1000x128xf32>
      %add3A_36 = arith.addf %mul3A_31, %add3A_35 : vector<1000x128xf32>
      %ge3A = arith.constant 0.000000e+00 : f32
      %ge3A_37 = vector.broadcast %ge3A : f32 to vector<1000x128xf32>
      %ge3A_38 = arith.cmpf oge, %add3A_36, %ge3A_37 : vector<1000x128xf32>
      %mul3A_39 = arith.constant 0.00999999977 : f32
      %mul3A_40 = vector.broadcast %mul3A_39 : f32 to vector<1000x128xf32>
      %mul3A_41 = arith.mulf %mul3A_40, %add3A_36 : vector<1000x128xf32>
      %select_n3A = arith.select %ge3A_38, %add3A_36, %mul3A_41 : vector<1000x128xi1>, vector<1000x128xf32>
      %swap3A = arith.constant 0 : index
      %swap3A_42 = arith.constant 0 : index
      %swap3A_43 = vector.load %arg14[%swap3A, %swap3A_42] : memref<1000x128xf32, #tpu.memory_space<vmem>>, vector<1000x128xf32>
      tpu.vector_store %arg14[%swap3A, %swap3A_42], %select_n3A {strides = array<i32>} : memref<1000x128xf32, #tpu.memory_space<vmem>>, vector<1000x128xf32>,
      %mul3A_44 = arith.constant 1000 : i32
      %mul3A_45 = arith.muli %arg1, %mul3A_44 : i32
      %get3A_46 = arith.index_cast %mul3A_45 : i32 to index
      %get3A_47 = arith.constant 0 : index
      %get3A_48 = vector.load %arg18[%get3A_46, %get3A_47] : memref<10000x1xf32, #tpu.memory_space<vmem>>, vector<1000x1xf32>
      %swap3A_49 = arith.constant 0 : index
      %swap3A_50 = arith.constant 0 : index
      %swap3A_51 = vector.load %arg15[%swap3A_49, %swap3A_50] : memref<1000x1xf32, #tpu.memory_space<vmem>>, vector<1000x1xf32>
      tpu.vector_store %arg15[%swap3A_49, %swap3A_50], %get3A_48 {strides = array<i32>} : memref<1000x1xf32, #tpu.memory_space<vmem>>, vector<1000x1xf32>,
    } else {
    }
    return
  }
  func.func @transform_0(%arg0: i32, %arg1: i32) -> (i32, i32) {
    %sub3A = arith.constant 1 : i32
    %sub3A_0 = arith.subi %sub3A, %arg0 : i32
    %mul3A = arith.muli %arg1, %sub3A_0 : i32
    %c0_i32 = arith.constant 0 : i32
    %c0_i32_1 = arith.constant 0 : i32
    return %mul3A, %c0_i32 : i32, i32
  }
  func.func @transform_1(%arg0: i32, %arg1: i32) -> (i32, i32, i32) {
    %sub3A = arith.constant 1 : i32
    %sub3A_0 = arith.subi %sub3A, %arg0 : i32
    %mul3A = arith.muli %arg1, %sub3A_0 : i32
    %c0_i32 = arith.constant 0 : i32
    %c0_i32_1 = arith.constant 0 : i32
    %c0_i32_2 = arith.constant 0 : i32
    return %c0_i32, %mul3A, %c0_i32_1 : i32, i32, i32
  }
  func.func @transform_2(%arg0: i32, %arg1: i32) -> (i32, i32, i32) {
    %sub3A = arith.constant 1 : i32
    %sub3A_0 = arith.subi %sub3A, %arg0 : i32
    %mul3A = arith.muli %arg1, %sub3A_0 : i32
    %c0_i32 = arith.constant 0 : i32
    %c0_i32_1 = arith.constant 0 : i32
    %c0_i32_2 = arith.constant 0 : i32
    return %c0_i32, %mul3A, %c0_i32_1 : i32, i32, i32
  }
  func.func @transform_3(%arg0: i32, %arg1: i32) -> (i32, i32) {
    %c0_i32 = arith.constant 0 : i32
    %c0_i32_0 = arith.constant 0 : i32
    %c0_i32_1 = arith.constant 0 : i32
    return %c0_i32, %c0_i32_0 : i32, i32
  }
  func.func @transform_4(%arg0: i32, %arg1: i32) -> (i32, i32) {
    %c0_i32 = arith.constant 0 : i32
    %c0_i32_0 = arith.constant 0 : i32
    %c0_i32_1 = arith.constant 0 : i32
    return %c0_i32, %c0_i32_0 : i32, i32
  }
  func.func @transform_5(%arg0: i32, %arg1: i32) -> (i32, i32) {
    %c0_i32 = arith.constant 0 : i32
    %c0_i32_0 = arith.constant 0 : i32
    %c0_i32_1 = arith.constant 0 : i32
    return %c0_i32, %c0_i32_0 : i32, i32
  }
  func.func @transform_6(%arg0: i32, %arg1: i32) -> (i32, i32) {
    %c0_i32 = arith.constant 0 : i32
    %c0_i32_0 = arith.constant 0 : i32
    %c0_i32_1 = arith.constant 0 : i32
    return %c0_i32, %c0_i32_0 : i32, i32
  }
  func.func @transform_7(%arg0: i32, %arg1: i32) -> (i32, i32) {
    %c0_i32 = arith.constant 0 : i32
    %c0_i32_0 = arith.constant 0 : i32
    %c0_i32_1 = arith.constant 0 : i32
    return %c0_i32, %c0_i32_0 : i32, i32
  }
  func.func @transform_8(%arg0: i32, %arg1: i32) -> (i32, i32) {
    %c0_i32 = arith.constant 0 : i32
    %c0_i32_0 = arith.constant 0 : i32
    %c0_i32_1 = arith.constant 0 : i32
    return %c0_i32, %c0_i32_0 : i32, i32
  }
  func.func @transform_9(%arg0: i32, %arg1: i32) -> (i32, i32) {
    %c0_i32 = arith.constant 0 : i32
    %c0_i32_0 = arith.constant 0 : i32
    %c0_i32_1 = arith.constant 0 : i32
    return %c0_i32, %c0_i32_0 : i32, i32
  }
  func.func @transform_10(%arg0: i32, %arg1: i32) -> (i32, i32) {
    %c0_i32 = arith.constant 0 : i32
    %c0_i32_0 = arith.constant 0 : i32
    %c0_i32_1 = arith.constant 0 : i32
    return %c0_i32, %c0_i32_0 : i32, i32
  }
  func.func @transform_11(%arg0: i32, %arg1: i32) -> (i32, i32) {
    %c0_i32 = arith.constant 0 : i32
    %c0_i32_0 = arith.constant 0 : i32
    %c0_i32_1 = arith.constant 0 : i32
    return %c0_i32, %c0_i32_0 : i32, i32
  }
  func.func @transform_12(%arg0: i32, %arg1: i32) -> (i32, i32) {
    %mul3A = arith.muli %arg1, %arg0 : i32
    %c0_i32 = arith.constant 0 : i32
    %c0_i32_0 = arith.constant 0 : i32
    return %mul3A, %c0_i32 : i32, i32
  }
  func.func @transform_13(%arg0: i32, %arg1: i32) -> (i32, i32) {
    %mul3A = arith.muli %arg1, %arg0 : i32
    %c0_i32 = arith.constant 0 : i32
    %c0_i32_0 = arith.constant 0 : i32
    return %mul3A, %c0_i32 : i32, i32
  }
}

module attributes {stable_mosaic.version = 14 : i64} {
  func.func @_tc_layer2_body(%arg0: i32, %arg1: i32, %arg2: memref<1000x128xf32, #tpu.memory_space<vmem>>, %arg3: memref<2x1000x128xf32, #tpu.memory_space<vmem>>, %arg4: memref<1000x1xf32, #tpu.memory_space<vmem>>, %arg5: memref<128x128xf32, #tpu.memory_space<vmem>>, %arg6: memref<128x128xf32, #tpu.memory_space<vmem>>, %arg7: memref<128x128xf32, #tpu.memory_space<vmem>>, %arg8: memref<128x128xf32, #tpu.memory_space<vmem>>, %arg9: memref<1x128xf32, #tpu.memory_space<vmem>>, %arg10: memref<1x128xf32, #tpu.memory_space<vmem>>, %arg11: memref<1x128xf32, #tpu.memory_space<vmem>>, %arg12: memref<1x128xf32, #tpu.memory_space<vmem>>, %arg13: memref<1x128xf32, #tpu.memory_space<vmem>>, %arg14: memref<128x16xf32, #tpu.memory_space<vmem>>, %arg15: memref<1x16xf32, #tpu.memory_space<vmem>>, %arg16: memref<1000x16xf32, #tpu.memory_space<vmem>>, %arg17: memref<10000x128xf32, #tpu.memory_space<vmem>>, %arg18: memref<8x128xf32, #tpu.memory_space<vmem>>) attributes {dimension_semantics = [#tpu.dimension_semantics<arbitrary>, #tpu.dimension_semantics<arbitrary>], iteration_bounds = array<i64: 2, 10>, scalar_prefetch = 0 : i64, scratch_operands = 2 : i64, tpu.core_type = #tpu.core_type<tc>, window_params = [{transform_indices = @transform_0, window_bounds = array<i64: 1000, 128>}, {transform_indices = @transform_1, window_bounds = array<i64: 2, 1000, 128>}, {transform_indices = @transform_2, window_bounds = array<i64: 1000, 1>}, {pipeline_mode = #tpu.pipeline_mode<synchronous>, transform_indices = @transform_3, window_bounds = array<i64: 128, 128>}, {pipeline_mode = #tpu.pipeline_mode<synchronous>, transform_indices = @transform_4, window_bounds = array<i64: 128, 128>}, {pipeline_mode = #tpu.pipeline_mode<synchronous>, transform_indices = @transform_5, window_bounds = array<i64: 128, 128>}, {pipeline_mode = #tpu.pipeline_mode<synchronous>, transform_indices = @transform_6, window_bounds = array<i64: 128, 128>}, {pipeline_mode = #tpu.pipeline_mode<synchronous>, transform_indices = @transform_7, window_bounds = array<i64: 1, 128>}, {pipeline_mode = #tpu.pipeline_mode<synchronous>, transform_indices = @transform_8, window_bounds = array<i64: 1, 128>}, {pipeline_mode = #tpu.pipeline_mode<synchronous>, transform_indices = @transform_9, window_bounds = array<i64: 1, 128>}, {pipeline_mode = #tpu.pipeline_mode<synchronous>, transform_indices = @transform_10, window_bounds = array<i64: 1, 128>}, {pipeline_mode = #tpu.pipeline_mode<synchronous>, transform_indices = @transform_11, window_bounds = array<i64: 1, 128>}, {pipeline_mode = #tpu.pipeline_mode<synchronous>, transform_indices = @transform_12, window_bounds = array<i64: 128, 16>}, {pipeline_mode = #tpu.pipeline_mode<synchronous>, transform_indices = @transform_13, window_bounds = array<i64: 1, 16>}, {transform_indices = @transform_14, window_bounds = array<i64: 1000, 16>}]} {
    %eq3A = arith.constant 0 : i32
    %eq3A_0 = arith.cmpi eq, %arg0, %eq3A : i32
    %convert_element_type3A = arith.extui %eq3A_0 : i1 to i32
    %cond3A = arith.constant 0 : i32
    %cond3A_1 = arith.cmpi ne, %convert_element_type3A, %cond3A : i32
    scf.if %cond3A_1 {
      %get3A = arith.constant 0 : index
      %get3A_7 = arith.constant 0 : index
      %get3A_8 = arith.constant 0 : index
      %get3A_9 = vector.load %arg3[%get3A, %get3A_7, %get3A_8] : memref<2x1000x128xf32, #tpu.memory_space<vmem>>, vector<1x1000x128xf32>
      %get3A_10 = vector.shape_cast %get3A_9 : vector<1x1000x128xf32> to vector<1000x128xf32>
      %get3A_11 = arith.constant 1 : index
      %get3A_12 = arith.constant 0 : index
      %get3A_13 = arith.constant 0 : index
      %get3A_14 = vector.load %arg3[%get3A_11, %get3A_12, %get3A_13] : memref<2x1000x128xf32, #tpu.memory_space<vmem>>, vector<1x1000x128xf32>
      %get3A_15 = vector.shape_cast %get3A_14 : vector<1x1000x128xf32> to vector<1000x128xf32>
      %add3A = arith.addf %get3A_10, %get3A_15 : vector<1000x128xf32>
      %get3A_16 = arith.constant 0 : index
      %get3A_17 = arith.constant 0 : index
      %get3A_18 = vector.load %arg4[%get3A_16, %get3A_17] : memref<1000x1xf32, #tpu.memory_space<vmem>>, vector<1000x1xf32>
      %mul3A = vector.broadcast %get3A_18 : vector<1000x1xf32> to vector<1000x128xf32>
      %mul3A_19 = arith.mulf %add3A, %mul3A : vector<1000x128xf32>
      %get3A_20 = arith.constant 0 : index
      %get3A_21 = arith.constant 0 : index
      %get3A_22 = vector.load %arg2[%get3A_20, %get3A_21] : memref<1000x128xf32, #tpu.memory_space<vmem>>, vector<1000x128xf32>
      %get3A_23 = arith.constant 0 : index
      %get3A_24 = arith.constant 0 : index
      %get3A_25 = vector.load %arg5[%get3A_23, %get3A_24] : memref<128x128xf32, #tpu.memory_space<vmem>>, vector<128x128xf32>
      %dot_general3A = arith.constant dense<0.000000e+00> : vector<1000x128xf32>
      %dot_general3A_26 = tpu.matmul %get3A_22, %get3A_25, %dot_general3A {dimension_numbers = #tpu.dot_dimension_numbers<[1], [0], [0], [1], [0, 0, 1, 1], [], []>, transpose_lhs_hint = false} : vector<1000x128xf32>, vector<128x128xf32>, vector<1000x128xf32> -> vector<1000x128xf32>
      %get3A_27 = arith.constant 0 : index
      %get3A_28 = arith.constant 0 : index
      %get3A_29 = vector.load %arg6[%get3A_27, %get3A_28] : memref<128x128xf32, #tpu.memory_space<vmem>>, vector<128x128xf32>
      %dot_general3A_30 = arith.constant dense<0.000000e+00> : vector<1000x128xf32>
      %dot_general3A_31 = tpu.matmul %mul3A_19, %get3A_29, %dot_general3A_30 {dimension_numbers = #tpu.dot_dimension_numbers<[1], [0], [0], [1], [0, 0, 1, 1], [], []>, transpose_lhs_hint = false} : vector<1000x128xf32>, vector<128x128xf32>, vector<1000x128xf32> -> vector<1000x128xf32>
      %get3A_32 = arith.constant 0 : index
      %get3A_33 = arith.constant 0 : index
      %get3A_34 = vector.load %arg9[%get3A_32, %get3A_33] : memref<1x128xf32, #tpu.memory_space<vmem>>, vector<1x128xf32>
      %get3A_35 = arith.constant 0 : index
      %get3A_36 = arith.constant 0 : index
      %get3A_37 = vector.load %arg7[%get3A_35, %get3A_36] : memref<128x128xf32, #tpu.memory_space<vmem>>, vector<128x128xf32>
      %dot_general3A_38 = arith.constant dense<0.000000e+00> : vector<1x128xf32>
      %dot_general3A_39 = tpu.matmul %get3A_34, %get3A_37, %dot_general3A_38 {dimension_numbers = #tpu.dot_dimension_numbers<[1], [0], [0], [1], [0, 0, 1, 1], [], []>, transpose_lhs_hint = false} : vector<1x128xf32>, vector<128x128xf32>, vector<1x128xf32> -> vector<1x128xf32>
      %get3A_40 = arith.constant 0 : index
      %get3A_41 = arith.constant 0 : index
      %get3A_42 = vector.load %arg10[%get3A_40, %get3A_41] : memref<1x128xf32, #tpu.memory_space<vmem>>, vector<1x128xf32>
      %get3A_43 = arith.constant 0 : index
      %get3A_44 = arith.constant 0 : index
      %get3A_45 = vector.load %arg8[%get3A_43, %get3A_44] : memref<128x128xf32, #tpu.memory_space<vmem>>, vector<128x128xf32>
      %dot_general3A_46 = arith.constant dense<0.000000e+00> : vector<1x128xf32>
      %dot_general3A_47 = tpu.matmul %get3A_42, %get3A_45, %dot_general3A_46 {dimension_numbers = #tpu.dot_dimension_numbers<[1], [0], [0], [1], [0, 0, 1, 1], [], []>, transpose_lhs_hint = false} : vector<1x128xf32>, vector<128x128xf32>, vector<1x128xf32> -> vector<1x128xf32>
      %add3A_48 = arith.addf %dot_general3A_39, %dot_general3A_47 : vector<1x128xf32>
      %get3A_49 = arith.constant 0 : index
      %get3A_50 = arith.constant 0 : index
      %get3A_51 = vector.load %arg11[%get3A_49, %get3A_50] : memref<1x128xf32, #tpu.memory_space<vmem>>, vector<1x128xf32>
      %add3A_52 = arith.addf %add3A_48, %get3A_51 : vector<1x128xf32>
      %get3A_53 = arith.constant 0 : index
      %get3A_54 = arith.constant 0 : index
      %get3A_55 = vector.load %arg7[%get3A_53, %get3A_54] : memref<128x128xf32, #tpu.memory_space<vmem>>, vector<128x128xf32>
      %dot_general3A_56 = arith.constant dense<0.000000e+00> : vector<1000x128xf32>
      %dot_general3A_57 = tpu.matmul %dot_general3A_26, %get3A_55, %dot_general3A_56 {dimension_numbers = #tpu.dot_dimension_numbers<[1], [0], [0], [1], [0, 0, 1, 1], [], []>, transpose_lhs_hint = false} : vector<1000x128xf32>, vector<128x128xf32>, vector<1000x128xf32> -> vector<1000x128xf32>
      %get3A_58 = arith.constant 0 : index
      %get3A_59 = arith.constant 0 : index
      %get3A_60 = vector.load %arg8[%get3A_58, %get3A_59] : memref<128x128xf32, #tpu.memory_space<vmem>>, vector<128x128xf32>
      %dot_general3A_61 = arith.constant dense<0.000000e+00> : vector<1000x128xf32>
      %dot_general3A_62 = tpu.matmul %dot_general3A_31, %get3A_60, %dot_general3A_61 {dimension_numbers = #tpu.dot_dimension_numbers<[1], [0], [0], [1], [0, 0, 1, 1], [], []>, transpose_lhs_hint = false} : vector<1000x128xf32>, vector<128x128xf32>, vector<1000x128xf32> -> vector<1000x128xf32>
      %add3A_63 = arith.addf %dot_general3A_57, %dot_general3A_62 : vector<1000x128xf32>
      %add3A_64 = vector.broadcast %add3A_52 : vector<1x128xf32> to vector<1000x128xf32>
      %add3A_65 = arith.addf %add3A_63, %add3A_64 : vector<1000x128xf32>
      %mul3A_66 = arith.constant 1000 : i32
      %mul3A_67 = arith.muli %arg1, %mul3A_66 : i32
      %swap3A = arith.index_cast %mul3A_67 : i32 to index
      %swap3A_68 = arith.constant 0 : index
      %swap3A_69 = vector.load %arg17[%swap3A, %swap3A_68] : memref<10000x128xf32, #tpu.memory_space<vmem>>, vector<1000x128xf32>
      tpu.vector_store %arg17[%swap3A, %swap3A_68], %add3A_65 {strides = array<i32>} : memref<10000x128xf32, #tpu.memory_space<vmem>>, vector<1000x128xf32>,
      %eq3A_70 = arith.constant 0 : i32
      %eq3A_71 = arith.cmpi eq, %arg1, %eq3A_70 : i32
      %convert_element_type3A_72 = arith.extui %eq3A_71 : i1 to i32
      %cond3A_73 = arith.constant 0 : i32
      %cond3A_74 = arith.cmpi ne, %convert_element_type3A_72, %cond3A_73 : i32
      scf.if %cond3A_74 {
        %broadcast_in_dim3A_94 = arith.constant 0.000000e+00 : f32
        %broadcast_in_dim3A_95 = vector.broadcast %broadcast_in_dim3A_94 : f32 to vector<8x128xf32>
        %swap3A_96 = arith.constant 0 : index
        %swap3A_97 = arith.constant 0 : index
        %swap3A_98 = vector.load %arg18[%swap3A_96, %swap3A_97] : memref<8x128xf32, #tpu.memory_space<vmem>>, vector<8x128xf32>
        tpu.vector_store %arg18[%swap3A_96, %swap3A_97], %broadcast_in_dim3A_95 {strides = array<i32>} : memref<8x128xf32, #tpu.memory_space<vmem>>, vector<8x128xf32>,
      } else {
      }
      %get3A_75 = arith.constant 0 : index
      %get3A_76 = arith.constant 0 : index
      %get3A_77 = vector.load %arg18[%get3A_75, %get3A_76] : memref<8x128xf32, #tpu.memory_space<vmem>>, vector<1x128xf32>
      %reduce_sum3A = arith.constant dense<0.000000e+00> : vector<128xf32>
      %reduce_sum3A_78 = vector.multi_reduction <add>, %add3A_65, %reduce_sum3A [0] : vector<1000x128xf32> to vector<128xf32>
      %broadcast_in_dim3A = vector.shape_cast %reduce_sum3A_78 : vector<128xf32> to vector<1x128xf32>
      %add3A_79 = arith.addf %get3A_77, %broadcast_in_dim3A : vector<1x128xf32>
      %swap3A_80 = arith.constant 0 : index
      %swap3A_81 = arith.constant 0 : index
      %swap3A_82 = vector.load %arg18[%swap3A_80, %swap3A_81] : memref<8x128xf32, #tpu.memory_space<vmem>>, vector<1x128xf32>
      tpu.vector_store %arg18[%swap3A_80, %swap3A_81], %add3A_79 {strides = array<i32>} : memref<8x128xf32, #tpu.memory_space<vmem>>, vector<1x128xf32>,
      %get3A_83 = arith.constant 1 : index
      %get3A_84 = arith.constant 0 : index
      %get3A_85 = vector.load %arg18[%get3A_83, %get3A_84] : memref<8x128xf32, #tpu.memory_space<vmem>>, vector<1x128xf32>
      %mul3A_86 = arith.mulf %add3A_65, %add3A_65 : vector<1000x128xf32>
      %reduce_sum3A_87 = arith.constant dense<0.000000e+00> : vector<128xf32>
      %reduce_sum3A_88 = vector.multi_reduction <add>, %mul3A_86, %reduce_sum3A_87 [0] : vector<1000x128xf32> to vector<128xf32>
      %broadcast_in_dim3A_89 = vector.shape_cast %reduce_sum3A_88 : vector<128xf32> to vector<1x128xf32>
      %add3A_90 = arith.addf %get3A_85, %broadcast_in_dim3A_89 : vector<1x128xf32>
      %swap3A_91 = arith.constant 1 : index
      %swap3A_92 = arith.constant 0 : index
      %swap3A_93 = vector.load %arg18[%swap3A_91, %swap3A_92] : memref<8x128xf32, #tpu.memory_space<vmem>>, vector<1x128xf32>
      tpu.vector_store %arg18[%swap3A_91, %swap3A_92], %add3A_90 {strides = array<i32>} : memref<8x128xf32, #tpu.memory_space<vmem>>, vector<1x128xf32>,
    } else {
    }
    %eq3A_2 = arith.constant 1 : i32
    %eq3A_3 = arith.cmpi eq, %arg0, %eq3A_2 : i32
    %convert_element_type3A_4 = arith.extui %eq3A_3 : i1 to i32
    %cond3A_5 = arith.constant 0 : i32
    %cond3A_6 = arith.cmpi ne, %convert_element_type3A_4, %cond3A_5 : i32
    scf.if %cond3A_6 {
      %get3A = arith.constant 0 : index
      %get3A_7 = arith.constant 0 : index
      %get3A_8 = vector.load %arg18[%get3A, %get3A_7] : memref<8x128xf32, #tpu.memory_space<vmem>>, vector<1x128xf32>
      %div3A = arith.constant 1.000000e+04 : f32
      %div3A_9 = vector.broadcast %div3A : f32 to vector<1x128xf32>
      %div3A_10 = arith.divf %get3A_8, %div3A_9 : vector<1x128xf32>
      %get3A_11 = arith.constant 1 : index
      %get3A_12 = arith.constant 0 : index
      %get3A_13 = vector.load %arg18[%get3A_11, %get3A_12] : memref<8x128xf32, #tpu.memory_space<vmem>>, vector<1x128xf32>
      %div3A_14 = arith.constant 1.000000e+04 : f32
      %div3A_15 = vector.broadcast %div3A_14 : f32 to vector<1x128xf32>
      %div3A_16 = arith.divf %get3A_13, %div3A_15 : vector<1x128xf32>
      %mul3A = arith.mulf %div3A_10, %div3A_10 : vector<1x128xf32>
      %sub3A = arith.subf %div3A_16, %mul3A : vector<1x128xf32>
      %get3A_17 = arith.constant 0 : index
      %get3A_18 = arith.constant 0 : index
      %get3A_19 = vector.load %arg12[%get3A_17, %get3A_18] : memref<1x128xf32, #tpu.memory_space<vmem>>, vector<1x128xf32>
      %add3A = arith.constant 1.000000e+00 : f32
      %add3A_20 = vector.broadcast %add3A : f32 to vector<1x128xf32>
      %add3A_21 = arith.addf %sub3A, %add3A_20 : vector<1x128xf32>
      %sqrt3A = math.sqrt %add3A_21 : vector<1x128xf32>
      %div3A_22 = arith.divf %get3A_19, %sqrt3A : vector<1x128xf32>
      %mul3A_23 = arith.constant 1000 : i32
      %mul3A_24 = arith.muli %arg1, %mul3A_23 : i32
      %get3A_25 = arith.index_cast %mul3A_24 : i32 to index
      %get3A_26 = arith.constant 0 : index
      %get3A_27 = vector.load %arg17[%get3A_25, %get3A_26] : memref<10000x128xf32, #tpu.memory_space<vmem>>, vector<1000x128xf32>
      %sub3A_28 = vector.broadcast %div3A_10 : vector<1x128xf32> to vector<1000x128xf32>
      %sub3A_29 = arith.subf %get3A_27, %sub3A_28 : vector<1000x128xf32>
      %mul3A_30 = vector.broadcast %div3A_22 : vector<1x128xf32> to vector<1000x128xf32>
      %mul3A_31 = arith.mulf %sub3A_29, %mul3A_30 : vector<1000x128xf32>
      %get3A_32 = arith.constant 0 : index
      %get3A_33 = arith.constant 0 : index
      %get3A_34 = vector.load %arg13[%get3A_32, %get3A_33] : memref<1x128xf32, #tpu.memory_space<vmem>>, vector<1x128xf32>
      %add3A_35 = vector.broadcast %get3A_34 : vector<1x128xf32> to vector<1000x128xf32>
      %add3A_36 = arith.addf %mul3A_31, %add3A_35 : vector<1000x128xf32>
      %ge3A = arith.constant 0.000000e+00 : f32
      %ge3A_37 = vector.broadcast %ge3A : f32 to vector<1000x128xf32>
      %ge3A_38 = arith.cmpf oge, %add3A_36, %ge3A_37 : vector<1000x128xf32>
      %mul3A_39 = arith.constant 0.00999999977 : f32
      %mul3A_40 = vector.broadcast %mul3A_39 : f32 to vector<1000x128xf32>
      %mul3A_41 = arith.mulf %mul3A_40, %add3A_36 : vector<1000x128xf32>
      %select_n3A = arith.select %ge3A_38, %add3A_36, %mul3A_41 : vector<1000x128xi1>, vector<1000x128xf32>
      %get3A_42 = arith.constant 0 : index
      %get3A_43 = arith.constant 0 : index
      %get3A_44 = vector.load %arg14[%get3A_42, %get3A_43] : memref<128x16xf32, #tpu.memory_space<vmem>>, vector<128x16xf32>
      %dot_general3A = arith.constant dense<0.000000e+00> : vector<1000x16xf32>
      %dot_general3A_45 = tpu.matmul %select_n3A, %get3A_44, %dot_general3A {dimension_numbers = #tpu.dot_dimension_numbers<[1], [0], [0], [1], [0, 0, 1, 1], [], []>, transpose_lhs_hint = false} : vector<1000x128xf32>, vector<128x16xf32>, vector<1000x16xf32> -> vector<1000x16xf32>
      %get3A_46 = arith.constant 0 : index
      %get3A_47 = arith.constant 0 : index
      %get3A_48 = vector.load %arg15[%get3A_46, %get3A_47] : memref<1x16xf32, #tpu.memory_space<vmem>>, vector<1x16xf32>
      %add3A_49 = vector.broadcast %get3A_48 : vector<1x16xf32> to vector<1000x16xf32>
      %add3A_50 = arith.addf %dot_general3A_45, %add3A_49 : vector<1000x16xf32>
      %swap3A = arith.constant 0 : index
      %swap3A_51 = arith.constant 0 : index
      %swap3A_52 = vector.load %arg16[%swap3A, %swap3A_51] : memref<1000x16xf32, #tpu.memory_space<vmem>>, vector<1000x16xf32>
      tpu.vector_store %arg16[%swap3A, %swap3A_51], %add3A_50 {strides = array<i32>} : memref<1000x16xf32, #tpu.memory_space<vmem>>, vector<1000x16xf32>,
    } else {
    }
    return
  }
  func.func @transform_0(%arg0: i32, %arg1: i32) -> (i32, i32) {
    %sub3A = arith.constant 1 : i32
    %sub3A_0 = arith.subi %sub3A, %arg0 : i32
    %mul3A = arith.muli %arg1, %sub3A_0 : i32
    %c0_i32 = arith.constant 0 : i32
    %c0_i32_1 = arith.constant 0 : i32
    return %mul3A, %c0_i32 : i32, i32
  }
  func.func @transform_1(%arg0: i32, %arg1: i32) -> (i32, i32, i32) {
    %sub3A = arith.constant 1 : i32
    %sub3A_0 = arith.subi %sub3A, %arg0 : i32
    %mul3A = arith.muli %arg1, %sub3A_0 : i32
    %c0_i32 = arith.constant 0 : i32
    %c0_i32_1 = arith.constant 0 : i32
    %c0_i32_2 = arith.constant 0 : i32
    return %c0_i32, %mul3A, %c0_i32_1 : i32, i32, i32
  }
  func.func @transform_2(%arg0: i32, %arg1: i32) -> (i32, i32) {
    %sub3A = arith.constant 1 : i32
    %sub3A_0 = arith.subi %sub3A, %arg0 : i32
    %mul3A = arith.muli %arg1, %sub3A_0 : i32
    %c0_i32 = arith.constant 0 : i32
    %c0_i32_1 = arith.constant 0 : i32
    return %mul3A, %c0_i32 : i32, i32
  }
  func.func @transform_3(%arg0: i32, %arg1: i32) -> (i32, i32) {
    %c0_i32 = arith.constant 0 : i32
    %c0_i32_0 = arith.constant 0 : i32
    %c0_i32_1 = arith.constant 0 : i32
    return %c0_i32, %c0_i32_0 : i32, i32
  }
  func.func @transform_4(%arg0: i32, %arg1: i32) -> (i32, i32) {
    %c0_i32 = arith.constant 0 : i32
    %c0_i32_0 = arith.constant 0 : i32
    %c0_i32_1 = arith.constant 0 : i32
    return %c0_i32, %c0_i32_0 : i32, i32
  }
  func.func @transform_5(%arg0: i32, %arg1: i32) -> (i32, i32) {
    %c0_i32 = arith.constant 0 : i32
    %c0_i32_0 = arith.constant 0 : i32
    %c0_i32_1 = arith.constant 0 : i32
    return %c0_i32, %c0_i32_0 : i32, i32
  }
  func.func @transform_6(%arg0: i32, %arg1: i32) -> (i32, i32) {
    %c0_i32 = arith.constant 0 : i32
    %c0_i32_0 = arith.constant 0 : i32
    %c0_i32_1 = arith.constant 0 : i32
    return %c0_i32, %c0_i32_0 : i32, i32
  }
  func.func @transform_7(%arg0: i32, %arg1: i32) -> (i32, i32) {
    %c0_i32 = arith.constant 0 : i32
    %c0_i32_0 = arith.constant 0 : i32
    %c0_i32_1 = arith.constant 0 : i32
    return %c0_i32, %c0_i32_0 : i32, i32
  }
  func.func @transform_8(%arg0: i32, %arg1: i32) -> (i32, i32) {
    %c0_i32 = arith.constant 0 : i32
    %c0_i32_0 = arith.constant 0 : i32
    %c0_i32_1 = arith.constant 0 : i32
    return %c0_i32, %c0_i32_0 : i32, i32
  }
  func.func @transform_9(%arg0: i32, %arg1: i32) -> (i32, i32) {
    %c0_i32 = arith.constant 0 : i32
    %c0_i32_0 = arith.constant 0 : i32
    %c0_i32_1 = arith.constant 0 : i32
    return %c0_i32, %c0_i32_0 : i32, i32
  }
  func.func @transform_10(%arg0: i32, %arg1: i32) -> (i32, i32) {
    %c0_i32 = arith.constant 0 : i32
    %c0_i32_0 = arith.constant 0 : i32
    %c0_i32_1 = arith.constant 0 : i32
    return %c0_i32, %c0_i32_0 : i32, i32
  }
  func.func @transform_11(%arg0: i32, %arg1: i32) -> (i32, i32) {
    %c0_i32 = arith.constant 0 : i32
    %c0_i32_0 = arith.constant 0 : i32
    %c0_i32_1 = arith.constant 0 : i32
    return %c0_i32, %c0_i32_0 : i32, i32
  }
  func.func @transform_12(%arg0: i32, %arg1: i32) -> (i32, i32) {
    %c0_i32 = arith.constant 0 : i32
    %c0_i32_0 = arith.constant 0 : i32
    %c0_i32_1 = arith.constant 0 : i32
    return %c0_i32, %c0_i32_0 : i32, i32
  }
  func.func @transform_13(%arg0: i32, %arg1: i32) -> (i32, i32) {
    %c0_i32 = arith.constant 0 : i32
    %c0_i32_0 = arith.constant 0 : i32
    %c0_i32_1 = arith.constant 0 : i32
    return %c0_i32, %c0_i32_0 : i32, i32
  }
  func.func @transform_14(%arg0: i32, %arg1: i32) -> (i32, i32) {
    %mul3A = arith.muli %arg1, %arg0 : i32
    %c0_i32 = arith.constant 0 : i32
    %c0_i32_0 = arith.constant 0 : i32
    return %mul3A, %c0_i32 : i32, i32
  }
}

</mosaic_0001>

<sc_bundles>
// kernel: kernel.6.cloned.1.call-start
scs
__scs_entry_jumppad:
0x0: {  	(pc) =	sbr.rel $0x88, $3  }
0x1: {  	(tag) =	ssettag $0x0;
	lr =	simm.s32 $0x1  }
0x2: {  	[smem:$0x3F8D] =	sst lr;
	_ =	strace $0xD0000000  }
0x3: {  	_ = 	snop  }
0x4: {  	_ = 	snop  }
0x5: {  	_ = 	snop  }
0x6: {  	_ = 	snop  }
0x7: {  	_ = 	snop  }
__scs_overlays_trampoline_lowered:
0x8: {  	[smem:$0x3F9C] =	sst s0  }
0x9: {  	[smem:$0x3F9D] =	sst s1  }
0xa: {  	[smem:$0x3F9E] =	sst s2  }
0xb: {  	[smem:$0x3F9F] =	sst s3  }
0xc: {  	[smem:$0x3FA0] =	sst s4  }
0xd: {  	[smem:$0x3FA1] =	sst s5  }
0xe: {  	[smem:$0x3FA2] =	sst s6  }
0xf: {  	[smem:$0x3FA3] =	sst s7  }
0x10: {  	[smem:$0x3FA4] =	sst s8  }
0x11: {  	[smem:$0x3FA5] =	sst s9;
	s0 =	simm.s32 @!p0 $0x0  }
0x12: {  	s1 =	sld [smem:$0x3F8B];
	s0 =	simm.s32 @p0 $0x1  }
0x13: {  	[smem:$0x3FA6] =	sst s0;
	s0 =	simm.s32 @!p1 $0x0  }
0x14: {  	s2 =	sld [smem:$0x3F8A];
	s0 =	simm.s32 @p1 $0x1  }
0x15: {  	[smem:$0x3FA7] =	sst s0;
	s0 =	simm.s32 @!p2 $0x0  }
0x16: {  	s3 =	sld [smem:$0x3FDB];
	s0 =	simm.s32 @p2 $0x1  }
0x17: {  	s4 =	simm.s32 $0x1BF5;
	[smem:$0x3FA9] =	sst s0  }
0x18: {  	s0 =	sld [smem:$0x3F8C];
	_ =	swait.ge [sflag:s4], $0x0  }
0x19: {  	s7 =	sld [smem:$0x3F8D]  }
0x1a: {  	s8 =	sadd.s32 $0xFFFFE003, lr  }
0x1b: {  	s9 =	sadd.s32 $0xFFFFFEF7, lr;
	s5 =	simm.s32 $0xFFFFFFFF;
	p2 =	slt.u32 s8, $0xFFFFF086  }
0x1c: {  	p1 =	slt.u32 s9, $0xF7A;
	s5 =	simm.s32 @!p2 $0x0  }
0x1d: {  	s5 =	simm.s32 @p1 $0x1;
	p0 =	seq.s32 s7, s2  }
0x1e: {  	s7 =	smul.u32 @!p0 $0xF7A, s2;
	p2 =	seq.s32 @!p0 s5, $0x0  }
0x1f: {  	s9 =	smul.u32 $0xF7A, s1;
	s8 =	simm.s32 @!p0 $0x1BF5;
	p2 =	por !p2, p0  }
0x20: {  	[sflag:s8] =	ssyncset.s32 @!p0 $0xFFFFF086;
	s6 =	sadd.s32 @!p0 s3, s7;
	s7 =	simm.s32 @!p0 $0x108  }
0x21: {  	s3 =	sadd.s32 s3, s9;
	s6 =	sadd.s32 @!p0 $0x88, s6;
	s7 =	simm.s32 @p2 $0x1082  }
0x22: {  	[simem:s7], [sflag:s8] =	dma.local @!p0 [hbm:s6], $0xF7A  }
0x23: {  	s9 =	sor.u32 $0xD0000000, s2;
	s6 =	simm.s32 $0x108;
	_ =	swait.ge @!p0 [sflag:s8], $0x0  }
0x24: {  	s3 =	sadd.s32 $0x88, s3;
	s6 =	simm.s32 @!p1 $0x1082;
	[sflag:s4] =	ssyncset.s32 $0xFFFFF086  }
0x25: {  	[simem:s6], [sflag:s4] =	dma.local [hbm:s3], $0xF7A  }
0x26: {  	[smem:$0x3F8D] =	sst s1;
	(tag) =	ssettag s2;
	_ =	strace s9  }
0x27: {  	s1 =	sld [smem:$0x3F9D]  }
0x28: {  	s2 =	sld [smem:$0x3F9E]  }
0x29: {  	s4 =	sld [smem:$0x3FA0]  }
0x2a: {  	p0 =	seq.s32 s5, $0x0;
	s5 =	sld [smem:$0x3FA1]  }
0x2b: {  	s6 =	sld [smem:$0x3FA2]  }
0x2c: {  	s7 =	sld [smem:$0x3FA3]  }
0x2d: {  	s3 =	simm.s32 $0x108;
	s8 =	sld [smem:$0x3FA4]  }
0x2e: {  	s3 =	simm.s32 @!p0 $0x1082;
	s9 =	sld [smem:$0x3FA5]  }
0x2f: {  	lr =	sadd.s32 s0, s3;
	s0 =	sld [smem:$0x3F9C]  }
0x30: {  	s3 =	sld [smem:$0x3F9F]  }
0x31: {  	[smem:$0x3FA8] =	sst s10  }
0x32: {  	s10 =	sld [smem:$0x3FA6];
	_ =	sdelay $0x3  }
0x33: {  	p0 =	seq.s32 s10, $0x1;
	s10 =	sld [smem:$0x3FA8];
	_ =	sdelay $0x3  }
0x34: {  	[smem:$0x3FA8] =	sst s10  }
0x35: {  	s10 =	sld [smem:$0x3FA7];
	_ =	sdelay $0x3  }
0x36: {  	p1 =	seq.s32 s10, $0x1;
	s10 =	sld [smem:$0x3FA8];
	_ =	sdelay $0x3  }
0x37: {  	[smem:$0x3FA8] =	sst s10  }
0x38: {  	s10 =	sld [smem:$0x3FA9]  }
0x39: {  	_ = 	snop;
	(pc) =	sbr.ind lr, $3  }
0x3a: {  	_ = 	snop  }
0x3b: {  	_ = 	snop  }
0x3c: {  	p2 =	seq.s32 s10, $0x1;
	s10 =	sld [smem:$0x3FA8]  }
0x3d: {  	_ =	shalt  }
0x3e: {  	_ =	shalt  }
0x3f: {  	_ =	shalt  }
0x40: {  	_ =	shalt  }
0x41: {  	_ =	shalt  }
0x42: {  	_ =	shalt  }
0x43: {  	_ =	shalt  }
0x44: {  	_ =	shalt  }
0x45: {  	_ =	shalt  }
0x46: {  	_ =	shalt  }
0x47: {  	_ =	shalt  }
0x48: {  	_ =	shalt  }
0x49: {  	_ =	shalt  }
0x4a: {  	_ =	shalt  }
0x4b: {  	_ =	shalt  }
0x4c: {  	_ =	shalt  }
0x4d: {  	_ =	shalt  }
0x4e: {  	_ =	shalt  }
0x4f: {  	_ =	shalt  }
0x50: {  	_ =	shalt  }
0x51: {  	_ =	shalt  }
0x52: {  	_ =	shalt  }
0x53: {  	_ =	shalt  }
0x54: {  	_ =	shalt  }
0x55: {  	_ =	shalt  }
0x56: {  	_ =	shalt  }
0x57: {  	_ =	shalt  }
0x58: {  	_ =	shalt  }
0x59: {  	_ =	shalt  }
0x5a: {  	_ =	shalt  }
0x5b: {  	_ =	shalt  }
0x5c: {  	_ =	shalt  }
0x5d: {  	_ =	shalt  }
0x5e: {  	_ =	shalt  }
0x5f: {  	_ =	shalt  }
0x60: {  	_ =	shalt  }
0x61: {  	_ =	shalt  }
0x62: {  	_ =	shalt  }
0x63: {  	_ =	shalt  }
0x64: {  	_ =	shalt  }
0x65: {  	_ =	shalt  }
0x66: {  	_ =	shalt  }
0x67: {  	_ =	shalt  }
0x68: {  	_ =	shalt  }
0x69: {  	_ =	shalt  }
0x6a: {  	_ =	shalt  }
0x6b: {  	_ =	shalt  }
0x6c: {  	_ =	shalt  }
0x6d: {  	_ =	shalt  }
0x6e: {  	_ =	shalt  }
0x6f: {  	_ =	shalt  }
0x70: {  	_ =	shalt  }
0x71: {  	_ =	shalt  }
0x72: {  	_ =	shalt  }
0x73: {  	_ =	shalt  }
0x74: {  	_ =	shalt  }
0x75: {  	_ =	shalt  }
0x76: {  	_ =	shalt  }
0x77: {  	_ =	shalt  }
0x78: {  	_ =	shalt  }
0x79: {  	_ =	shalt  }
0x7a: {  	_ =	shalt  }
0x7b: {  	_ =	shalt  }
0x7c: {  	_ =	shalt  }
0x7d: {  	_ =	shalt  }
0x7e: {  	_ =	shalt  }
0x7f: {  	_ =	shalt  }
0x80: {  	_ =	shalt  }
0x81: {  	_ =	shalt  }
0x82: {  	_ =	shalt  }
0x83: {  	_ =	shalt  }
0x84: {  	_ =	shalt  }
0x85: {  	_ =	shalt  }
0x86: {  	_ =	shalt  }
0x87: {  	_ =	shalt  }
.Lfunc_end0:
.L_simem_size_0:
called_computation_lowered:
.L_overlay_start_0:
0x88: {  	s2 =	sld [smem:$0x3FD9]  }
0x89: {  	s3 =	sld [smem:$0x3FFE];
	_ =	sdelay $0x1  }
0x8a: {  	s1 =	srdreg.scid  }
0x8b: {  	s0 =	sand.u32 $0x1, s1  }
0x8c: {  	s17 =	sshll.u32 s0, $0xA;
	s2 =	sadd.s32 s3, s2  }
0x8d: {  	s2 =	sadd.s32 s2, s17  }
0x8e: {  	[smem:$0x3FB4] =	sst s2  }
0x8f: {  	_ = 	snop  }
0x90: {  	s2 =	sld [smem:$0x3FC9]  }
0x91: {  	s18 =	sld [smem:$0x3FD0];
	(tm) =	ssettm $0x1  }
0x92: {  	s4 =	sld [smem:$0x3FFB];
	_ =	sdelay $0x3  }
0x93: {  	_ =	strace s4  }
0x94: {  	s4 =	sld [smem:$0x3FFC];
	_ =	sdelay $0x3  }
0x95: {  	_ =	strace s4  }
0x96: {  	s4 =	sld [smem:$0x3FFD];
	_ =	sdelay $0x3  }
0x97: {  	_ =	strace s4  }
0x98: {  	_ =	strace $0x8FFFFFFF  }
0x99: {  	s19 =	sld [smem:$0x3FDB];
	_ =	sdelay $0x1  }
0x9a: {  	s5 =	simm.s32 $_scs_section_size  }
0x9b: {  	s6 =	simm.s32 $_size__tile_overlayer_lowered;
	s7 =	simm.s32 $_tile_overlayer_lowered  }
0x9c: {  	s22 =	simm.s32 $0x1BFF;
	s21 =	sshll.u32 s7, $0x1;
	s4 =	sadd.s32 s5, s19  }
0x9d: {  	s8 =	simm.s32 $0x0;
	s20 =	sshll.u32 s6, $0x1;
	s6 =	sadd.s32 s21, s4  }
0x9e: {  	[timem:s8], [sflag:s22] =	dma.local [hbm:s6], s20  }
0x9f: {  	_ =	swait.ge [sflag:s22], s20  }
0xa0: {  	s5 =	ssub.s32 $0x0, s20;
	[sflag:s22] =	ssyncset.done $0x0  }
0xa1: {  	[sflag:s22] =	ssyncadd.s32 s5;
	_ =	sdelay $0x1  }
0xa2: {  	s23 =	simm.s32 $0x1B8B  }
0xa3: {  	_ =	swait.ge [sflag:s23], $0x1  }
0xa4: {  	[sflag:s23] =	ssyncset.done $0x0  }
0xa5: {  	s25 =	simm.s32 $0x1B8E;
	s24 =	sld [smem:$0x3FFE];
	[sflag:s23] =	ssyncadd.s32 $0xFFFFFFFF  }
0xa6: {  	s26 =	simm.s32 $execute0_lowered;
	[smem:$0x3FD2] =	sst s25  }
0xa7: {  	s6 =	sshll.u32 s26, $0x1;
	_ =	strace $0x80000046;
	[dreg:$0x1] =	wrdreg $0xFFFFFFFF  }
0xa8: {  	s28 =	simm.s32 $_size_execute0_lowered;
	s4 =	sadd.s32 s4, s6;
	[dreg:$0x0] =	wrdreg $0x0  }
0xa9: {  	s6 =	sshll.u32 s28, $0x1;
	[dreg:$0x2] =	wrdreg s4  }
0xaa: {  	[dreg:$0x3] =	wrdreg s6  }
0xab: {  	[dreg:$0x4] =	wrdreg $0xC0  }
0xac: {  	_ =	task [dreg:s8], $0x5FFFF  }
0xad: {  	[dreg:$0x1] =	wrdreg $0xFFFFFFFF  }
0xae: {  	[dreg:$0x0] =	wrdreg $0x60  }
0xaf: {  	[dreg:$0x2] =	wrdreg s2  }
0xb0: {  	[dreg:$0x3] =	wrdreg s24  }
0xb1: {  	[dreg:$0x4] =	wrdreg s18  }
0xb2: {  	[dreg:$0x5] =	wrdreg $0x0  }
0xb3: {  	[dreg:$0x6] =	wrdreg $0x9  }
0xb4: {  	_ =	task.clear_ibuf [dreg:s8], $0x7FFFF;
	_ =	strace $0x90000046  }
0xb5: {  	s29 =	simm.s32 $0x9;
	_ =	strace $0x80000048  }
0xb6: {  	_ =	swait.ge [sflag:s29], $0x1  }
0xb7: {  	[sflag:s29] =	ssyncadd.s32 $0xFFFFFFFF  }
0xb8: {  	_ =	strace $0x90000048  }
0xb9: {  	_ =	sfence  }
0xba: {  	s30 =	sld [smem:$0x0];
	_ =	sdelay $0x2  }
0xbb: {  	s31 =	sshll.u32 s1, $0xD;
	s1 =	sshrl.u32 s1, $0x2  }
0xbc: {  	s3 =	sand.u32 $0x4000, s31;
	s1 =	sadd.s32 s1, s30  }
0xbd: {  	s0 =	sor.u32 s3, s0;
	s1 =	sshll.u32 s1, $0x11  }
0xbe: {  	s0 =	sor.u32 s1, s0  }
0xbf: {  	s0 =	sadd.s32 $0x8F2B, s0  }
0xc0: {  	[sflag:s0] =	ssyncadd.remote.s32 $0x1  }
0xc1: {  	_ =	sfence.sel $0xFFFF  }
0xc2: {  	[dreg:$0x0] =	wrdreg $0xFFFFFFFF;
	(pc) =	sbr.abs _section_cstart, $3  }
0xc3: {  	[dreg:$0x1] =	wrdreg $0xFFFFFFFF  }
0xc4: {  	_ =	task.clear_ibuf [dreg:s8], $0x2FFFF;
	_ =	strace $0x9FFFFFFF  }
0xc5: {  	(tm) =	ssettm $0x7FFFFFFF  }
tec
execute0_lowered:
.L_overlay_start_1:
0x0: {  	(tag) =	ssettag $0x1  }
0x1: {  	s0 =	rddreg [dreg:$0x1]  }
0x2: {  	s3 =	rddreg [dreg:$0x3];
	s4 =	simm.s32 $0x0  }
0x3: {  	s2 =	srdreg.scid;
	s11 =	stileid.u32;
	s28 =	simm.s32 $0x13980  }
0x4: {  	s29 =	simm.s32 $0x13A80;
	s31 =	simm.s32 $0x1;
	[smem:$0x7FF] =	sst s4  }
0x5: {  	s2 =	sand.u32 $0x1, s2;
	s20 =	sadd.s32 $0x4200, s0;
	s8 =	smul.u32 $0x4F000, s11  }
0x6: {  	s9 =	sadd.s32 $0x23600, s0;
	s10 =	sadd.s32 $0x23C00, s0;
	s30 =	smul.u32 $0x13C00, s11  }
0x7: {  	s0 =	sadd.s32 $0x71E00, s0;
	s1 =	sadd.s32 $0x128400, s3;
	s16 =	smul.u32 $0x7D00, s11  }
0x8: {  	p0 =	seq.s32 s11, $0xF;
	_ =	strace $0x80000047;
	s5 =	sshll.u32 s2, $0x4  }
0x9: {  	s7 =	ssub.s32 $0x2, s2;
	[dreg:$0x7] =	wrdreg s9;
	s26 =	smul.u32 $0x138800, s2  }
0xa: {  	[dreg:$0xa] =	wrdreg s1;
	s2 =	smul.u32 $0x7D000, s2;
	s9 =	simm.s32 $0x13B80  }
0xb: {  	[dreg:$0x6] =	wrdreg s20;
	s5 =	sor.u32 s11, s5;
	s25 =	sshrl.u32 s7, $0x1  }
0xc: {  	s8 =	sshrl.u32 s8, $0x2;
	s11 =	simm.s32 $0xC;
	s5 =	smul.u32 $0x7D00, s5  }
0xd: {  	s7 =	ssub.s32 s7, s25;
	s8 =	sadd.s32 s8, s3;
	s15 =	sshrl.u32 s26, $0x3  }
0xe: {  	s19 =	sadd.s32 s16, s2;
	s16 =	simm.s32 $0x0;
	[dreg:$0x8] =	wrdreg s8  }
0xf: {  	s8 =	sadd.s32 $0x25080, s15;
	s22 =	smax.u32 s7, $0x1;
	s23 =	sadd.s32 $0x700, s19  }
0x10: {  	s24 =	sadd.s32 $0x600, s19;
	s25 =	sadd.s32 $0x500, s19;
	s7 =	simm.s32 $0x2  }
0x11: {  	s15 =	simm.s32 $0x3;
	s5 =	sshrl.u32 s5, $0x3;
	s21 =	sadd.s32 s10, s8  }
0x12: {  	[dreg:$0x13] =	wrdreg s22;
	s2 =	sshrl.u32 s23, $0x3;
	s12 =	sadd.s32 s20, s5  }
0x13: {  	s5 =	sadd.s32 s30, s26;
	[dreg:$0x12] =	wrdreg s21;
	s26 =	sshrl.u32 s24, $0x3  }
0x14: {  	s30 =	sshrl.u32 s25, $0x3;
	s6 =	sadd.s32 $0x20, s12;
	[dreg:$0x9] =	wrdreg s12  }
0x15: {  	s24 =	simm.s32 $0x13C80;
	s13 =	sadd.s32 $0x40, s12;
	[dreg:$0xb] =	wrdreg s6  }
0x16: {  	s25 =	simm.s32 $0x13B00;
	s14 =	sadd.s32 $0x60, s12;
	[dreg:$0xc] =	wrdreg s13  }
0x17: {  	s5 =	sshrl.u32 s5, $0x3;
	s12 =	sadd.s32 $0xF80, s12;
	[dreg:$0xd] =	wrdreg s14  }
0x18: {  	s22 =	sadd.s32 s26, s20;
	s26 =	simm.s32 $0x13C00;
	[dreg:$0xe] =	wrdreg s12  }
0x19: {  	s17 =	sadd.s32 s0, s5;
	s0 =	sadd.s32 s0, s8;
	s18 =	sadd.s32 s10, s5  }
0x1a: {  	s6 =	sadd.s32 s2, s20;
	s5 =	sadd.s32 s30, s20;
	[dreg:$0xf] =	wrdreg s17  }
0x1b: {  	s13 =	simm.s32 $0x5;
	s14 =	simm.s32 $0x13A00;
	[dreg:$0x10] =	wrdreg s0  }
0x1c: {  	s10 =	simm.s32 $0x9;
	s2 =	simm.s32 $0xB;
	[dreg:$0x11] =	wrdreg s18  }
0x1d: {  	s0 =	sadd.s32 $0x400, s19;
	s17 =	simm.s32 $0xA;
	[dreg:$0x5] =	wrdreg s5  }
0x1e: {  	s18 =	simm.s32 $0x4;
	[dreg:$0x14] =	wrdreg s0;
	s0 =	simm.s32 $0x50  }
.LBB2_1:
0x1f: {  	[dreg:$0x15] =	wrdreg s16  }
0x20: {  	s8 =	rddreg [dreg:$0xa]  }
0x21: {  	s12 =	rddreg [dreg:$0x2];
	s21 =	sshrl.u32 @p0 s8, $0x3;
	s8 =	simm.s32 @p0 $0x1FCD  }
0x22: {  	[spmem:s21], [sflag:s8] =	dma.local @p0 [hbm:s12], $0x2080  }
0x23: {  	s8 =	simm.s32 @p0 $0xD  }
0x24: {  	_ =	swait.ge @p0 [sflag:s8], $0x2080  }
0x25: {  	s16 =	stileid.u32;
	[sflag:s8] =	ssyncset.done @p0 $0x0  }
0x26: {  	s16 =	sshll.u32 @!p0 s16, $0x6;
	[sflag:s8] =	ssyncadd.s32 @p0 $0xFFFFDF80;
	s8 =	rddreg [dreg:$0x8]  }
0x27: {  	s1 =	sor.u32 @!p0 $0x1C0D, s16;
	s30 =	sshrl.u32 @!p0 s8, $0x3;
	s8 =	simm.s32 @!p0 $0xD  }
0x28: {  	[spmem:s30], [sflag:s1] =	dma.local @!p0 [hbm:s12], $0x2780  }
0x29: {  	_ =	swait.ge @!p0 [sflag:s8], $0x2780  }
0x2a: {  	[sflag:s8] =	ssyncset.done @!p0 $0x0  }
0x2b: {  	s19 =	rddreg [dreg:$0x7];
	[sflag:s8] =	ssyncadd.s32 @!p0 $0xFFFFD880  }
0x2c: {  	[tilespmem:s24], [sflag:$0x5] =	stream.linear.gather [hbm4b:s19+s4], $0x2800, $0x38;
	[tilespmem:$0x1DC80] =	vst v63  }
0x2d: {  	_ =	swait.ge [sflag:s13], $0x2800  }
0x2e: {  	[sflag:s13] =	ssyncset.done $0x0  }
0x2f: {  	[sflag:s13] =	ssyncadd.s32 $0xFFFFD800  }
0x30: {  	[bflag:$0x0] =	sbarrier.arrive $0xFFFF  }
0x31: {  	s13 =	simm.s32 $0x13880;
	s23 =	rddreg [dreg:$0x9]  }
0x32: {  	[tilespmem:s13], [sflag:$0x1] =	stream.linear.gather [hbm4b:s23+s4], $0x100, $0x38;
	[tilespmem:$0x1DC80] =	vst v63  }
0x33: {  	s12 =	rddreg [dreg:$0xb]  }
0x34: {  	[tilespmem:s28], [sflag:$0x2] =	stream.linear.gather [hbm4b:s12+s4], $0x100, $0x38;
	[tilespmem:$0x1DC80] =	vst v63  }
0x35: {  	s16 =	rddreg [dreg:$0xc]  }
0x36: {  	[tilespmem:s29], [sflag:$0x3] =	stream.linear.gather [hbm4b:s16+s4], $0x100, $0x38;
	[tilespmem:$0x1DC80] =	vst v63  }
0x37: {  	s19 =	rddreg [dreg:$0xd]  }
0x38: {  	[tilespmem:s9], [sflag:$0x4] =	stream.linear.gather [hbm4b:s19+s4], $0x100, $0x38;
	[tilespmem:$0x1DC80] =	vst v63  }
0x39: {  	_ =	swait.ge [sflag:s31], $0x100  }
0x3a: {  	[sflag:s31] =	ssyncset.done $0x0  }
0x3b: {  	s16 =	simm.s32 $0x13900;
	[sflag:s31] =	ssyncadd.s32 $0xFFFFFF00  }
0x3c: {  	[spmem:s3] =	stream.indirect.scatter.add.f32 [tilespmem:s24], [sflag:$0x9], $0x80, s16, s0, $0xb8;
	[tilespmem:$0x1DC80] =	vst v63  }
0x3d: {  	_ =	swait.ge [sflag:s7], $0x100  }
0x3e: {  	[sflag:s7] =	ssyncset.done $0x0  }
0x3f: {  	[sflag:s7] =	ssyncadd.s32 $0xFFFFFF00  }
0x40: {  	[spmem:s3] =	stream.indirect.scatter.add.f32 [tilespmem:s24], [sflag:$0xA], $0x80, s14, s0, $0xb8;
	[tilespmem:$0x1DC80] =	vst v63  }
0x41: {  	_ =	swait.ge [sflag:s10], $0x2800  }
0x42: {  	s12 =	rddreg [dreg:$0x14]  }
0x43: {  	s23 =	sshrl.u32 s12, $0x3  }
0x44: {  	[sflag:s10] =	ssyncset.done $0x0;
	s8 =	sadd.s32 s20, s23  }
0x45: {  	[sflag:s10] =	ssyncadd.s32 $0xFFFFD800;
	[dreg:$0x19] =	wrdreg s8  }
0x46: {  	[tilespmem:s13], [sflag:$0x1] =	stream.linear.gather [hbm4b:s8+s4], $0x100, $0x38;
	[tilespmem:$0x1DC80] =	vst v63  }
0x47: {  	_ =	swait.ge [sflag:s15], $0x100  }
0x48: {  	[sflag:s15] =	ssyncset.done $0x0  }
0x49: {  	[sflag:s15] =	ssyncadd.s32 $0xFFFFFF00  }
0x4a: {  	[spmem:s3] =	stream.indirect.scatter.add.f32 [tilespmem:s24], [sflag:$0xB], $0x80, s25, s0, $0xb8;
	[tilespmem:$0x1DC80] =	vst v63  }
0x4b: {  	_ =	swait.ge [sflag:s17], $0x2800  }
0x4c: {  	[sflag:s17] =	ssyncset.done $0x0  }
0x4d: {  	s19 =	simm.s32 $0x13980;
	s13 =	sadd.s32 $0x0, s5;
	[sflag:s17] =	ssyncadd.s32 $0xFFFFD800  }
0x4e: {  	[tilespmem:s19], [sflag:$0x2] =	stream.linear.gather [hbm4b:s13+s4], $0x100, $0x38;
	[tilespmem:$0x1DC80] =	vst v63  }
0x4f: {  	_ =	swait.ge [sflag:s18], $0x100  }
0x50: {  	[sflag:s18] =	ssyncset.done $0x0  }
0x51: {  	[sflag:s18] =	ssyncadd.s32 $0xFFFFFF00  }
0x52: {  	[spmem:s3] =	stream.indirect.scatter.add.f32 [tilespmem:s24], [sflag:$0xC], $0x80, s26, s0, $0xb8;
	[tilespmem:$0x1DC80] =	vst v63  }
0x53: {  	_ =	swait.ge [sflag:s2], $0x2800  }
0x54: {  	[sflag:s2] =	ssyncset.done $0x0  }
0x55: {  	s13 =	sadd.s32 $0x0, s22;
	[sflag:s2] =	ssyncadd.s32 $0xFFFFD800  }
0x56: {  	[tilespmem:s29], [sflag:$0x3] =	stream.linear.gather [hbm4b:s13+s4], $0x100, $0x38;
	[tilespmem:$0x1DC80] =	vst v63  }
0x57: {  	_ =	swait.ge [sflag:s31], $0x100  }
0x58: {  	[sflag:s31] =	ssyncset.done $0x0  }
0x59: {  	[sflag:s31] =	ssyncadd.s32 $0xFFFFFF00  }
0x5a: {  	[spmem:s3] =	stream.indirect.scatter.add.f32 [tilespmem:s24], [sflag:$0x9], $0x80, s16, s0, $0xb8;
	[tilespmem:$0x1DC80] =	vst v63  }
0x5b: {  	_ =	swait.ge [sflag:s11], $0x2800  }
0x5c: {  	[sflag:s11] =	ssyncset.done $0x0  }
0x5d: {  	s19 =	sadd.s32 $0x0, s6;
	[sflag:s11] =	ssyncadd.s32 $0xFFFFD800  }
0x5e: {  	[tilespmem:s9], [sflag:$0x4] =	stream.linear.gather [hbm4b:s19+s4], $0x100, $0x38;
	[tilespmem:$0x1DC80] =	vst v63  }
0x5f: {  	s28 =	simm.s32 $0x13880;
	_ =	swait.ge [sflag:s7], $0x100  }
0x60: {  	s23 =	simm.s32 $0x13980;
	s8 =	simm.s32 $0x80;
	[sflag:s7] =	ssyncset.done $0x0  }
0x61: {  	s13 =	simm.s32 $0x13900;
	s16 =	sadd.s32 $0x400, s12;
	[sflag:s7] =	ssyncadd.s32 $0xFFFFFF00  }
.LBB2_2:
0x62: {  	[spmem:s3] =	stream.indirect.scatter.add.f32 [tilespmem:s24], [sflag:$0xA], $0x80, s14, s0, $0xb8;
	[tilespmem:$0x1DC80] =	vst v63  }
0x63: {  	s19 =	smov.u32 s8  }
0x64: {  	p1 =	sne.s32 s8, $0xE80;
	s8 =	sadd.s32 $0x80, s8;
	_ =	swait.ge [sflag:s10], $0x2800  }
0x65: {  	s12 =	sshrl.u32 s16, $0x3;
	[sflag:s10] =	ssyncset.done $0x0  }
0x66: {  	s12 =	sadd.s32 s20, s12;
	[sflag:s10] =	ssyncadd.s32 $0xFFFFD800  }
0x67: {  	[tilespmem:s28], [sflag:$0x1] =	stream.linear.gather [hbm4b:s12+s4], $0x100, $0x38;
	[tilespmem:$0x1DC80] =	vst v63  }
0x68: {  	_ =	swait.ge [sflag:s15], $0x100  }
0x69: {  	[sflag:s15] =	ssyncset.done $0x0  }
0x6a: {  	[sflag:s15] =	ssyncadd.s32 $0xFFFFFF00  }
0x6b: {  	[spmem:s3] =	stream.indirect.scatter.add.f32 [tilespmem:s24], [sflag:$0xB], $0x80, s25, s0, $0xb8;
	[tilespmem:$0x1DC80] =	vst v63  }
0x6c: {  	_ =	swait.ge [sflag:s17], $0x2800  }
0x6d: {  	[sflag:s17] =	ssyncset.done $0x0  }
0x6e: {  	s12 =	sadd.s32 s19, s5;
	[sflag:s17] =	ssyncadd.s32 $0xFFFFD800  }
0x6f: {  	[tilespmem:s23], [sflag:$0x2] =	stream.linear.gather [hbm4b:s12+s4], $0x100, $0x38;
	[tilespmem:$0x1DC80] =	vst v63  }
0x70: {  	_ =	swait.ge [sflag:s18], $0x100  }
0x71: {  	[sflag:s18] =	ssyncset.done $0x0  }
0x72: {  	[sflag:s18] =	ssyncadd.s32 $0xFFFFFF00  }
0x73: {  	[spmem:s3] =	stream.indirect.scatter.add.f32 [tilespmem:s24], [sflag:$0xC], $0x80, s26, s0, $0xb8;
	[tilespmem:$0x1DC80] =	vst v63  }
0x74: {  	_ =	swait.ge [sflag:s2], $0x2800  }
0x75: {  	[sflag:s2] =	ssyncset.done $0x0  }
0x76: {  	s12 =	sadd.s32 s19, s22;
	[sflag:s2] =	ssyncadd.s32 $0xFFFFD800  }
0x77: {  	[tilespmem:s29], [sflag:$0x3] =	stream.linear.gather [hbm4b:s12+s4], $0x100, $0x38;
	[tilespmem:$0x1DC80] =	vst v63  }
0x78: {  	_ =	swait.ge [sflag:s31], $0x100  }
0x79: {  	[sflag:s31] =	ssyncset.done $0x0  }
0x7a: {  	[sflag:s31] =	ssyncadd.s32 $0xFFFFFF00  }
0x7b: {  	[spmem:s3] =	stream.indirect.scatter.add.f32 [tilespmem:s24], [sflag:$0x9], $0x80, s13, s0, $0xb8;
	[tilespmem:$0x1DC80] =	vst v63  }
0x7c: {  	_ =	swait.ge [sflag:s11], $0x2800  }
0x7d: {  	[sflag:s11] =	ssyncset.done $0x0  }
.Ltmp0:
0x7e: {  	s12 =	sadd.s32 s19, s6;
	[sflag:s11] =	ssyncadd.s32 $0xFFFFD800;
	(pc) =	sbr.rel @p1 .LBB2_2-.Ltmp0, $4  }
0x7f: {  	[tilespmem:s9], [sflag:$0x4] =	stream.linear.gather [hbm4b:s12+s4], $0x100, $0x38;
	[tilespmem:$0x1DC80] =	vst v63  }
0x80: {  	_ =	swait.ge [sflag:s7], $0x100  }
0x81: {  	[sflag:s7] =	ssyncset.done $0x0  }
0x82: {  	s16 =	sadd.s32 $0x400, s16;
	[sflag:s7] =	ssyncadd.s32 $0xFFFFFF00  }
0x83: {  	s25 =	simm.s32 $0x13A00  }
0x84: {  	[spmem:s3] =	stream.indirect.scatter.add.f32 [tilespmem:s24], [sflag:$0xA], $0x80, s25, s0, $0xb8;
	[tilespmem:$0x1DC80] =	vst v63  }
0x85: {  	_ =	swait.ge [sflag:s10], $0x2800  }
0x86: {  	[sflag:s10] =	ssyncset.done $0x0  }
0x87: {  	s26 =	simm.s32 $0x13880;
	s8 =	rddreg [dreg:$0xe];
	[sflag:s10] =	ssyncadd.s32 $0xFFFFD800  }
0x88: {  	[tilespmem:s26], [sflag:$0x1] =	stream.linear.gather [hbm4b:s8+s4], $0x100, $0x38;
	[tilespmem:$0x1DC80] =	vst v63  }
0x89: {  	_ =	swait.ge [sflag:s15], $0x100  }
0x8a: {  	[sflag:s15] =	ssyncset.done $0x0  }
0x8b: {  	s20 =	simm.s32 $0x13B00;
	[sflag:s15] =	ssyncadd.s32 $0xFFFFFF00  }
0x8c: {  	[spmem:s3] =	stream.indirect.scatter.add.f32 [tilespmem:s24], [sflag:$0xB], $0x80, s20, s0, $0xb8;
	[tilespmem:$0x1DC80] =	vst v63  }
0x8d: {  	_ =	swait.ge [sflag:s17], $0x2800  }
0x8e: {  	[sflag:s17] =	ssyncset.done $0x0  }
0x8f: {  	[sflag:s17] =	ssyncadd.s32 $0xFFFFD800  }
0x90: {  	_ =	swait.ge [sflag:s18], $0x100  }
0x91: {  	[sflag:s18] =	ssyncset.done $0x0  }
0x92: {  	s23 =	simm.s32 $0x13C00;
	[sflag:s18] =	ssyncadd.s32 $0xFFFFFF00  }
0x93: {  	[spmem:s3] =	stream.indirect.scatter.add.f32 [tilespmem:s24], [sflag:$0xC], $0x80, s23, s0, $0xb8;
	[tilespmem:$0x1DC80] =	vst v63  }
0x94: {  	_ =	swait.ge [sflag:s31], $0x100  }
0x95: {  	[sflag:s31] =	ssyncset.done $0x0  }
0x96: {  	s19 =	simm.s32 $0x13900;
	[sflag:s31] =	ssyncadd.s32 $0xFFFFFF00  }
0x97: {  	[spmem:s3] =	stream.indirect.scatter.add.f32 [tilespmem:s24], [sflag:$0x9], $0x80, s19, s0, $0xb8;
	[tilespmem:$0x1DC80] =	vst v63  }
0x98: {  	_ =	swait.ge [sflag:s2], $0x2800  }
0x99: {  	[sflag:s2] =	ssyncset.done $0x0  }
0x9a: {  	[sflag:s2] =	ssyncadd.s32 $0xFFFFD800  }
0x9b: {  	_ =	swait.ge [sflag:s11], $0x2800  }
0x9c: {  	[sflag:s11] =	ssyncset.done $0x0  }
0x9d: {  	[sflag:s11] =	ssyncadd.s32 $0xFFFFD800  }
0x9e: {  	_ =	swait.ge [sflag:s10], $0x2800  }
0x9f: {  	[sflag:s10] =	ssyncset.done $0x0  }
0xa0: {  	[sflag:s10] =	ssyncadd.s32 $0xFFFFD800  }
0xa1: {  	[bflag:$0x0] =	sbarrier.arrive $0xFFFF  }
0xa2: {  	s8 =	simm.s32 @p0 $0x1FCD;
	s12 =	rddreg [dreg:$0x10]  }
0xa3: {  	[hbm:s12], [sflag:s8] =	dma.local @p0 [spmem:s21], $0x2080  }
0xa4: {  	s12 =	simm.s32 @p0 $0xD  }
0xa5: {  	_ =	swait.ge @p0 [sflag:s12], $0x2080  }
0xa6: {  	[sflag:s12] =	ssyncset.done @p0 $0x0  }
0xa7: {  	[dreg:$0x16] =	wrdreg s21;
	[sflag:s12] =	ssyncadd.s32 @p0 $0xFFFFDF80  }
0xa8: {  	s16 =	rddreg [dreg:$0x2]  }
0xa9: {  	[spmem:s21], [sflag:s8] =	dma.local @p0 [hbm:s16], $0x2080  }
0xaa: {  	_ =	swait.ge @p0 [sflag:s12], $0x2080  }
0xab: {  	[sflag:s12] =	ssyncset.done @p0 $0x0  }
0xac: {  	s8 =	rddreg [dreg:$0xf];
	[sflag:s12] =	ssyncadd.s32 @p0 $0xFFFFDF80  }
0xad: {  	[hbm:s8], [sflag:s1] =	dma.local @!p0 [spmem:s30], $0x2780  }
0xae: {  	s8 =	simm.s32 @!p0 $0xD  }
0xaf: {  	_ =	swait.ge @!p0 [sflag:s8], $0x2780  }
0xb0: {  	[dreg:$0x17] =	wrdreg s1;
	[sflag:s8] =	ssyncset.done @!p0 $0x0  }
0xb1: {  	[dreg:$0x18] =	wrdreg s30;
	[sflag:s8] =	ssyncadd.s32 @!p0 $0xFFFFD880  }
0xb2: {  	[spmem:s30], [sflag:s1] =	dma.local @!p0 [hbm:s16], $0x2780  }
0xb3: {  	_ =	swait.ge @!p0 [sflag:s8], $0x2780  }
0xb4: {  	[sflag:s8] =	ssyncset.done @!p0 $0x0  }
0xb5: {  	[sflag:s8] =	ssyncadd.s32 @!p0 $0xFFFFD880  }
0xb6: {  	[bflag:$0x0] =	sbarrier.arrive $0xFFFF  }
0xb7: {  	s28 =	simm.s32 $0x0;
	s1 =	rddreg [dreg:$0x9]  }
0xb8: {  	[tilespmem:s26], [sflag:$0x1] =	stream.linear.gather [hbm4b:s1+s28], $0x100, $0x38;
	[tilespmem:$0x1DC80] =	vst v63  }
0xb9: {  	s21 =	simm.s32 $0x13980;
	s9 =	rddreg [dreg:$0xb]  }
0xba: {  	[tilespmem:s21], [sflag:$0x2] =	stream.linear.gather [hbm4b:s9+s28], $0x100, $0x38;
	[tilespmem:$0x1DC80] =	vst v63  }
0xbb: {  	_ =	swait.ge [sflag:s31], $0x100  }
0xbc: {  	[sflag:s31] =	ssyncset.done $0x0  }
0xbd: {  	[sflag:s31] =	ssyncadd.s32 $0xFFFFFF00  }
0xbe: {  	s1 =	rddreg [dreg:$0x0]  }
0xbf: {  	[tilespmem:s24], [sflag:$0x5] =	stream.indirect.gather [hbm4b:s1+s0], $0x80, s26, s0, $0xb8;
	[tilespmem:$0x1DC80] =	vst v63  }
0xc0: {  	_ =	swait.ge [sflag:s7], $0x100  }
0xc1: {  	[sflag:s7] =	ssyncset.done $0x0  }
0xc2: {  	s29 =	simm.s32 $0x16480;
	[sflag:s7] =	ssyncadd.s32 $0xFFFFFF00  }
0xc3: {  	[tilespmem:s29], [sflag:$0x6] =	stream.indirect.gather [hbm4b:s1+s0], $0x80, s21, s0, $0xb8;
	[tilespmem:$0x1DC80] =	vst v63  }
0xc4: {  	s30 =	simm.s32 $0x13A80;
	s13 =	rddreg [dreg:$0xc]  }
0xc5: {  	[tilespmem:s30], [sflag:$0x3] =	stream.linear.gather [hbm4b:s13+s28], $0x100, $0x38;
	[tilespmem:$0x1DC80] =	vst v63  }
0xc6: {  	_ =	swait.ge [sflag:s15], $0x100  }
0xc7: {  	[sflag:s15] =	ssyncset.done $0x0  }
0xc8: {  	s23 =	simm.s32 $0x18C80;
	s13 =	simm.s32 $0x5;
	[sflag:s15] =	ssyncadd.s32 $0xFFFFFF00  }
0xc9: {  	[tilespmem:s23], [sflag:$0x7] =	stream.indirect.gather [hbm4b:s1+s0], $0x80, s30, s0, $0xb8;
	[tilespmem:$0x1DC80] =	vst v63  }
0xca: {  	_ =	swait.ge [sflag:s13], $0x2800  }
0xcb: {  	[sflag:s13] =	ssyncset.done $0x0  }
0xcc: {  	[sflag:s13] =	ssyncadd.s32 $0xFFFFD800  }
0xcd: {  	[spmem:s3] =	stream.indirect.scatter.add.f32 [tilespmem:s24], [sflag:$0x9], $0x80, s19, s0, $0xb8;
	[tilespmem:$0x1DC80] =	vst v63  }
0xce: {  	s9 =	simm.s32 $0x13B80;
	s14 =	rddreg [dreg:$0xd]  }
0xcf: {  	[tilespmem:s9], [sflag:$0x4] =	stream.linear.gather [hbm4b:s14+s28], $0x100, $0x38;
	[tilespmem:$0x1DC80] =	vst v63  }
0xd0: {  	_ =	swait.ge [sflag:s18], $0x100  }
0xd1: {  	s12 =	smov.u32 s5;
	[sflag:s18] =	ssyncset.done $0x0  }
0xd2: {  	s5 =	simm.s32 $0x1B480;
	s16 =	simm.s32 $0x6;
	[sflag:s18] =	ssyncadd.s32 $0xFFFFFF00  }
0xd3: {  	[tilespmem:s5], [sflag:$0x8] =	stream.indirect.gather [hbm4b:s1+s0], $0x80, s9, s0, $0xb8;
	[tilespmem:$0x1DC80] =	vst v63  }
0xd4: {  	_ =	swait.ge [sflag:s16], $0x2800  }
0xd5: {  	[sflag:s16] =	ssyncset.done $0x0  }
0xd6: {  	[sflag:s16] =	ssyncadd.s32 $0xFFFFD800  }
0xd7: {  	[spmem:s3] =	stream.indirect.scatter.add.f32 [tilespmem:s29], [sflag:$0xA], $0x80, s25, s0, $0xb8;
	[tilespmem:$0x1DC80] =	vst v63  }
0xd8: {  	_ =	swait.ge [sflag:s10], $0x2800  }
0xd9: {  	[sflag:s10] =	ssyncset.done $0x0  }
0xda: {  	s20 =	rddreg [dreg:$0x19];
	[sflag:s10] =	ssyncadd.s32 $0xFFFFD800  }
0xdb: {  	[tilespmem:s26], [sflag:$0x1] =	stream.linear.gather [hbm4b:s20+s4], $0x100, $0x38;
	[tilespmem:$0x1DC80] =	vst v63  }
0xdc: {  	_ =	swait.ge [sflag:s31], $0x100  }
0xdd: {  	[sflag:s31] =	ssyncset.done $0x0  }
0xde: {  	s16 =	smov.u32 s6;
	s6 =	simm.s32 $0x7;
	[sflag:s31] =	ssyncadd.s32 $0xFFFFFF00  }
0xdf: {  	[tilespmem:s24], [sflag:$0x5] =	stream.indirect.gather [hbm4b:s1+s0], $0x80, s26, s0, $0xb8;
	[tilespmem:$0x1DC80] =	vst v63  }
0xe0: {  	_ =	swait.ge [sflag:s6], $0x2800  }
0xe1: {  	[sflag:s6] =	ssyncset.done $0x0  }
0xe2: {  	s28 =	smov.u32 s22;
	s22 =	simm.s32 $0x13B00;
	[sflag:s6] =	ssyncadd.s32 $0xFFFFD800  }
0xe3: {  	[spmem:s3] =	stream.indirect.scatter.add.f32 [tilespmem:s23], [sflag:$0xB], $0x80, s22, s0, $0xb8;
	[tilespmem:$0x1DC80] =	vst v63  }
0xe4: {  	_ =	swait.ge [sflag:s17], $0x2800  }
0xe5: {  	[sflag:s17] =	ssyncset.done $0x0  }
0xe6: {  	s26 =	sadd.s32 $0x0, s12;
	[sflag:s17] =	ssyncadd.s32 $0xFFFFD800  }
0xe7: {  	[tilespmem:s21], [sflag:$0x2] =	stream.linear.gather [hbm4b:s26+s4], $0x100, $0x38;
	[tilespmem:$0x1DC80] =	vst v63  }
0xe8: {  	_ =	swait.ge [sflag:s7], $0x100  }
0xe9: {  	[sflag:s7] =	ssyncset.done $0x0  }
0xea: {  	s22 =	simm.s32 $0x8;
	[sflag:s7] =	ssyncadd.s32 $0xFFFFFF00  }
0xeb: {  	[tilespmem:s29], [sflag:$0x6] =	stream.indirect.gather [hbm4b:s1+s0], $0x80, s21, s0, $0xb8;
	[tilespmem:$0x1DC80] =	vst v63  }
0xec: {  	_ =	swait.ge [sflag:s22], $0x2800  }
0xed: {  	[sflag:s22] =	ssyncset.done $0x0  }
0xee: {  	s12 =	simm.s32 $0x13C00;
	[sflag:s22] =	ssyncadd.s32 $0xFFFFD800  }
0xef: {  	[spmem:s3] =	stream.indirect.scatter.add.f32 [tilespmem:s5], [sflag:$0xC], $0x80, s12, s0, $0xb8;
	[tilespmem:$0x1DC80] =	vst v63  }
0xf0: {  	_ =	swait.ge [sflag:s2], $0x2800  }
0xf1: {  	[sflag:s2] =	ssyncset.done $0x0  }
0xf2: {  	s20 =	sadd.s32 $0x0, s28;
	[sflag:s2] =	ssyncadd.s32 $0xFFFFD800  }
0xf3: {  	[tilespmem:s30], [sflag:$0x3] =	stream.linear.gather [hbm4b:s20+s4], $0x100, $0x38;
	[tilespmem:$0x1DC80] =	vst v63  }
0xf4: {  	_ =	swait.ge [sflag:s15], $0x100  }
0xf5: {  	[sflag:s15] =	ssyncset.done $0x0  }
0xf6: {  	[sflag:s15] =	ssyncadd.s32 $0xFFFFFF00  }
0xf7: {  	[tilespmem:s23], [sflag:$0x7] =	stream.indirect.gather [hbm4b:s1+s0], $0x80, s30, s0, $0xb8;
	[tilespmem:$0x1DC80] =	vst v63  }
0xf8: {  	_ =	swait.ge [sflag:s13], $0x2800  }
0xf9: {  	[sflag:s13] =	ssyncset.done $0x0  }
0xfa: {  	[sflag:s13] =	ssyncadd.s32 $0xFFFFD800  }
0xfb: {  	[spmem:s3] =	stream.indirect.scatter.add.f32 [tilespmem:s24], [sflag:$0x9], $0x80, s19, s0, $0xb8;
	[tilespmem:$0x1DC80] =	vst v63  }
0xfc: {  	_ =	swait.ge [sflag:s11], $0x2800  }
0xfd: {  	[sflag:s11] =	ssyncset.done $0x0  }
0xfe: {  	s19 =	sadd.s32 $0x0, s16;
	[sflag:s11] =	ssyncadd.s32 $0xFFFFD800  }
0xff: {  	[tilespmem:s9], [sflag:$0x4] =	stream.linear.gather [hbm4b:s19+s4], $0x100, $0x38;
	[tilespmem:$0x1DC80] =	vst v63  }
0x100: {  	_ =	swait.ge [sflag:s18], $0x100  }
0x101: {  	[sflag:s18] =	ssyncset.done $0x0  }
0x102: {  	s21 =	smov.u32 s28;
	s28 =	simm.s32 $0x6;
	[sflag:s18] =	ssyncadd.s32 $0xFFFFFF00  }
0x103: {  	[tilespmem:s5], [sflag:$0x8] =	stream.indirect.gather [hbm4b:s1+s0], $0x80, s9, s0, $0xb8;
	[tilespmem:$0x1DC80] =	vst v63  }
0x104: {  	_ =	swait.ge [sflag:s28], $0x2800  }
0x105: {  	s8 =	simm.s32 $0x80;
	s14 =	simm.s32 $0x13A00;
	[sflag:s28] =	ssyncset.done $0x0  }
0x106: {  	s25 =	simm.s32 $0x13B00;
	[sflag:s28] =	ssyncadd.s32 $0xFFFFD800;
	s28 =	rddreg [dreg:$0x14]  }
0x107: {  	s26 =	simm.s32 $0x13C00;
	s20 =	smov.u32 s16;
	s16 =	sadd.s32 $0x400, s28  }
.LBB2_4:
0x108: {  	[spmem:s3] =	stream.indirect.scatter.add.f32 [tilespmem:s29], [sflag:$0xA], $0x80, s14, s0, $0xb8;
	[tilespmem:$0x1DC80] =	vst v63  }
0x109: {  	_ =	swait.ge [sflag:s10], $0x2800  }
0x10a: {  	s12 =	sshrl.u32 s16, $0x3;
	[sflag:s10] =	ssyncset.done $0x0;
	s28 =	rddreg [dreg:$0x6]  }
0x10b: {  	[sflag:s10] =	ssyncadd.s32 $0xFFFFD800;
	s12 =	sadd.s32 s28, s12;
	s28 =	simm.s32 $0x13880  }
0x10c: {  	[tilespmem:s28], [sflag:$0x1] =	stream.linear.gather [hbm4b:s12+s4], $0x100, $0x38;
	[tilespmem:$0x1DC80] =	vst v63  }
0x10d: {  	_ =	swait.ge [sflag:s31], $0x100  }
0x10e: {  	[sflag:s31] =	ssyncset.done $0x0  }
0x10f: {  	[sflag:s31] =	ssyncadd.s32 $0xFFFFFF00  }
0x110: {  	[tilespmem:s24], [sflag:$0x5] =	stream.indirect.gather [hbm4b:s1+s0], $0x80, s28, s0, $0xb8;
	[tilespmem:$0x1DC80] =	vst v63  }
0x111: {  	_ =	swait.ge [sflag:s6], $0x2800  }
0x112: {  	[sflag:s6] =	ssyncset.done $0x0  }
0x113: {  	[sflag:s6] =	ssyncadd.s32 $0xFFFFD800  }
0x114: {  	[spmem:s3] =	stream.indirect.scatter.add.f32 [tilespmem:s23], [sflag:$0xB], $0x80, s25, s0, $0xb8;
	[tilespmem:$0x1DC80] =	vst v63  }
0x115: {  	_ =	swait.ge [sflag:s17], $0x2800  }
0x116: {  	s19 =	smov.u32 s8;
	[sflag:s17] =	ssyncset.done $0x0;
	s12 =	rddreg [dreg:$0x5]  }
0x117: {  	s28 =	simm.s32 $0x13980;
	[sflag:s17] =	ssyncadd.s32 $0xFFFFD800;
	s12 =	sadd.s32 s19, s12  }
0x118: {  	[tilespmem:s28], [sflag:$0x2] =	stream.linear.gather [hbm4b:s12+s4], $0x100, $0x38;
	[tilespmem:$0x1DC80] =	vst v63  }
0x119: {  	_ =	swait.ge [sflag:s7], $0x100  }
0x11a: {  	[sflag:s7] =	ssyncset.done $0x0  }
0x11b: {  	[sflag:s7] =	ssyncadd.s32 $0xFFFFFF00  }
0x11c: {  	[tilespmem:s29], [sflag:$0x6] =	stream.indirect.gather [hbm4b:s1+s0], $0x80, s28, s0, $0xb8;
	[tilespmem:$0x1DC80] =	vst v63  }
0x11d: {  	_ =	swait.ge [sflag:s22], $0x2800  }
0x11e: {  	[sflag:s22] =	ssyncset.done $0x0  }
0x11f: {  	[sflag:s22] =	ssyncadd.s32 $0xFFFFD800  }
0x120: {  	[spmem:s3] =	stream.indirect.scatter.add.f32 [tilespmem:s5], [sflag:$0xC], $0x80, s26, s0, $0xb8;
	[tilespmem:$0x1DC80] =	vst v63  }
0x121: {  	_ =	swait.ge [sflag:s2], $0x2800  }
0x122: {  	[sflag:s2] =	ssyncset.done $0x0  }
0x123: {  	s12 =	sadd.s32 s19, s21;
	[sflag:s2] =	ssyncadd.s32 $0xFFFFD800  }
0x124: {  	[tilespmem:s30], [sflag:$0x3] =	stream.linear.gather [hbm4b:s12+s4], $0x100, $0x38;
	[tilespmem:$0x1DC80] =	vst v63  }
0x125: {  	_ =	swait.ge [sflag:s15], $0x100  }
0x126: {  	[sflag:s15] =	ssyncset.done $0x0  }
0x127: {  	[sflag:s15] =	ssyncadd.s32 $0xFFFFFF00  }
0x128: {  	[tilespmem:s23], [sflag:$0x7] =	stream.indirect.gather [hbm4b:s1+s0], $0x80, s30, s0, $0xb8;
	[tilespmem:$0x1DC80] =	vst v63  }
0x129: {  	_ =	swait.ge [sflag:s13], $0x2800  }
0x12a: {  	[sflag:s13] =	ssyncset.done $0x0  }
0x12b: {  	s12 =	simm.s32 $0x13900;
	[sflag:s13] =	ssyncadd.s32 $0xFFFFD800  }
0x12c: {  	[spmem:s3] =	stream.indirect.scatter.add.f32 [tilespmem:s24], [sflag:$0x9], $0x80, s12, s0, $0xb8;
	[tilespmem:$0x1DC80] =	vst v63  }
0x12d: {  	_ =	swait.ge [sflag:s11], $0x2800  }
0x12e: {  	[sflag:s11] =	ssyncset.done $0x0  }
0x12f: {  	s12 =	sadd.s32 s19, s20;
	[sflag:s11] =	ssyncadd.s32 $0xFFFFD800  }
0x130: {  	[tilespmem:s9], [sflag:$0x4] =	stream.linear.gather [hbm4b:s12+s4], $0x100, $0x38;
	[tilespmem:$0x1DC80] =	vst v63  }
0x131: {  	_ =	swait.ge [sflag:s18], $0x100  }
0x132: {  	p1 =	sne.s32 s8, $0xE80;
	[sflag:s18] =	ssyncset.done $0x0  }
.Ltmp1:
0x133: {  	s19 =	simm.s32 $0x6;
	[sflag:s18] =	ssyncadd.s32 $0xFFFFFF00;
	(pc) =	sbr.rel @p1 .LBB2_4-.Ltmp1, $4  }
0x134: {  	[tilespmem:s5], [sflag:$0x8] =	stream.indirect.gather [hbm4b:s1+s0], $0x80, s9, s0, $0xb8;
	[tilespmem:$0x1DC80] =	vst v63  }
0x135: {  	_ =	swait.ge [sflag:s19], $0x2800  }
0x136: {  	[sflag:s19] =	ssyncset.done $0x0  }
0x137: {  	s8 =	sadd.s32 $0x80, s8;
	s16 =	sadd.s32 $0x400, s16;
	[sflag:s19] =	ssyncadd.s32 $0xFFFFD800  }
0x138: {  	[spmem:s3] =	stream.indirect.scatter.add.f32 [tilespmem:s29], [sflag:$0xA], $0x80, s14, s0, $0xb8;
	[tilespmem:$0x1DC80] =	vst v63  }
0x139: {  	_ =	swait.ge [sflag:s10], $0x2800  }
0x13a: {  	[sflag:s10] =	ssyncset.done $0x0  }
0x13b: {  	s12 =	simm.s32 $0x13880;
	s8 =	rddreg [dreg:$0xe];
	[sflag:s10] =	ssyncadd.s32 $0xFFFFD800  }
0x13c: {  	[tilespmem:s12], [sflag:$0x1] =	stream.linear.gather [hbm4b:s8+s4], $0x100, $0x38;
	[tilespmem:$0x1DC80] =	vst v63  }
0x13d: {  	_ =	swait.ge [sflag:s31], $0x100  }
0x13e: {  	[sflag:s31] =	ssyncset.done $0x0  }
0x13f: {  	[sflag:s31] =	ssyncadd.s32 $0xFFFFFF00  }
0x140: {  	[tilespmem:s24], [sflag:$0x5] =	stream.indirect.gather [hbm4b:s1+s0], $0x80, s12, s0, $0xb8;
	[tilespmem:$0x1DC80] =	vst v63  }
0x141: {  	_ =	swait.ge [sflag:s6], $0x2800  }
0x142: {  	[sflag:s6] =	ssyncset.done $0x0  }
0x143: {  	[sflag:s6] =	ssyncadd.s32 $0xFFFFD800  }
0x144: {  	[spmem:s3] =	stream.indirect.scatter.add.f32 [tilespmem:s23], [sflag:$0xB], $0x80, s25, s0, $0xb8;
	[tilespmem:$0x1DC80] =	vst v63  }
0x145: {  	_ =	swait.ge [sflag:s17], $0x2800  }
0x146: {  	[sflag:s17] =	ssyncset.done $0x0  }
0x147: {  	[sflag:s17] =	ssyncadd.s32 $0xFFFFD800  }
0x148: {  	_ =	swait.ge [sflag:s22], $0x2800  }
0x149: {  	[sflag:s22] =	ssyncset.done $0x0  }
0x14a: {  	[sflag:s22] =	ssyncadd.s32 $0xFFFFD800  }
0x14b: {  	[spmem:s3] =	stream.indirect.scatter.add.f32 [tilespmem:s5], [sflag:$0xC], $0x80, s26, s0, $0xb8;
	[tilespmem:$0x1DC80] =	vst v63  }
0x14c: {  	_ =	swait.ge [sflag:s13], $0x2800  }
0x14d: {  	[sflag:s13] =	ssyncset.done $0x0  }
0x14e: {  	s23 =	simm.s32 $0x13900;
	[sflag:s13] =	ssyncadd.s32 $0xFFFFD800  }
0x14f: {  	[spmem:s3] =	stream.indirect.scatter.add.f32 [tilespmem:s24], [sflag:$0x9], $0x80, s23, s0, $0xb8;
	[tilespmem:$0x1DC80] =	vst v63  }
0x150: {  	_ =	swait.ge [sflag:s2], $0x2800  }
0x151: {  	[sflag:s2] =	ssyncset.done $0x0  }
0x152: {  	[sflag:s2] =	ssyncadd.s32 $0xFFFFD800  }
0x153: {  	_ =	swait.ge [sflag:s11], $0x2800  }
0x154: {  	[sflag:s11] =	ssyncset.done $0x0  }
0x155: {  	[sflag:s11] =	ssyncadd.s32 $0xFFFFD800  }
0x156: {  	_ =	swait.ge [sflag:s10], $0x2800  }
0x157: {  	[sflag:s10] =	ssyncset.done $0x0  }
0x158: {  	[sflag:s10] =	ssyncadd.s32 $0xFFFFD800  }
0x159: {  	[bflag:$0x0] =	sbarrier.arrive $0xFFFF  }
0x15a: {  	s12 =	rddreg [dreg:$0x12]  }
0x15b: {  	s8 =	simm.s32 @p0 $0x1FCD;
	s5 =	rddreg [dreg:$0x16]  }
0x15c: {  	[hbm:s12], [sflag:s8] =	dma.local @p0 [spmem:s5], $0x2080  }
0x15d: {  	s8 =	simm.s32 @p0 $0xD  }
0x15e: {  	_ =	swait.ge @p0 [sflag:s8], $0x2080  }
0x15f: {  	s5 =	rddreg [dreg:$0x17]  }
0x160: {  	[sflag:s8] =	ssyncset.done @p0 $0x0;
	s6 =	rddreg [dreg:$0x18]  }
0x161: {  	[sflag:s8] =	ssyncadd.s32 @p0 $0xFFFFDF80;
	s8 =	rddreg [dreg:$0x11]  }
0x162: {  	[hbm:s8], [sflag:s5] =	dma.local @!p0 [spmem:s6], $0x2780  }
0x163: {  	s8 =	simm.s32 @!p0 $0xD  }
0x164: {  	_ =	swait.ge @!p0 [sflag:s8], $0x2780  }
0x165: {  	s16 =	rddreg [dreg:$0x15]  }
0x166: {  	s30 =	rddreg [dreg:$0x13];
	s16 =	sadd.s32 $0x1, s16  }
0x167: {  	p1 =	sne.s32 s16, s30  }
.Ltmp2:
0x168: {  	_ = 	snop;
	(pc) =	sbr.rel @p1 .LBB2_1-.Ltmp2, $4  }
0x169: {  	_ = 	snop  }
0x16a: {  	s29 =	simm.s32 $0x13A80;
	s9 =	simm.s32 $0x13B80;
	s22 =	smov.u32 s21  }
0x16b: {  	s13 =	simm.s32 $0x5;
	[sflag:s8] =	ssyncset.done @!p0 $0x0;
	s5 =	rddreg [dreg:$0x5]  }
0x16c: {  	s6 =	smov.u32 s20;
	s20 =	rddreg [dreg:$0x6];
	[sflag:s8] =	ssyncadd.s32 @!p0 $0xFFFFD880  }
0x16d: {  	_ =	sfence.sel $0x180000  }
0x16e: {  	[bflag:$0x0] =	sbarrier.arrive $0xFFFF  }
0x16f: {  	_ =	strace $0x90000047  }
0x170: {  	s0 =	stileid.u32;
	[bflag:$0x2] =	sbarrier.arrive $0xFFFF  }
0x171: {  	p0 =	sne.s32 s0, $0x0;
	s0 =	rddreg [dreg:$0x4]  }
0x172: {  	s0 =	sadd.s32 @!p0 $0x100000, s0  }
0x173: {  	[sflag:s0] =	ssyncadd.tile.s32 @!p0 $0x1;
	_ =	shalt  }
.Lfunc_end2:
_tile_overlayer_lowered:
.L_overlay_start_2:
0x174: {  	(tag) =	ssettag $0x2  }
0x175: {  	s0 =	rddreg [dreg:$0x0];
	s2 =	stileid.u32  }
0x176: {  	s1 =	rddreg [dreg:$0x1];
	p0 =	sne.s32 s2, $0x0  }
0x177: {  	s3 =	rddreg [dreg:$0x2];
	[bflag:$0x3] =	sbarrier.arrive $0xFFFF;
	s2 =	simm.s32 @!p0 $0x1C0D  }
0x178: {  	[timem:s3], [sflag:s2] =	dma.local @!p0 [hbm:s0], s1  }
0x179: {  	s0 =	simm.s32 @!p0 $0xD  }
0x17a: {  	_ =	swait.ge @!p0 [sflag:s0], s1  }
0x17b: {  	s1 =	ssub.s32 @!p0 $0x0, s1;
	[sflag:s0] =	ssyncset.done @!p0 $0x0  }
0x17c: {  	[sflag:s0] =	ssyncadd.s32 @!p0 s1  }
0x17d: {  	[bflag:$0x3] =	sbarrier.arrive $0xFFFF  }
0x17e: {  	_ =	shalt  }

// kernel: kernel.9.cloned.1.call-start
scs
__scs_entry_jumppad:
0x0: {  	(pc) =	sbr.rel $0x88, $3  }
0x1: {  	(tag) =	ssettag $0x0;
	lr =	simm.s32 $0x1  }
0x2: {  	[smem:$0x3F8D] =	sst lr;
	_ =	strace $0xD0000000  }
0x3: {  	_ = 	snop  }
0x4: {  	_ = 	snop  }
0x5: {  	_ = 	snop  }
0x6: {  	_ = 	snop  }
0x7: {  	_ = 	snop  }
__scs_overlays_trampoline_lowered:
0x8: {  	[smem:$0x3F9C] =	sst s0  }
0x9: {  	[smem:$0x3F9D] =	sst s1  }
0xa: {  	[smem:$0x3F9E] =	sst s2  }
0xb: {  	[smem:$0x3F9F] =	sst s3  }
0xc: {  	[smem:$0x3FA0] =	sst s4  }
0xd: {  	[smem:$0x3FA1] =	sst s5  }
0xe: {  	[smem:$0x3FA2] =	sst s6  }
0xf: {  	[smem:$0x3FA3] =	sst s7  }
0x10: {  	[smem:$0x3FA4] =	sst s8  }
0x11: {  	[smem:$0x3FA5] =	sst s9;
	s0 =	simm.s32 @!p0 $0x0  }
0x12: {  	s1 =	sld [smem:$0x3F8B];
	s0 =	simm.s32 @p0 $0x1  }
0x13: {  	[smem:$0x3FA6] =	sst s0;
	s0 =	simm.s32 @!p1 $0x0  }
0x14: {  	s2 =	sld [smem:$0x3F8A];
	s0 =	simm.s32 @p1 $0x1  }
0x15: {  	[smem:$0x3FA7] =	sst s0;
	s0 =	simm.s32 @!p2 $0x0  }
0x16: {  	s3 =	sld [smem:$0x3FDB];
	s0 =	simm.s32 @p2 $0x1  }
0x17: {  	s4 =	simm.s32 $0x1BF5;
	[smem:$0x3FA9] =	sst s0  }
0x18: {  	s0 =	sld [smem:$0x3F8C];
	_ =	swait.ge [sflag:s4], $0x0  }
0x19: {  	s7 =	sld [smem:$0x3F8D]  }
0x1a: {  	s8 =	sadd.s32 $0xFFFFE003, lr  }
0x1b: {  	s9 =	sadd.s32 $0xFFFFFEF7, lr;
	s5 =	simm.s32 $0xFFFFFFFF;
	p2 =	slt.u32 s8, $0xFFFFF086  }
0x1c: {  	p1 =	slt.u32 s9, $0xF7A;
	s5 =	simm.s32 @!p2 $0x0  }
0x1d: {  	s5 =	simm.s32 @p1 $0x1;
	p0 =	seq.s32 s7, s2  }
0x1e: {  	s7 =	smul.u32 @!p0 $0xF7A, s2;
	p2 =	seq.s32 @!p0 s5, $0x0  }
0x1f: {  	s9 =	smul.u32 $0xF7A, s1;
	s8 =	simm.s32 @!p0 $0x1BF5;
	p2 =	por !p2, p0  }
0x20: {  	[sflag:s8] =	ssyncset.s32 @!p0 $0xFFFFF086;
	s6 =	sadd.s32 @!p0 s3, s7;
	s7 =	simm.s32 @!p0 $0x108  }
0x21: {  	s3 =	sadd.s32 s3, s9;
	s6 =	sadd.s32 @!p0 $0x88, s6;
	s7 =	simm.s32 @p2 $0x1082  }
0x22: {  	[simem:s7], [sflag:s8] =	dma.local @!p0 [hbm:s6], $0xF7A  }
0x23: {  	s9 =	sor.u32 $0xD0000000, s2;
	s6 =	simm.s32 $0x108;
	_ =	swait.ge @!p0 [sflag:s8], $0x0  }
0x24: {  	s3 =	sadd.s32 $0x88, s3;
	s6 =	simm.s32 @!p1 $0x1082;
	[sflag:s4] =	ssyncset.s32 $0xFFFFF086  }
0x25: {  	[simem:s6], [sflag:s4] =	dma.local [hbm:s3], $0xF7A  }
0x26: {  	[smem:$0x3F8D] =	sst s1;
	(tag) =	ssettag s2;
	_ =	strace s9  }
0x27: {  	s1 =	sld [smem:$0x3F9D]  }
0x28: {  	s2 =	sld [smem:$0x3F9E]  }
0x29: {  	s4 =	sld [smem:$0x3FA0]  }
0x2a: {  	p0 =	seq.s32 s5, $0x0;
	s5 =	sld [smem:$0x3FA1]  }
0x2b: {  	s6 =	sld [smem:$0x3FA2]  }
0x2c: {  	s7 =	sld [smem:$0x3FA3]  }
0x2d: {  	s3 =	simm.s32 $0x108;
	s8 =	sld [smem:$0x3FA4]  }
0x2e: {  	s3 =	simm.s32 @!p0 $0x1082;
	s9 =	sld [smem:$0x3FA5]  }
0x2f: {  	lr =	sadd.s32 s0, s3;
	s0 =	sld [smem:$0x3F9C]  }
0x30: {  	s3 =	sld [smem:$0x3F9F]  }
0x31: {  	[smem:$0x3FA8] =	sst s10  }
0x32: {  	s10 =	sld [smem:$0x3FA6];
	_ =	sdelay $0x3  }
0x33: {  	p0 =	seq.s32 s10, $0x1;
	s10 =	sld [smem:$0x3FA8];
	_ =	sdelay $0x3  }
0x34: {  	[smem:$0x3FA8] =	sst s10  }
0x35: {  	s10 =	sld [smem:$0x3FA7];
	_ =	sdelay $0x3  }
0x36: {  	p1 =	seq.s32 s10, $0x1;
	s10 =	sld [smem:$0x3FA8];
	_ =	sdelay $0x3  }
0x37: {  	[smem:$0x3FA8] =	sst s10  }
0x38: {  	s10 =	sld [smem:$0x3FA9]  }
0x39: {  	_ = 	snop;
	(pc) =	sbr.ind lr, $3  }
0x3a: {  	_ = 	snop  }
0x3b: {  	_ = 	snop  }
0x3c: {  	p2 =	seq.s32 s10, $0x1;
	s10 =	sld [smem:$0x3FA8]  }
0x3d: {  	_ =	shalt  }
0x3e: {  	_ =	shalt  }
0x3f: {  	_ =	shalt  }
0x40: {  	_ =	shalt  }
0x41: {  	_ =	shalt  }
0x42: {  	_ =	shalt  }
0x43: {  	_ =	shalt  }
0x44: {  	_ =	shalt  }
0x45: {  	_ =	shalt  }
0x46: {  	_ =	shalt  }
0x47: {  	_ =	shalt  }
0x48: {  	_ =	shalt  }
0x49: {  	_ =	shalt  }
0x4a: {  	_ =	shalt  }
0x4b: {  	_ =	shalt  }
0x4c: {  	_ =	shalt  }
0x4d: {  	_ =	shalt  }
0x4e: {  	_ =	shalt  }
0x4f: {  	_ =	shalt  }
0x50: {  	_ =	shalt  }
0x51: {  	_ =	shalt  }
0x52: {  	_ =	shalt  }
0x53: {  	_ =	shalt  }
0x54: {  	_ =	shalt  }
0x55: {  	_ =	shalt  }
0x56: {  	_ =	shalt  }
0x57: {  	_ =	shalt  }
0x58: {  	_ =	shalt  }
0x59: {  	_ =	shalt  }
0x5a: {  	_ =	shalt  }
0x5b: {  	_ =	shalt  }
0x5c: {  	_ =	shalt  }
0x5d: {  	_ =	shalt  }
0x5e: {  	_ =	shalt  }
0x5f: {  	_ =	shalt  }
0x60: {  	_ =	shalt  }
0x61: {  	_ =	shalt  }
0x62: {  	_ =	shalt  }
0x63: {  	_ =	shalt  }
0x64: {  	_ =	shalt  }
0x65: {  	_ =	shalt  }
0x66: {  	_ =	shalt  }
0x67: {  	_ =	shalt  }
0x68: {  	_ =	shalt  }
0x69: {  	_ =	shalt  }
0x6a: {  	_ =	shalt  }
0x6b: {  	_ =	shalt  }
0x6c: {  	_ =	shalt  }
0x6d: {  	_ =	shalt  }
0x6e: {  	_ =	shalt  }
0x6f: {  	_ =	shalt  }
0x70: {  	_ =	shalt  }
0x71: {  	_ =	shalt  }
0x72: {  	_ =	shalt  }
0x73: {  	_ =	shalt  }
0x74: {  	_ =	shalt  }
0x75: {  	_ =	shalt  }
0x76: {  	_ =	shalt  }
0x77: {  	_ =	shalt  }
0x78: {  	_ =	shalt  }
0x79: {  	_ =	shalt  }
0x7a: {  	_ =	shalt  }
0x7b: {  	_ =	shalt  }
0x7c: {  	_ =	shalt  }
0x7d: {  	_ =	shalt  }
0x7e: {  	_ =	shalt  }
0x7f: {  	_ =	shalt  }
0x80: {  	_ =	shalt  }
0x81: {  	_ =	shalt  }
0x82: {  	_ =	shalt  }
0x83: {  	_ =	shalt  }
0x84: {  	_ =	shalt  }
0x85: {  	_ =	shalt  }
0x86: {  	_ =	shalt  }
0x87: {  	_ =	shalt  }
.Lfunc_end0:
.L_simem_size_0:
called_computation.1_lowered:
.L_overlay_start_0:
0x88: {  	s2 =	sld [smem:$0x3FD9]  }
0x89: {  	s3 =	sld [smem:$0x3FFE];
	_ =	sdelay $0x1  }
0x8a: {  	s1 =	srdreg.scid  }
0x8b: {  	s0 =	sand.u32 $0x1, s1  }
0x8c: {  	s17 =	sshll.u32 s0, $0xA;
	s2 =	sadd.s32 s3, s2  }
0x8d: {  	s2 =	sadd.s32 s2, s17  }
0x8e: {  	[smem:$0x3FB4] =	sst s2  }
0x8f: {  	_ = 	snop  }
0x90: {  	s2 =	sld [smem:$0x3FD0];
	(tm) =	ssettm $0x1  }
0x91: {  	s18 =	sld [smem:$0x3FFB];
	_ =	sdelay $0x3  }
0x92: {  	_ =	strace s18  }
0x93: {  	s3 =	sld [smem:$0x3FFC];
	_ =	sdelay $0x3  }
0x94: {  	_ =	strace s3  }
0x95: {  	s3 =	sld [smem:$0x3FFD];
	_ =	sdelay $0x3  }
0x96: {  	_ =	strace s3  }
0x97: {  	_ =	strace $0x8FFFFFFF  }
0x98: {  	s19 =	sld [smem:$0x3FDB];
	_ =	sdelay $0x1  }
0x99: {  	s4 =	simm.s32 $_scs_section_size  }
0x9a: {  	s5 =	simm.s32 $_size__tile_overlayer_lowered;
	s6 =	simm.s32 $_tile_overlayer_lowered  }
0x9b: {  	s22 =	simm.s32 $0x1BFF;
	s21 =	sshll.u32 s6, $0x1;
	s3 =	sadd.s32 s4, s19  }
0x9c: {  	s7 =	simm.s32 $0x0;
	s20 =	sshll.u32 s5, $0x1;
	s5 =	sadd.s32 s21, s3  }
0x9d: {  	[timem:s7], [sflag:s22] =	dma.local [hbm:s5], s20  }
0x9e: {  	_ =	swait.ge [sflag:s22], s20  }
0x9f: {  	s4 =	ssub.s32 $0x0, s20;
	[sflag:s22] =	ssyncset.done $0x0  }
0xa0: {  	[sflag:s22] =	ssyncadd.s32 s4;
	_ =	sdelay $0x1  }
0xa1: {  	s23 =	simm.s32 $0x1B8B  }
0xa2: {  	_ =	swait.ge [sflag:s23], $0x1  }
0xa3: {  	[sflag:s23] =	ssyncset.done $0x0  }
0xa4: {  	s25 =	simm.s32 $0x1B8E;
	s24 =	sld [smem:$0x3FFE];
	[sflag:s23] =	ssyncadd.s32 $0xFFFFFFFF  }
0xa5: {  	s26 =	simm.s32 $execute0_lowered;
	[smem:$0x3FD2] =	sst s25  }
0xa6: {  	s5 =	sshll.u32 s26, $0x1;
	_ =	strace $0x80000049;
	[dreg:$0x1] =	wrdreg $0xFFFFFFFF  }
0xa7: {  	s28 =	simm.s32 $_size_execute0_lowered;
	s3 =	sadd.s32 s3, s5;
	[dreg:$0x0] =	wrdreg $0x0  }
0xa8: {  	s5 =	sshll.u32 s28, $0x1;
	[dreg:$0x2] =	wrdreg s3  }
0xa9: {  	[dreg:$0x3] =	wrdreg s5  }
0xaa: {  	[dreg:$0x4] =	wrdreg $0xC0  }
0xab: {  	_ =	task [dreg:s7], $0x5FFFF  }
0xac: {  	[dreg:$0x1] =	wrdreg $0xFFFFFFFF  }
0xad: {  	[dreg:$0x0] =	wrdreg $0x60  }
0xae: {  	[dreg:$0x2] =	wrdreg s24  }
0xaf: {  	[dreg:$0x3] =	wrdreg s2  }
0xb0: {  	[dreg:$0x4] =	wrdreg $0x0  }
0xb1: {  	[dreg:$0x5] =	wrdreg $0x9  }
0xb2: {  	_ =	task.clear_ibuf [dreg:s7], $0x6FFFF;
	_ =	strace $0x90000049  }
0xb3: {  	s29 =	simm.s32 $0x9;
	_ =	strace $0x8000004B  }
0xb4: {  	_ =	swait.ge [sflag:s29], $0x1  }
0xb5: {  	[sflag:s29] =	ssyncadd.s32 $0xFFFFFFFF  }
0xb6: {  	_ =	strace $0x9000004B  }
0xb7: {  	_ =	sfence  }
0xb8: {  	s30 =	sld [smem:$0x0];
	_ =	sdelay $0x2  }
0xb9: {  	s31 =	sshll.u32 s1, $0xD;
	s1 =	sshrl.u32 s1, $0x2  }
0xba: {  	s3 =	sand.u32 $0x4000, s31;
	s1 =	sadd.s32 s1, s30  }
0xbb: {  	s0 =	sor.u32 s3, s0;
	s1 =	sshll.u32 s1, $0x11  }
0xbc: {  	s0 =	sor.u32 s1, s0  }
0xbd: {  	s0 =	sadd.s32 $0x8F2B, s0  }
0xbe: {  	[sflag:s0] =	ssyncadd.remote.s32 $0x1  }
0xbf: {  	_ =	sfence.sel $0xFFFF  }
0xc0: {  	[dreg:$0x0] =	wrdreg $0xFFFFFFFF;
	(pc) =	sbr.abs _section_cstart, $3  }
0xc1: {  	[dreg:$0x1] =	wrdreg $0xFFFFFFFF  }
0xc2: {  	_ =	task.clear_ibuf [dreg:s7], $0x2FFFF;
	_ =	strace $0x9FFFFFFF  }
0xc3: {  	(tm) =	ssettm $0x7FFFFFFF  }
tec
execute0_lowered:
.L_overlay_start_1:
0x0: {  	(tag) =	ssettag $0x1  }
0x1: {  	s0 =	rddreg [dreg:$0x0]  }
0x2: {  	s2 =	rddreg [dreg:$0x2]  }
0x3: {  	s3 =	simm.s32 $0x0;
	s1 =	srdreg.scid;
	s12 =	stileid.u32  }
0x4: {  	s28 =	simm.s32 $0x3;
	s29 =	simm.s32 $0x18C80;
	[smem:$0x7FF] =	sst s3  }
0x5: {  	s5 =	sadd.s32 $0x23C00, s0;
	s1 =	sand.u32 $0x1, s1;
	s8 =	smul.u32 $0x4F000, s12  }
0x6: {  	s6 =	sadd.s32 $0x4200, s0;
	s0 =	sadd.s32 $0x4AE00, s0;
	s10 =	smul.u32 $0x13C00, s12  }
0x7: {  	s11 =	sadd.s32 $0x128400, s2;
	s17 =	smul.u32 $0x7D00, s12;
	p0 =	seq.s32 s12, $0xF  }
0x8: {  	s30 =	simm.s32 $0x5;
	_ =	strace $0x8000004A;
	s15 =	smul.u32 $0x138800, s1  }
0x9: {  	s4 =	sshll.u32 s1, $0x4;
	s7 =	ssub.s32 $0x2, s1;
	s1 =	smul.u32 $0x7D000, s1  }
0xa: {  	s4 =	sor.u32 s12, s4;
	s9 =	sshrl.u32 s7, $0x1;
	s8 =	sshrl.u32 s8, $0x2  }
0xb: {  	s4 =	smul.u32 $0x7D00, s4;
	s7 =	ssub.s32 s7, s9;
	s8 =	sadd.s32 s8, s2  }
0xc: {  	s10 =	sadd.s32 s10, s15;
	s9 =	sshrl.u32 s15, $0x3;
	s1 =	sadd.s32 s17, s1  }
0xd: {  	s15 =	simm.s32 $0xB;
	s10 =	sshrl.u32 s10, $0x3;
	s19 =	sadd.s32 $0x700, s1  }
0xe: {  	s21 =	sadd.s32 $0x600, s1;
	s22 =	sadd.s32 $0x500, s1;
	s26 =	smax.u32 s7, $0x1  }
0xf: {  	s1 =	sadd.s32 $0x400, s1;
	s7 =	simm.s32 $0x13C00;
	s4 =	sshrl.u32 s4, $0x3  }
0x10: {  	s18 =	sadd.s32 s0, s10;
	s0 =	sadd.s32 s0, s9;
	[dreg:$0xe] =	wrdreg s26  }
0x11: {  	s20 =	sshrl.u32 s19, $0x3;
	s24 =	sshrl.u32 s22, $0x3;
	[dreg:$0xf] =	wrdreg s1  }
0x12: {  	s1 =	sshrl.u32 @p0 s11, $0x3;
	s19 =	simm.s32 $0x13880;
	[dreg:$0xc] =	wrdreg s18  }
0x13: {  	s22 =	simm.s32 $0x50;
	s13 =	sadd.s32 s6, s4;
	[dreg:$0x10] =	wrdreg s1  }
0x14: {  	s26 =	simm.s32 $0x13A80;
	s0 =	sadd.s32 $0x25080, s0;
	[dreg:$0x7] =	wrdreg s13  }
0x15: {  	s10 =	simm.s32 $0x9;
	s25 =	sadd.s32 s24, s6;
	[dreg:$0xd] =	wrdreg s0  }
0x16: {  	s11 =	simm.s32 $0x7;
	s18 =	sshrl.u32 @!p0 s8, $0x3;
	[dreg:$0x6] =	wrdreg s25  }
0x17: {  	s24 =	simm.s32 $0x2;
	s4 =	sadd.s32 $0x20, s13;
	[dreg:$0x12] =	wrdreg s18  }
0x18: {  	s1 =	simm.s32 $0x1B480;
	s16 =	sadd.s32 $0x40, s13;
	[dreg:$0x8] =	wrdreg s4  }
0x19: {  	s8 =	simm.s32 $0x6;
	s14 =	sadd.s32 $0x60, s13;
	[dreg:$0x9] =	wrdreg s16  }
0x1a: {  	s13 =	sadd.s32 $0xF80, s13;
	s0 =	sadd.s32 s20, s6;
	[dreg:$0xa] =	wrdreg s14  }
0x1b: {  	s20 =	simm.s32 $0x13980;
	s25 =	simm.s32 $0x16480;
	[dreg:$0xb] =	wrdreg s13  }
0x1c: {  	s4 =	sshrl.u32 s21, $0x3;
	[dreg:$0x4] =	wrdreg s0;
	s0 =	sshll.u32 @!p0 s12, $0x6  }
0x1d: {  	s21 =	simm.s32 $0x1;
	s13 =	simm.s32 $0xA;
	s14 =	simm.s32 $0x8  }
0x1e: {  	s16 =	simm.s32 $0xC;
	s12 =	simm.s32 $0x0;
	s23 =	sadd.s32 s4, s6  }
0x1f: {  	s31 =	sor.u32 @!p0 $0x1C0D, s0;
	s0 =	simm.s32 $0x13B80;
	[dreg:$0x5] =	wrdreg s23  }
0x20: {  	s4 =	simm.s32 $0x4;
	s23 =	simm.s32 $0x13C80;
	[dreg:$0x11] =	wrdreg s31  }
.LBB2_1:
0x21: {  	[dreg:$0x13] =	wrdreg s12  }
0x22: {  	s9 =	rddreg [dreg:$0x1]  }
0x23: {  	s17 =	simm.s32 @p0 $0x1FCD;
	s12 =	rddreg [dreg:$0x10]  }
0x24: {  	[spmem:s12], [sflag:s17] =	dma.local @p0 [hbm:s9], $0x2080  }
0x25: {  	s17 =	simm.s32 @p0 $0xD  }
0x26: {  	_ =	swait.ge @p0 [sflag:s17], $0x2080  }
0x27: {  	[sflag:s17] =	ssyncset.done @p0 $0x0  }
0x28: {  	[sflag:s17] =	ssyncadd.s32 @p0 $0xFFFFDF80;
	s17 =	simm.s32 @!p0 $0xD  }
0x29: {  	[spmem:s18], [sflag:s31] =	dma.local @!p0 [hbm:s9], $0x2780  }
0x2a: {  	_ =	swait.ge @!p0 [sflag:s17], $0x2780  }
0x2b: {  	[sflag:s17] =	ssyncset.done @!p0 $0x0  }
0x2c: {  	[sflag:s17] =	ssyncadd.s32 @!p0 $0xFFFFD880  }
0x2d: {  	[bflag:$0x0] =	sbarrier.arrive $0xFFFF  }
0x2e: {  	s18 =	rddreg [dreg:$0x7]  }
0x2f: {  	[tilespmem:s19], [sflag:$0x1] =	stream.linear.gather [hbm4b:s18+s3], $0x100, $0x38;
	[tilespmem:$0x1DC80] =	vst v63  }
0x30: {  	s31 =	rddreg [dreg:$0x8]  }
0x31: {  	[tilespmem:s20], [sflag:$0x2] =	stream.linear.gather [hbm4b:s31+s3], $0x100, $0x38;
	[tilespmem:$0x1DC80] =	vst v63  }
0x32: {  	_ =	swait.ge [sflag:s21], $0x100  }
0x33: {  	[sflag:s21] =	ssyncset.done $0x0  }
0x34: {  	[sflag:s21] =	ssyncadd.s32 $0xFFFFFF00  }
0x35: {  	[tilespmem:s23], [sflag:$0x5] =	stream.indirect.gather [hbm4b:s5+s22], $0x80, s19, s22, $0xb8;
	[tilespmem:$0x1DC80] =	vst v63  }
0x36: {  	_ =	swait.ge [sflag:s24], $0x100  }
0x37: {  	[sflag:s24] =	ssyncset.done $0x0  }
0x38: {  	[sflag:s24] =	ssyncadd.s32 $0xFFFFFF00  }
0x39: {  	[tilespmem:s25], [sflag:$0x6] =	stream.indirect.gather [hbm4b:s5+s22], $0x80, s20, s22, $0xb8;
	[tilespmem:$0x1DC80] =	vst v63  }
0x3a: {  	s12 =	rddreg [dreg:$0x9]  }
0x3b: {  	[tilespmem:s26], [sflag:$0x3] =	stream.linear.gather [hbm4b:s12+s3], $0x100, $0x38;
	[tilespmem:$0x1DC80] =	vst v63  }
0x3c: {  	_ =	swait.ge [sflag:s28], $0x100  }
0x3d: {  	[sflag:s28] =	ssyncset.done $0x0  }
0x3e: {  	[sflag:s28] =	ssyncadd.s32 $0xFFFFFF00  }
0x3f: {  	[tilespmem:s29], [sflag:$0x7] =	stream.indirect.gather [hbm4b:s5+s22], $0x80, s26, s22, $0xb8;
	[tilespmem:$0x1DC80] =	vst v63  }
0x40: {  	_ =	swait.ge [sflag:s30], $0x2800  }
0x41: {  	[sflag:s30] =	ssyncset.done $0x0  }
0x42: {  	s18 =	simm.s32 $0x13900;
	[sflag:s30] =	ssyncadd.s32 $0xFFFFD800  }
0x43: {  	[spmem:s2] =	stream.indirect.scatter.add.f32 [tilespmem:s23], [sflag:$0x9], $0x80, s18, s22, $0xb8;
	[tilespmem:$0x1DC80] =	vst v63  }
0x44: {  	s17 =	rddreg [dreg:$0xa]  }
0x45: {  	[tilespmem:s0], [sflag:$0x4] =	stream.linear.gather [hbm4b:s17+s3], $0x100, $0x38;
	[tilespmem:$0x1DC80] =	vst v63  }
0x46: {  	_ =	swait.ge [sflag:s4], $0x100  }
0x47: {  	[sflag:s4] =	ssyncset.done $0x0  }
0x48: {  	[sflag:s4] =	ssyncadd.s32 $0xFFFFFF00  }
0x49: {  	[tilespmem:s1], [sflag:$0x8] =	stream.indirect.gather [hbm4b:s5+s22], $0x80, s0, s22, $0xb8;
	[tilespmem:$0x1DC80] =	vst v63  }
0x4a: {  	_ =	swait.ge [sflag:s8], $0x2800  }
0x4b: {  	[sflag:s8] =	ssyncset.done $0x0  }
0x4c: {  	s31 =	simm.s32 $0x13A00;
	[sflag:s8] =	ssyncadd.s32 $0xFFFFD800  }
0x4d: {  	[spmem:s2] =	stream.indirect.scatter.add.f32 [tilespmem:s25], [sflag:$0xA], $0x80, s31, s22, $0xb8;
	[tilespmem:$0x1DC80] =	vst v63  }
0x4e: {  	_ =	swait.ge [sflag:s10], $0x2800  }
0x4f: {  	s9 =	rddreg [dreg:$0xf]  }
0x50: {  	[sflag:s10] =	ssyncset.done $0x0;
	s12 =	sshrl.u32 s9, $0x3  }
0x51: {  	[sflag:s10] =	ssyncadd.s32 $0xFFFFD800;
	s17 =	sadd.s32 s6, s12  }
0x52: {  	[tilespmem:s19], [sflag:$0x1] =	stream.linear.gather [hbm4b:s17+s3], $0x100, $0x38;
	[tilespmem:$0x1DC80] =	vst v63  }
0x53: {  	_ =	swait.ge [sflag:s21], $0x100  }
0x54: {  	[sflag:s21] =	ssyncset.done $0x0  }
0x55: {  	[sflag:s21] =	ssyncadd.s32 $0xFFFFFF00  }
0x56: {  	[tilespmem:s23], [sflag:$0x5] =	stream.indirect.gather [hbm4b:s5+s22], $0x80, s19, s22, $0xb8;
	[tilespmem:$0x1DC80] =	vst v63  }
0x57: {  	_ =	swait.ge [sflag:s11], $0x2800  }
0x58: {  	[sflag:s11] =	ssyncset.done $0x0  }
0x59: {  	s17 =	simm.s32 $0x13B00;
	[sflag:s11] =	ssyncadd.s32 $0xFFFFD800  }
0x5a: {  	[spmem:s2] =	stream.indirect.scatter.add.f32 [tilespmem:s29], [sflag:$0xB], $0x80, s17, s22, $0xb8;
	[tilespmem:$0x1DC80] =	vst v63  }
0x5b: {  	_ =	swait.ge [sflag:s13], $0x2800  }
0x5c: {  	s31 =	rddreg [dreg:$0x6];
	[sflag:s13] =	ssyncset.done $0x0  }
0x5d: {  	[sflag:s13] =	ssyncadd.s32 $0xFFFFD800;
	s17 =	sadd.s32 $0x0, s31  }
0x5e: {  	[tilespmem:s20], [sflag:$0x2] =	stream.linear.gather [hbm4b:s17+s3], $0x100, $0x38;
	[tilespmem:$0x1DC80] =	vst v63  }
0x5f: {  	_ =	swait.ge [sflag:s24], $0x100  }
0x60: {  	[sflag:s24] =	ssyncset.done $0x0  }
0x61: {  	[sflag:s24] =	ssyncadd.s32 $0xFFFFFF00  }
0x62: {  	[tilespmem:s25], [sflag:$0x6] =	stream.indirect.gather [hbm4b:s5+s22], $0x80, s20, s22, $0xb8;
	[tilespmem:$0x1DC80] =	vst v63  }
0x63: {  	_ =	swait.ge [sflag:s14], $0x2800  }
0x64: {  	[sflag:s14] =	ssyncset.done $0x0  }
0x65: {  	[sflag:s14] =	ssyncadd.s32 $0xFFFFD800  }
0x66: {  	[spmem:s2] =	stream.indirect.scatter.add.f32 [tilespmem:s1], [sflag:$0xC], $0x80, s7, s22, $0xb8;
	[tilespmem:$0x1DC80] =	vst v63  }
0x67: {  	_ =	swait.ge [sflag:s15], $0x2800  }
0x68: {  	s12 =	rddreg [dreg:$0x5];
	[sflag:s15] =	ssyncset.done $0x0  }
0x69: {  	[sflag:s15] =	ssyncadd.s32 $0xFFFFD800;
	s17 =	sadd.s32 $0x0, s12  }
0x6a: {  	[tilespmem:s26], [sflag:$0x3] =	stream.linear.gather [hbm4b:s17+s3], $0x100, $0x38;
	[tilespmem:$0x1DC80] =	vst v63  }
0x6b: {  	_ =	swait.ge [sflag:s28], $0x100  }
0x6c: {  	[sflag:s28] =	ssyncset.done $0x0  }
0x6d: {  	[sflag:s28] =	ssyncadd.s32 $0xFFFFFF00  }
0x6e: {  	[tilespmem:s29], [sflag:$0x7] =	stream.indirect.gather [hbm4b:s5+s22], $0x80, s26, s22, $0xb8;
	[tilespmem:$0x1DC80] =	vst v63  }
0x6f: {  	_ =	swait.ge [sflag:s30], $0x2800  }
0x70: {  	[sflag:s30] =	ssyncset.done $0x0  }
0x71: {  	[sflag:s30] =	ssyncadd.s32 $0xFFFFD800  }
0x72: {  	[spmem:s2] =	stream.indirect.scatter.add.f32 [tilespmem:s23], [sflag:$0x9], $0x80, s18, s22, $0xb8;
	[tilespmem:$0x1DC80] =	vst v63  }
0x73: {  	_ =	swait.ge [sflag:s16], $0x2800  }
0x74: {  	s31 =	rddreg [dreg:$0x4];
	[sflag:s16] =	ssyncset.done $0x0  }
0x75: {  	[sflag:s16] =	ssyncadd.s32 $0xFFFFD800;
	s17 =	sadd.s32 $0x0, s31  }
0x76: {  	[tilespmem:s0], [sflag:$0x4] =	stream.linear.gather [hbm4b:s17+s3], $0x100, $0x38;
	[tilespmem:$0x1DC80] =	vst v63  }
0x77: {  	_ =	swait.ge [sflag:s4], $0x100  }
0x78: {  	[sflag:s4] =	ssyncset.done $0x0  }
0x79: {  	[sflag:s4] =	ssyncadd.s32 $0xFFFFFF00  }
0x7a: {  	[tilespmem:s1], [sflag:$0x8] =	stream.indirect.gather [hbm4b:s5+s22], $0x80, s0, s22, $0xb8;
	[tilespmem:$0x1DC80] =	vst v63  }
0x7b: {  	_ =	swait.ge [sflag:s8], $0x2800  }
0x7c: {  	s12 =	simm.s32 $0x13900;
	[sflag:s8] =	ssyncset.done $0x0  }
0x7d: {  	s18 =	simm.s32 $0x80;
	s17 =	sadd.s32 $0x400, s9;
	[sflag:s8] =	ssyncadd.s32 $0xFFFFD800  }
.LBB2_2:
0x7e: {  	s9 =	simm.s32 $0x13A00  }
0x7f: {  	[spmem:s2] =	stream.indirect.scatter.add.f32 [tilespmem:s25], [sflag:$0xA], $0x80, s9, s22, $0xb8;
	[tilespmem:$0x1DC80] =	vst v63  }
0x80: {  	_ =	swait.ge [sflag:s10], $0x2800  }
0x81: {  	s9 =	sshrl.u32 s17, $0x3;
	[sflag:s10] =	ssyncset.done $0x0  }
0x82: {  	s9 =	sadd.s32 s6, s9;
	[sflag:s10] =	ssyncadd.s32 $0xFFFFD800  }
0x83: {  	[tilespmem:s19], [sflag:$0x1] =	stream.linear.gather [hbm4b:s9+s3], $0x100, $0x38;
	[tilespmem:$0x1DC80] =	vst v63  }
0x84: {  	_ =	swait.ge [sflag:s21], $0x100  }
0x85: {  	[sflag:s21] =	ssyncset.done $0x0  }
0x86: {  	[sflag:s21] =	ssyncadd.s32 $0xFFFFFF00  }
0x87: {  	[tilespmem:s23], [sflag:$0x5] =	stream.indirect.gather [hbm4b:s5+s22], $0x80, s19, s22, $0xb8;
	[tilespmem:$0x1DC80] =	vst v63  }
0x88: {  	_ =	swait.ge [sflag:s11], $0x2800  }
0x89: {  	[sflag:s11] =	ssyncset.done $0x0  }
0x8a: {  	s9 =	simm.s32 $0x13B00;
	[sflag:s11] =	ssyncadd.s32 $0xFFFFD800  }
0x8b: {  	[spmem:s2] =	stream.indirect.scatter.add.f32 [tilespmem:s29], [sflag:$0xB], $0x80, s9, s22, $0xb8;
	[tilespmem:$0x1DC80] =	vst v63  }
0x8c: {  	_ =	swait.ge [sflag:s13], $0x2800  }
0x8d: {  	s31 =	smov.u32 s18;
	s9 =	rddreg [dreg:$0x6];
	[sflag:s13] =	ssyncset.done $0x0  }
0x8e: {  	[sflag:s13] =	ssyncadd.s32 $0xFFFFD800;
	s9 =	sadd.s32 s31, s9  }
0x8f: {  	[tilespmem:s20], [sflag:$0x2] =	stream.linear.gather [hbm4b:s9+s3], $0x100, $0x38;
	[tilespmem:$0x1DC80] =	vst v63  }
0x90: {  	_ =	swait.ge [sflag:s24], $0x100  }
0x91: {  	[sflag:s24] =	ssyncset.done $0x0  }
0x92: {  	[sflag:s24] =	ssyncadd.s32 $0xFFFFFF00  }
0x93: {  	[tilespmem:s25], [sflag:$0x6] =	stream.indirect.gather [hbm4b:s5+s22], $0x80, s20, s22, $0xb8;
	[tilespmem:$0x1DC80] =	vst v63  }
0x94: {  	_ =	swait.ge [sflag:s14], $0x2800  }
0x95: {  	[sflag:s14] =	ssyncset.done $0x0  }
0x96: {  	[sflag:s14] =	ssyncadd.s32 $0xFFFFD800  }
0x97: {  	[spmem:s2] =	stream.indirect.scatter.add.f32 [tilespmem:s1], [sflag:$0xC], $0x80, s7, s22, $0xb8;
	[tilespmem:$0x1DC80] =	vst v63  }
0x98: {  	_ =	swait.ge [sflag:s15], $0x2800  }
0x99: {  	s9 =	rddreg [dreg:$0x5];
	[sflag:s15] =	ssyncset.done $0x0  }
0x9a: {  	[sflag:s15] =	ssyncadd.s32 $0xFFFFD800;
	s9 =	sadd.s32 s31, s9  }
0x9b: {  	[tilespmem:s26], [sflag:$0x3] =	stream.linear.gather [hbm4b:s9+s3], $0x100, $0x38;
	[tilespmem:$0x1DC80] =	vst v63  }
0x9c: {  	_ =	swait.ge [sflag:s28], $0x100  }
0x9d: {  	[sflag:s28] =	ssyncset.done $0x0  }
0x9e: {  	[sflag:s28] =	ssyncadd.s32 $0xFFFFFF00  }
0x9f: {  	[tilespmem:s29], [sflag:$0x7] =	stream.indirect.gather [hbm4b:s5+s22], $0x80, s26, s22, $0xb8;
	[tilespmem:$0x1DC80] =	vst v63  }
0xa0: {  	_ =	swait.ge [sflag:s30], $0x2800  }
0xa1: {  	[sflag:s30] =	ssyncset.done $0x0  }
0xa2: {  	[sflag:s30] =	ssyncadd.s32 $0xFFFFD800  }
0xa3: {  	[spmem:s2] =	stream.indirect.scatter.add.f32 [tilespmem:s23], [sflag:$0x9], $0x80, s12, s22, $0xb8;
	[tilespmem:$0x1DC80] =	vst v63  }
0xa4: {  	_ =	swait.ge [sflag:s16], $0x2800  }
0xa5: {  	s9 =	rddreg [dreg:$0x4];
	[sflag:s16] =	ssyncset.done $0x0  }
0xa6: {  	[sflag:s16] =	ssyncadd.s32 $0xFFFFD800;
	s9 =	sadd.s32 s31, s9  }
0xa7: {  	[tilespmem:s0], [sflag:$0x4] =	stream.linear.gather [hbm4b:s9+s3], $0x100, $0x38;
	[tilespmem:$0x1DC80] =	vst v63  }
0xa8: {  	_ =	swait.ge [sflag:s4], $0x100  }
0xa9: {  	p1 =	sne.s32 s18, $0xE80;
	[sflag:s4] =	ssyncset.done $0x0  }
.Ltmp0:
0xaa: {  	[sflag:s4] =	ssyncadd.s32 $0xFFFFFF00;
	(pc) =	sbr.rel @p1 .LBB2_2-.Ltmp0, $4  }
0xab: {  	[tilespmem:s1], [sflag:$0x8] =	stream.indirect.gather [hbm4b:s5+s22], $0x80, s0, s22, $0xb8;
	[tilespmem:$0x1DC80] =	vst v63  }
0xac: {  	_ =	swait.ge [sflag:s8], $0x2800  }
0xad: {  	[sflag:s8] =	ssyncset.done $0x0  }
0xae: {  	s18 =	sadd.s32 $0x80, s18;
	s17 =	sadd.s32 $0x400, s17;
	[sflag:s8] =	ssyncadd.s32 $0xFFFFD800  }
0xaf: {  	s9 =	simm.s32 $0x13A00  }
0xb0: {  	[spmem:s2] =	stream.indirect.scatter.add.f32 [tilespmem:s25], [sflag:$0xA], $0x80, s9, s22, $0xb8;
	[tilespmem:$0x1DC80] =	vst v63  }
0xb1: {  	_ =	swait.ge [sflag:s10], $0x2800  }
0xb2: {  	[sflag:s10] =	ssyncset.done $0x0  }
0xb3: {  	s17 =	rddreg [dreg:$0xb];
	[sflag:s10] =	ssyncadd.s32 $0xFFFFD800  }
0xb4: {  	[tilespmem:s19], [sflag:$0x1] =	stream.linear.gather [hbm4b:s17+s3], $0x100, $0x38;
	[tilespmem:$0x1DC80] =	vst v63  }
0xb5: {  	_ =	swait.ge [sflag:s21], $0x100  }
0xb6: {  	[sflag:s21] =	ssyncset.done $0x0  }
0xb7: {  	[sflag:s21] =	ssyncadd.s32 $0xFFFFFF00  }
0xb8: {  	[tilespmem:s23], [sflag:$0x5] =	stream.indirect.gather [hbm4b:s5+s22], $0x80, s19, s22, $0xb8;
	[tilespmem:$0x1DC80] =	vst v63  }
0xb9: {  	_ =	swait.ge [sflag:s11], $0x2800  }
0xba: {  	[sflag:s11] =	ssyncset.done $0x0  }
0xbb: {  	s18 =	simm.s32 $0x13B00;
	[sflag:s11] =	ssyncadd.s32 $0xFFFFD800  }
0xbc: {  	[spmem:s2] =	stream.indirect.scatter.add.f32 [tilespmem:s29], [sflag:$0xB], $0x80, s18, s22, $0xb8;
	[tilespmem:$0x1DC80] =	vst v63  }
0xbd: {  	_ =	swait.ge [sflag:s13], $0x2800  }
0xbe: {  	[sflag:s13] =	ssyncset.done $0x0  }
0xbf: {  	[sflag:s13] =	ssyncadd.s32 $0xFFFFD800  }
0xc0: {  	_ =	swait.ge [sflag:s14], $0x2800  }
0xc1: {  	[sflag:s14] =	ssyncset.done $0x0  }
0xc2: {  	[sflag:s14] =	ssyncadd.s32 $0xFFFFD800  }
0xc3: {  	[spmem:s2] =	stream.indirect.scatter.add.f32 [tilespmem:s1], [sflag:$0xC], $0x80, s7, s22, $0xb8;
	[tilespmem:$0x1DC80] =	vst v63  }
0xc4: {  	_ =	swait.ge [sflag:s30], $0x2800  }
0xc5: {  	[sflag:s30] =	ssyncset.done $0x0  }
0xc6: {  	[sflag:s30] =	ssyncadd.s32 $0xFFFFD800  }
0xc7: {  	[spmem:s2] =	stream.indirect.scatter.add.f32 [tilespmem:s23], [sflag:$0x9], $0x80, s12, s22, $0xb8;
	[tilespmem:$0x1DC80] =	vst v63  }
0xc8: {  	_ =	swait.ge [sflag:s15], $0x2800  }
0xc9: {  	[sflag:s15] =	ssyncset.done $0x0  }
0xca: {  	[sflag:s15] =	ssyncadd.s32 $0xFFFFD800  }
0xcb: {  	_ =	swait.ge [sflag:s16], $0x2800  }
0xcc: {  	[sflag:s16] =	ssyncset.done $0x0  }
0xcd: {  	[sflag:s16] =	ssyncadd.s32 $0xFFFFD800  }
0xce: {  	_ =	swait.ge [sflag:s10], $0x2800  }
0xcf: {  	[sflag:s10] =	ssyncset.done $0x0  }
0xd0: {  	[sflag:s10] =	ssyncadd.s32 $0xFFFFD800  }
0xd1: {  	[bflag:$0x0] =	sbarrier.arrive $0xFFFF  }
0xd2: {  	s17 =	rddreg [dreg:$0xd]  }
0xd3: {  	s9 =	simm.s32 @p0 $0x1FCD;
	s12 =	rddreg [dreg:$0x10]  }
0xd4: {  	[hbm:s17], [sflag:s9] =	dma.local @p0 [spmem:s12], $0x2080  }
0xd5: {  	s9 =	simm.s32 @p0 $0xD  }
0xd6: {  	_ =	swait.ge @p0 [sflag:s9], $0x2080  }
0xd7: {  	s31 =	rddreg [dreg:$0x11]  }
0xd8: {  	[sflag:s9] =	ssyncset.done @p0 $0x0;
	s18 =	rddreg [dreg:$0x12]  }
0xd9: {  	[sflag:s9] =	ssyncadd.s32 @p0 $0xFFFFDF80;
	s9 =	rddreg [dreg:$0xc]  }
0xda: {  	[hbm:s9], [sflag:s31] =	dma.local @!p0 [spmem:s18], $0x2780  }
0xdb: {  	s9 =	simm.s32 @!p0 $0xD  }
0xdc: {  	_ =	swait.ge @!p0 [sflag:s9], $0x2780  }
0xdd: {  	s17 =	rddreg [dreg:$0x13]  }
0xde: {  	s12 =	sadd.s32 $0x1, s17;
	s17 =	rddreg [dreg:$0xe]  }
0xdf: {  	p1 =	sne.s32 s12, s17  }
.Ltmp1:
0xe0: {  	_ = 	snop;
	(pc) =	sbr.rel @p1 .LBB2_1-.Ltmp1, $3  }
0xe1: {  	_ =	sdelay $0x1  }
0xe2: {  	[sflag:s9] =	ssyncset.done @!p0 $0x0  }
0xe3: {  	[sflag:s9] =	ssyncadd.s32 @!p0 $0xFFFFD880  }
0xe4: {  	_ =	sfence.sel $0x180000  }
0xe5: {  	[bflag:$0x0] =	sbarrier.arrive $0xFFFF  }
0xe6: {  	_ =	strace $0x9000004A  }
0xe7: {  	s0 =	stileid.u32;
	[bflag:$0x2] =	sbarrier.arrive $0xFFFF  }
0xe8: {  	p0 =	sne.s32 s0, $0x0;
	s0 =	rddreg [dreg:$0x3]  }
0xe9: {  	s0 =	sadd.s32 @!p0 $0x100000, s0  }
0xea: {  	[sflag:s0] =	ssyncadd.tile.s32 @!p0 $0x1;
	_ =	shalt  }
.Lfunc_end2:
_tile_overlayer_lowered:
.L_overlay_start_2:
0xeb: {  	(tag) =	ssettag $0x2  }
0xec: {  	s0 =	rddreg [dreg:$0x0];
	s2 =	stileid.u32  }
0xed: {  	s1 =	rddreg [dreg:$0x1];
	p0 =	sne.s32 s2, $0x0  }
0xee: {  	s3 =	rddreg [dreg:$0x2];
	[bflag:$0x3] =	sbarrier.arrive $0xFFFF;
	s2 =	simm.s32 @!p0 $0x1C0D  }
0xef: {  	[timem:s3], [sflag:s2] =	dma.local @!p0 [hbm:s0], s1  }
0xf0: {  	s0 =	simm.s32 @!p0 $0xD  }
0xf1: {  	_ =	swait.ge @!p0 [sflag:s0], s1  }
0xf2: {  	s1 =	ssub.s32 @!p0 $0x0, s1;
	[sflag:s0] =	ssyncset.done @!p0 $0x0  }
0xf3: {  	[sflag:s0] =	ssyncadd.s32 @!p0 s1  }
0xf4: {  	[bflag:$0x3] =	sbarrier.arrive $0xFFFF  }
0xf5: {  	_ =	shalt  }

</sc_bundles>
